<compile_context>
chip_gen: v7x
topology: tpu7x:2x2x1
jax: 0.10.2.dev20260603
libtpu: 0.0.44.dev20260713+nightly
codegen_flags: <defaults>
</compile_context>

<pallas_src>
import functools

import jax
import jax.numpy as jnp
import numpy as np
from jax import lax
from jax.experimental import pallas as pl
from jax.experimental.pallas import tpu as pltpu
from jax.experimental.pallas import tpu_sc as plsc

B, L, M = 2, 1024, 16
NODE, EDGE, NPE, NRBF, TOPK = 128, 128, 16, 16, 30
MAXREL = 32
SIG = (22.0 - 2.0) / NRBF
TCOLS = 32

_GT = np.array([0,1,18,1,2,13,14,15,16,17,18,1,2,13,14,15,16,17,18,1,2,3,4,5,6,7,8,9,10,11,12,13,14,15,16,17,18,1,2,3,4,5,6,7,8,9,10,11,12,13,14,15,16,17,18,1,2,3,3,3,3,3,3,3,3,3,3,3,3,3,3,3,4,5,6,7,8,9,10,11,12,13,14,15,16,17,18,1,2,3,3,3,3,3,3,3,3,3,3,3,3,3,3,3,4,5,6,7,8,9,10,11,12,13,14,15,16,17,18], dtype=np.int32)
_PT = np.array([0,1,1,2,2,2,2,2,2,2,2,3,3,3,3,3,3,3,3,4,4,4,4,4,4,4,4,4,4,4,4,4,4,4,4,4,4,5,5,5,5,5,5,5,5,5,5,5,5,5,5,5,5,5,5,6,6,6,6,6,6,6,6,6,6,6,6,6,6,6,6,6,6,6,6,6,6,6,6,6,6,6,6,6,6,6,6,7,7,7,7,7,7,7,7,7,7,7,7,7,7,7,7,7,7,7,7,7,7,7,7,7,7,7,7,7,7,7,7], dtype=np.int32)

_OFF = {"N": 0, "C": 3, "O": 6, "Cb": 9, "Ca": 12}
_PAIRS = [("N","N"),("C","C"),("O","O"),("Cb","Cb"),("Ca","N"),("Ca","C"),
          ("Ca","O"),("Ca","Cb"),("N","C"),("N","O"),("N","Cb"),("Cb","C"),
          ("Cb","O"),("O","C"),("N","Ca"),("C","Ca"),("O","Ca"),("Cb","Ca"),
          ("C","N"),("O","N"),("Cb","N"),("C","Cb"),("O","Cb"),("C","O")]

RQ1 = 256
RQ2 = 32
RQ3 = 128
RW4 = 512


def _dist3(ax, ay, az, bx, by, bz):
    d0 = (bx - ax) ** 2
    acc = d0 + (by - ay) ** 2
    acc = acc + (bz - az) ** 2
    return jnp.sqrt(acc + 1e-6)


def _rbf16(d, mu):
    z = (d - mu) / SIG
    return jnp.exp(-(z * z))


def _rbf_packed(dcols, mu_tile):
    rows = dcols[0].shape[0]
    wide = jnp.concatenate(
        [jnp.broadcast_to(d, (rows, NRBF)) for d in dcols], axis=1)
    z = (wide - mu_tile) / SIG
    return jnp.exp(-(z * z))


def _ln(x, g, b):
    m = jnp.mean(x, axis=-1, keepdims=True)
    xm = x - m
    v = jnp.mean(xm * xm, axis=-1, keepdims=True)
    return xm / jnp.sqrt(v + 1e-5) * g + b


def _cross_cols(ax, ay, az, bx, by, bz):
    return (ay * bz - az * by, az * bx - ax * bz, ax * by - ay * bx)


def _prep_topk_body(xr_ref, cat_ref, rf_ref, cf_ref, t_ref, dn_ref, ei_ref,
                    eig_ref):
    bidx = pl.program_id(0)
    xb = xr_ref[0]
    cols = [xb[:, i:i + 1] for i in range(12)]
    nx, ny, nz, cax, cay, caz, cx, cy, cz, ox, oy, oz = cols
    bx, by_, bz = cax - nx, cay - ny, caz - nz
    ccx, ccy, ccz = cx - cax, cy - cay, cz - caz
    ax_, ay_, az_ = _cross_cols(bx, by_, bz, ccx, ccy, ccz)
    cbx = -0.58273431 * ax_ + 0.56802827 * bx - 0.54067466 * ccx + cax
    cby = -0.58273431 * ay_ + 0.56802827 * by_ - 0.54067466 * ccy + cay
    cbz = -0.58273431 * az_ + 0.56802827 * bz - 0.54067466 * ccz + caz
    v1x, v1y, v1z = nx - cax, ny - cay, nz - caz
    v2x, v2y, v2z = cx - cax, cy - cay, cz - caz
    n1 = jnp.sqrt(v1x * v1x + v1y * v1y + v1z * v1z)
    e1x, e1y, e1z = v1x / n1, v1y / n1, v1z / n1
    dotv = e1x * v2x + e1y * v2y + e1z * v2z
    u2x, u2y, u2z = v2x - e1x * dotv, v2y - e1y * dotv, v2z - e1z * dotv
    n2 = jnp.sqrt(u2x * u2x + u2y * u2y + u2z * u2z)
    e2x, e2y, e2z = u2x / n2, u2y / n2, u2z / n2
    e3x, e3y, e3z = _cross_cols(e1x, e1y, e1z, e2x, e2y, e2z)
    pad = jnp.zeros((xb.shape[0], TCOLS - 26), jnp.float32)
    t_ref[0] = jnp.concatenate(
        [nx, ny, nz, cx, cy, cz, ox, oy, oz, cbx, cby, cbz, cax, cay, caz,
         rf_ref[0], cf_ref[0], e1x, e1y, e1z, e2x, e2y, e2z, e3x, e3y, e3z,
         pad], axis=1)

    cat = cat_ref[0]
    d0 = (cax - cat[0:1, :]) ** 2
    acc = d0 + (cay - cat[1:2, :]) ** 2
    acc = acc + (caz - cat[2:3, :]) ** 2
    dmat = jnp.sqrt(acc + 1e-6)

    iota = lax.broadcasted_iota(jnp.int32, dmat.shape, 1)
    vals, idxs = [], []
    arr = dmat
    for _ in range(TOPK):
        m = jnp.max(arr, axis=1, keepdims=True)
        idx = jnp.min(jnp.where(arr == m, iota, jnp.int32(2 ** 30)),
                      axis=1, keepdims=True)
        vals.append(m)
        idxs.append(idx)
        arr = jnp.where(iota == idx, -jnp.inf, arr)
    ei = jnp.concatenate(idxs, axis=1)
    dn_ref[0] = jnp.concatenate(vals, axis=1)
    ei_ref[0] = ei
    eig_ref[0] = ei + bidx * L


def _prep_topk(Xr, CaT, Rf, Cf):
    grid = (B, L // RQ1)
    return pl.pallas_call(
        _prep_topk_body,
        grid=grid,
        in_specs=[
            pl.BlockSpec((1, RQ1, 12), lambda b, q: (b, q, 0)),
            pl.BlockSpec((1, 3, L), lambda b, q: (b, 0, 0)),
            pl.BlockSpec((1, RQ1, 1), lambda b, q: (b, q, 0)),
            pl.BlockSpec((1, RQ1, 1), lambda b, q: (b, q, 0)),
        ],
        out_specs=[
            pl.BlockSpec((1, RQ1, TCOLS), lambda b, q: (b, q, 0)),
            pl.BlockSpec((1, RQ1, TOPK), lambda b, q: (b, q, 0)),
            pl.BlockSpec((1, RQ1, TOPK), lambda b, q: (b, q, 0)),
            pl.BlockSpec((1, RQ1, TOPK), lambda b, q: (b, q, 0)),
        ],
        out_shape=[
            jax.ShapeDtypeStruct((B, L, TCOLS), jnp.float32),
            jax.ShapeDtypeStruct((B, L, TOPK), jnp.float32),
            jax.ShapeDtypeStruct((B, L, TOPK), jnp.int32),
            jax.ShapeDtypeStruct((B, L, TOPK), jnp.int32),
        ],
    )(Xr, CaT, Rf, Cf)


SC_WORKERS = 32
GROWS = B * L * TOPK
GPW = GROWS // SC_WORKERS


def _sc_gather(table2d, idx_flat):
    @functools.partial(
        pl.kernel,
        mesh=plsc.VectorSubcoreMesh(core_axis_name="c", subcore_axis_name="s"),
        compiler_params=pltpu.CompilerParams(use_tc_tiling_on_sc=False),
        out_type=jax.ShapeDtypeStruct((GROWS, TCOLS), jnp.float32),
        scratch_types=[
            pltpu.VMEM((GPW,), jnp.int32),
            pltpu.VMEM((GPW, TCOLS), jnp.float32),
            pltpu.SemaphoreType.DMA,
        ],
    )
    def gather_kernel(table_hbm, idx_hbm, out_hbm, idx_v, rows_v, sem):
        wid = lax.axis_index("s") * 2 + lax.axis_index("c")
        base = wid * GPW
        pltpu.sync_copy(idx_hbm.at[pl.ds(base, GPW)], idx_v)
        pltpu.async_copy(table_hbm.at[idx_v], rows_v, sem).wait()
        pltpu.sync_copy(rows_v, out_hbm.at[pl.ds(base, GPW)])

    return gather_kernel(table2d, idx_flat)


def _edge_body(g_ref, dn_ref, trep_ref, mu_ref, wpos_ref,
               bpos_ref, wedge_ref, bedge_ref, ge_ref, bee_ref, out_ref):
    rows = g_ref.shape[0]
    mu = mu_ref[...]
    g = g_ref[...]
    ti = trep_ref[...]

    off = ti[:, 15:16] - g[:, 15:16]
    same = ti[:, 16:17] == g[:, 16:17]
    dpos = jnp.clip(off + float(MAXREL), 0.0, float(2 * MAXREL))
    dpos = jnp.where(same, dpos, float(2 * MAXREL + 1)).astype(jnp.int32)
    i66 = lax.broadcasted_iota(jnp.int32, (rows, 2 * MAXREL + 2), 1)
    oh66 = (i66 == dpos).astype(jnp.float32)
    epos = jnp.dot(oh66, wpos_ref[...],
                   preferred_element_type=jnp.float32) + bpos_ref[...]

    dcols = [dn_ref[...]]
    for a, bv in _PAIRS:
        oa, ob = _OFF[a], _OFF[bv]
        dcols.append(
            _dist3(ti[:, oa:oa + 1], ti[:, oa + 1:oa + 2], ti[:, oa + 2:oa + 3],
                   g[:, ob:ob + 1], g[:, ob + 1:ob + 2], g[:, ob + 2:ob + 3]))
    feats = jnp.concatenate([epos, _rbf_packed(dcols, mu)], axis=1)
    e = jnp.dot(feats, wedge_ref[...],
                preferred_element_type=jnp.float32) + bedge_ref[...]
    out_ref[...] = _ln(e, ge_ref[...], bee_ref[...])


def _edges(G, dn_flat, Trep, mu, wpos, bpos, wedge, bedge, ge, bee):
    rows = RQ2 * TOPK
    steps = B * L // RQ2
    full = lambda s: (0, 0)
    return pl.pallas_call(
        _edge_body,
        grid=(steps,),
        in_specs=[
            pl.BlockSpec((rows, TCOLS), lambda s: (s, 0)),
            pl.BlockSpec((rows, 1), lambda s: (s, 0)),
            pl.BlockSpec((rows, TCOLS), lambda s: (s, 0)),
            pl.BlockSpec((1, 25 * NRBF), full),
            pl.BlockSpec((2 * MAXREL + 2, NPE), full),
            pl.BlockSpec((1, NPE), full),
            pl.BlockSpec((NPE + 25 * NRBF, EDGE), full),
            pl.BlockSpec((1, EDGE), full),
            pl.BlockSpec((1, EDGE), full),
            pl.BlockSpec((1, EDGE), full),
        ],
        out_specs=pl.BlockSpec((rows, EDGE), lambda s: (s, 0)),
        out_shape=jax.ShapeDtypeStruct((B * L * TOPK, EDGE), jnp.float32),
    )(G, dn_flat, Trep, mu, wpos, bpos, wedge, bedge, ge, bee)


def _node_body(yf_ref, ta_ref, yt_ref, mu_ref, wcomb_ref, btype_ref,
               wnode_ref, bnode_ref, gn_ref, ben_ref, wyn_ref, byn_ref,
               gyn_ref, beyn_ref, v_ref, yn_ref):
    rows = yf_ref.shape[0]
    mu = mu_ref[...]
    ta = ta_ref[...]
    yx, yy, yz = (yf_ref[:, 0:1], yf_ref[:, 1:2], yf_ref[:, 2:3])
    dcols = []
    for o in (0, 12, 3, 6, 9):
        dcols.append(_dist3(ta[:, o:o + 1], ta[:, o + 1:o + 2],
                            ta[:, o + 2:o + 3], yx, yy, yz))
    rbf80 = _rbf_packed(dcols, mu)

    yt = yt_ref[...]
    i120 = lax.broadcasted_iota(jnp.int32, (rows, 120), 1)
    oh = (i120 == yt).astype(jnp.float32)
    ytfeat = jnp.dot(oh, wcomb_ref[...], precision=lax.Precision.HIGHEST,
                     preferred_element_type=jnp.float32) + btype_ref[...]

    wx, wy, wz = yx - ta[:, 12:13], yy - ta[:, 13:14], yz - ta[:, 14:15]
    lv1 = wx * ta[:, 17:18] + wy * ta[:, 18:19] + wz * ta[:, 19:20]
    lv2 = wx * ta[:, 20:21] + wy * ta[:, 21:22] + wz * ta[:, 22:23]
    lv3 = wx * ta[:, 23:24] + wy * ta[:, 24:25] + wz * ta[:, 25:26]
    rxy = jnp.sqrt(lv1 * lv1 + lv2 * lv2 + 1e-8)
    f1 = lv1 / rxy
    f2 = lv2 / rxy
    rxyz = jnp.sqrt(lv1 * lv1 + lv2 * lv2 + lv3 * lv3) + 1e-8
    f3 = rxy / rxyz
    f4 = lv3 / rxyz

    dall = jnp.concatenate([rbf80, ytfeat, f1, f2, f3, f4], axis=1)
    v = jnp.dot(dall, wnode_ref[...],
                preferred_element_type=jnp.float32) + bnode_ref[...]
    v_ref[...] = _ln(v, gn_ref[...], ben_ref[...])
    yn = jnp.dot(oh, wyn_ref[...],
                 preferred_element_type=jnp.float32) + byn_ref[...]
    yn_ref[...] = _ln(yn, gyn_ref[...], beyn_ref[...])


def _nodes(Yf, TA, Ytf, mu, wcomb, btype, wnode, bnode, gn, ben, wyn, byn,
           gyn, beyn):
    rows = RQ3 * M
    steps = B * L // RQ3
    full = lambda s: (0, 0)
    return pl.pallas_call(
        _node_body,
        grid=(steps,),
        in_specs=[
            pl.BlockSpec((rows, 3), lambda s: (s, 0)),
            pl.BlockSpec((rows, TCOLS), lambda s: (s, 0)),
            pl.BlockSpec((rows, 1), lambda s: (s, 0)),
            pl.BlockSpec((1, 5 * NRBF), full),
            pl.BlockSpec((120, 64), full),
            pl.BlockSpec((1, 64), full),
            pl.BlockSpec((5 * NRBF + 64 + 4, NODE), full),
            pl.BlockSpec((1, NODE), full),
            pl.BlockSpec((1, NODE), full),
            pl.BlockSpec((1, NODE), full),
            pl.BlockSpec((120, NODE), full),
            pl.BlockSpec((1, NODE), full),
            pl.BlockSpec((1, NODE), full),
            pl.BlockSpec((1, NODE), full),
        ],
        out_specs=[
            pl.BlockSpec((rows, NODE), lambda s: (s, 0)),
            pl.BlockSpec((rows, NODE), lambda s: (s, 0)),
        ],
        out_shape=[
            jax.ShapeDtypeStruct((B * L * M, NODE), jnp.float32),
            jax.ShapeDtypeStruct((B * L * M, NODE), jnp.float32),
        ],
    )(Yf, TA, Ytf, mu, wcomb, btype, wnode, bnode, gn, ben, wyn, byn, gyn,
      beyn)


def _yedge_body(yf_ref, y48_ref, mu_ref, wblk_ref, bye_ref, gye_ref,
                beye_ref, out_ref):
    mu = mu_ref[...]
    yx, yy, yz = yf_ref[:, 0:1], yf_ref[:, 1:2], yf_ref[:, 2:3]
    y48 = y48_ref[...]
    dcols = []
    for n in range(M):
        dcols.append(
            _dist3(y48[:, 3 * n:3 * n + 1], y48[:, 3 * n + 1:3 * n + 2],
                   y48[:, 3 * n + 2:3 * n + 3], yx, yy, yz))
    r = _rbf_packed(dcols, mu)
    ye = jnp.dot(r, wblk_ref[...],
                 preferred_element_type=jnp.float32)
    gye, beye, bye = gye_ref[...], beye_ref[...], bye_ref[...]
    outs = []
    for n in range(M):
        e = ye[:, n * NODE:(n + 1) * NODE] + bye
        outs.append(_ln(e, gye, beye))
    out_ref[...] = jnp.concatenate(outs, axis=1)


def _yedges(Yf, Y48rep, mu, wblk, bye, gye, beye):
    rows = B * L * M
    steps = rows // RW4
    full = lambda s: (0, 0)
    return pl.pallas_call(
        _yedge_body,
        grid=(steps,),
        in_specs=[
            pl.BlockSpec((RW4, 3), lambda s: (s, 0)),
            pl.BlockSpec((RW4, 3 * M), lambda s: (s, 0)),
            pl.BlockSpec((1, M * NRBF), full),
            pl.BlockSpec((M * NRBF, M * NODE), full),
            pl.BlockSpec((1, NODE), full),
            pl.BlockSpec((1, NODE), full),
            pl.BlockSpec((1, NODE), full),
        ],
        out_specs=pl.BlockSpec((RW4, M * NODE), lambda s: (s, 0)),
        out_shape=jax.ShapeDtypeStruct((rows, M * NODE), jnp.float32),
    )(Yf, Y48rep, mu, wblk, bye, gye, beye)


def kernel(X, Y, Y_m, Y_t, mask, R_idx, chain_labels, params):
    p = params
    f32 = jnp.float32
    Xr = X.reshape(B, L, 12)
    CaT = jnp.transpose(X[:, :, 1, :], (0, 2, 1))
    Rf = R_idx.astype(f32).reshape(B, L, 1)
    Cf = chain_labels.astype(f32).reshape(B, L, 1)
    mu = jnp.linspace(2.0, 22.0, NRBF).astype(f32).reshape(1, NRBF)

    T, Dn, Ei, EiG = _prep_topk(Xr, CaT, Rf, Cf)

    dn_flat = Dn.reshape(B * L * TOPK, 1)
    Trep = jnp.broadcast_to(T[:, :, None, :],
                            (B, L, TOPK, TCOLS)).reshape(B * L * TOPK, TCOLS)
    G = _sc_gather(T.reshape(B * L, TCOLS), EiG.reshape(GROWS))
    bpos = p['b_pos'].reshape(1, NPE)
    E_flat = _edges(G, dn_flat, Trep, jnp.tile(mu, (1, 25)), p['W_pos'], bpos,
                    p['W_edge'], p['b_edge'].reshape(1, EDGE),
                    p['g_e'].reshape(1, EDGE), p['be_e'].reshape(1, EDGE))
    E = E_flat.reshape(B, L, TOPK, EDGE)

    gpad = jnp.concatenate([jnp.asarray(_GT), jnp.zeros((1,), jnp.int32)])
    ppad = jnp.concatenate([jnp.asarray(_PT), jnp.zeros((1,), jnp.int32)])
    wt = p['W_type'].astype(jnp.bfloat16).astype(f32)
    wcomb = wt[:120] + wt[120 + gpad] + wt[139 + ppad]

    Yf = Y.reshape(B * L * M, 3)
    TA = jnp.broadcast_to(T[:, :, None, :],
                          (B, L, M, TCOLS)).reshape(B * L * M, TCOLS)
    Ytf = Y_t.astype(jnp.int32).reshape(B * L * M, 1)
    Vf, Ynf = _nodes(Yf, TA, Ytf, jnp.tile(mu, (1, 5)), wcomb, p['b_type'].reshape(1, 64),
                     p['W_node'], p['b_node'].reshape(1, NODE),
                     p['g_n'].reshape(1, NODE), p['be_n'].reshape(1, NODE),
                     p['W_ynodes'][:120], p['b_ynodes'].reshape(1, NODE),
                     p['g_yn'].reshape(1, NODE), p['be_yn'].reshape(1, NODE))
    V = Vf.reshape(B, L, M, NODE)
    Y_nodes = Ynf.reshape(B, L, M, NODE)

    Y48rep = jnp.broadcast_to(Y.reshape(B, L, 1, 3 * M),
                              (B, L, M, 3 * M)).reshape(B * L * M, 3 * M)
    wblk = jnp.kron(jnp.eye(M, dtype=f32), p['W_yedges'])
    Yef = _yedges(Yf, Y48rep, jnp.tile(mu, (1, M)), wblk,
                  p['b_yedges'].reshape(1, NODE), p['g_ye'].reshape(1, NODE),
                  p['be_ye'].reshape(1, NODE))
    Y_edges = Yef.reshape(B, L, M, M, NODE)

    return V, E, Ei, Y_nodes, Y_edges, Y_m

# --- scband reference (transcript-rebuilt; emitter-appended) ---
"""Pipeline reference for scband-protein-features-ligand-42176578846966 (READ-ONLY COPY).

The authoritative reference and input builder live on the scoring server;
editing this copy changes nothing except your own understanding.
"""

import jax, jax.numpy as jnp
import numpy as np

B, L, M = 2, 1024, 16
NODE, EDGE, NPE, NRBF, TOPK = 128, 128, 16, 16, 30
MAXREL = 32

_G = np.array([0,1,18,1,2,13,14,15,16,17,18,1,2,13,14,15,16,17,18,1,2,3,4,5,6,7,8,9,10,11,12,13,14,15,16,17,18,1,2,3,4,5,6,7,8,9,10,11,12,13,14,15,16,17,18,1,2,3,3,3,3,3,3,3,3,3,3,3,3,3,3,3,4,5,6,7,8,9,10,11,12,13,14,15,16,17,18,1,2,3,3,3,3,3,3,3,3,3,3,3,3,3,3,3,4,5,6,7,8,9,10,11,12,13,14,15,16,17,18], dtype=np.int32)
_P = np.array([0,1,1,2,2,2,2,2,2,2,2,3,3,3,3,3,3,3,3,4,4,4,4,4,4,4,4,4,4,4,4,4,4,4,4,4,4,5,5,5,5,5,5,5,5,5,5,5,5,5,5,5,5,5,5,6,6,6,6,6,6,6,6,6,6,6,6,6,6,6,6,6,6,6,6,6,6,6,6,6,6,6,6,6,6,6,6,7,7,7,7,7,7,7,7,7,7,7,7,7,7,7,7,7,7,7,7,7,7,7,7,7,7,7,7,7,7,7,7], dtype=np.int32)

def _ln(x, g, b, eps=1e-5):
    mu = jnp.mean(x, -1, keepdims=True)
    v = jnp.var(x, -1, keepdims=True)
    return (x - mu) / jnp.sqrt(v + eps) * g + b

def _rbf(D):
    mu = jnp.linspace(2.0, 22.0, NRBF)
    sig = (22.0 - 2.0) / NRBF
    return jnp.exp(-((D[..., None] - mu) / sig) ** 2)

def _get_rbf(A, Bv, E_idx):
    D = jnp.sqrt(jnp.sum((A[:, :, None, :] - Bv[:, None, :, :]) ** 2, -1) + 1e-6)
    Dn = jnp.take_along_axis(D, E_idx, axis=2)
    return _rbf(Dn)

def _angles(A, Bc, Cc, Y):
    v1 = A - Bc
    v2 = Cc - Bc
    e1 = v1 / jnp.linalg.norm(v1, axis=-1, keepdims=True)
    dot = jnp.einsum('bli,bli->bl', e1, v2)[..., None]
    u2 = v2 - e1 * dot
    e2 = u2 / jnp.linalg.norm(u2, axis=-1, keepdims=True)
    e3 = jnp.cross(e1, e2, axis=-1)
    R = jnp.concatenate((e1[..., None], e2[..., None], e3[..., None]), -1)
    lv = jnp.einsum('blqp,blyq->blyp', R, Y - Bc[:, :, None, :])
    rxy = jnp.sqrt(lv[..., 0] ** 2 + lv[..., 1] ** 2 + 1e-8)
    f1 = lv[..., 0] / rxy
    f2 = lv[..., 1] / rxy
    rxyz = jnp.linalg.norm(lv, axis=-1) + 1e-8
    f3 = rxy / rxyz
    f4 = lv[..., 2] / rxyz
    return jnp.stack([f1, f2, f3, f4], -1)

def setup_inputs(seed: int = 0):
    key = jax.random.key(seed)
    ks = jax.random.split(key, 12)
    X = jax.random.normal(ks[0], (B, L, 4, 3), jnp.float32)
    Y = jax.random.normal(ks[1], (B, L, M, 3), jnp.float32)
    Y_m = jnp.ones((B, L, M), jnp.float32)
    Y_t = jax.random.randint(ks[2], (B, L, M), 0, 119)
    mask = jnp.ones((B, L), jnp.float32)
    R_idx = jnp.arange(B * L).reshape(B, L)
    chain_labels = jax.random.randint(ks[3], (B, L), 0, 4)
    def lin(k, i, o):
        return 0.05 * jax.random.normal(k, (i, o), jnp.float32)
    params = {
        'W_pos': lin(ks[4], 2 * MAXREL + 2, NPE), 'b_pos': jnp.zeros((NPE,)),
        'W_edge': lin(ks[5], NPE + 25 * NRBF, EDGE), 'b_edge': jnp.zeros((EDGE,)),
        'W_node': lin(ks[6], 5 * NRBF + 64 + 4, NODE), 'b_node': jnp.zeros((NODE,)),
        'W_type': lin(ks[7], 147, 64), 'b_type': jnp.zeros((64,)),
        'W_ynodes': lin(ks[8], 147, NODE), 'b_ynodes': jnp.zeros((NODE,)),
        'W_yedges': lin(ks[9], NRBF, NODE), 'b_yedges': jnp.zeros((NODE,)),
        'g_e': jnp.ones((EDGE,)), 'be_e': jnp.zeros((EDGE,)),
        'g_n': jnp.ones((NODE,)), 'be_n': jnp.zeros((NODE,)),
        'g_ye': jnp.ones((NODE,)), 'be_ye': jnp.zeros((NODE,)),
        'g_yn': jnp.ones((NODE,)), 'be_yn': jnp.zeros((NODE,)),
    }
    return {'X': X, 'Y': Y, 'Y_m': Y_m, 'Y_t': Y_t, 'mask': mask, 'R_idx': R_idx, 'chain_labels': chain_labels, 'params': params}

def _forward(X, Y, Y_m, mask, params, Y_t, R_idx, chain_labels):
    p = params
    Ca = X[:, :, 1, :]; N = X[:, :, 0, :]; C = X[:, :, 2, :]; O = X[:, :, 3, :]
    b = Ca - N; c = C - Ca
    a = jnp.cross(b, c, axis=-1)
    Cb = -0.58273431 * a + 0.56802827 * b - 0.54067466 * c + Ca
    mask2 = mask[:, None, :] * mask[:, :, None]
    dX = Ca[:, None, :, :] - Ca[:, :, None, :]
    D = mask2 * jnp.sqrt(jnp.sum(dX ** 2, 3) + 1e-6)
    D_max = jnp.max(D, -1, keepdims=True)
    D_adjust = D + (1.0 - mask2) * D_max
    k = min(TOPK, L)
    D_neighbors, E_idx = jax.lax.top_k(D_adjust, k)
    RBF_all = [_rbf(D_neighbors)]
    pairs = [(N, N), (C, C), (O, O), (Cb, Cb), (Ca, N), (Ca, C), (Ca, O), (Ca, Cb), (N, C), (N, O), (N, Cb), (Cb, C), (Cb, O), (O, C), (N, Ca), (C, Ca), (O, Ca), (Cb, Ca), (C, N), (O, N), (Cb, N), (C, Cb), (O, Cb), (C, O)]
    for A_, B_ in pairs:
        RBF_all.append(_get_rbf(A_, B_, E_idx))
    RBF_all = jnp.concatenate(RBF_all, -1)
    offset = R_idx[:, :, None] - R_idx[:, None, :]
    offset = jnp.take_along_axis(offset, E_idx, axis=2)
    d_chains = (chain_labels[:, :, None] - chain_labels[:, None, :] == 0).astype(jnp.int32)
    E_chains = jnp.take_along_axis(d_chains, E_idx, axis=2)
    d = jnp.clip(offset + MAXREL, 0, 2 * MAXREL)
    d = d * E_chains + (1 - E_chains) * (2 * MAXREL + 1)
    d1h = jax.nn.one_hot(d, 2 * MAXREL + 2)
    E_pos = d1h @ p['W_pos'] + p['b_pos']
    E = jnp.concatenate((E_pos, RBF_all), -1)
    E = _ln(E @ p['W_edge'] + p['b_edge'], p['g_e'], p['be_e'])
    Gt = jnp.asarray(_G)[Y_t]; Pt = jnp.asarray(_P)[Y_t]
    Y_t_1hot = jnp.concatenate([jax.nn.one_hot(Y_t, 120), jax.nn.one_hot(Gt, 19), jax.nn.one_hot(Pt, 8)], -1)
    Y_t_feat = Y_t_1hot @ p['W_type'] + p['b_type']
    def dy(A_):
        return _rbf(jnp.sqrt(jnp.sum((A_[:, :, None, :] - Y) ** 2, -1) + 1e-6))
    f_ang = _angles(N, Ca, C, Y)
    D_all = jnp.concatenate((dy(N), dy(Ca), dy(C), dy(O), dy(Cb), Y_t_feat, f_ang), -1)
    V = _ln(D_all @ p['W_node'] + p['b_node'], p['g_n'], p['be_n'])
    Y_e = _rbf(jnp.sqrt(jnp.sum((Y[:, :, :, None, :] - Y[:, :, None, :, :]) ** 2, -1) + 1e-6))
    Y_edges = _ln(Y_e @ p['W_yedges'] + p['b_yedges'], p['g_ye'], p['be_ye'])
    Y_nodes = _ln(jax.nn.one_hot(Y_t, 147) @ p['W_ynodes'] + p['b_ynodes'], p['g_yn'], p['be_yn'])
    return V, E, E_idx, Y_nodes, Y_edges, Y_m

def reference(X, Y, Y_m, Y_t, mask, R_idx, chain_labels, params):
    return _forward(X, Y, Y_m, mask, params, Y_t, R_idx, chain_labels)

if __name__ == "__main__":
    import jax
    _d = setup_inputs()
    print(jax.jit(kernel)(*tuple(_d.values())))

</pallas_src>

<mosaic_0001>
#map = affine_map<(d0, d1) -> (0, 0)>
#map1 = affine_map<(d0, d1) -> (0)>
module attributes {stable_mosaic.version = 14 : i64} {
  func.func @gather_kernel(%arg0: i32, %arg1: i32, %arg2: memref<2048x32xf32, #tpu.memory_space<hbm>>, %arg3: memref<61440xi32, #tpu.memory_space<hbm>>, %arg4: memref<61440x32xf32, #tpu.memory_space<hbm>>, %arg5: memref<1920xi32, #tpu.memory_space<vmem>>, %arg6: memref<1920x32xf32, #tpu.memory_space<vmem>>, %arg7: memref<!tpu.dma_semaphore, #tpu.memory_space<semaphore_mem>>) attributes {dimension_semantics = [#tpu.dimension_semantics<core_parallel>, #tpu.dimension_semantics<subcore_parallel>], iteration_bounds = array<i64: 2, 16>, scalar_prefetch = 0 : i64, scratch_operands = 3 : i64, tpu.core_type = #tpu.core_type<sc_vector_subcore>, window_params = [{transform_indices = #map}, {transform_indices = #map1}, {transform_indices = #map}]} {
    %mul3A = arith.constant 2 : i32
    %mul3A_0 = arith.muli %arg1, %mul3A : i32
    %add3A = arith.addi %mul3A_0, %arg0 : i32
    %mul3A_1 = arith.constant 1920 : i32
    %mul3A_2 = arith.muli %add3A, %mul3A_1 : i32
    "tpu.region"() ({
      %run_scoped3A = tpu.sem_alloc : memref<!tpu.dma_semaphore, #tpu.memory_space<semaphore_mem>>
      %dma_start3A_7 = tpu.memref_slice %arg3[%mul3A_2] : memref<61440xi32, #tpu.memory_space<hbm>> -> memref<1920xi32, #tpu.memory_space<hbm>>
      %dma_start3A_8 = tpu.memref_slice %arg3[%mul3A_2] : memref<61440xi32, #tpu.memory_space<hbm>> -> memref<1920xi32, #tpu.memory_space<hbm>>
      tpu.enqueue_dma source(%dma_start3A_8 : memref<1920xi32, #tpu.memory_space<hbm>>) target(%arg5 : memref<1920xi32, #tpu.memory_space<vmem>>) target_semaphore(%run_scoped3A : memref<!tpu.dma_semaphore, #tpu.memory_space<semaphore_mem>>)
      %dma_wait3A_9 = tpu.memref_slice %arg3[%mul3A_2] : memref<61440xi32, #tpu.memory_space<hbm>> -> memref<1920xi32, #tpu.memory_space<hbm>>
      %dma_wait3A_10 = tpu.memref_slice %arg3[%mul3A_2] : memref<61440xi32, #tpu.memory_space<hbm>> -> memref<1920xi32, #tpu.memory_space<hbm>>
      tpu.wait_dma2 semaphore(%run_scoped3A : memref<!tpu.dma_semaphore, #tpu.memory_space<semaphore_mem>>) src(%dma_wait3A_10 : memref<1920xi32, #tpu.memory_space<hbm>>) dst(%arg5 : memref<1920xi32, #tpu.memory_space<vmem>>)
      tpu.yield
    }) : () -> ()
    %dma_start3A = arith.constant 0 : i32
    %dma_start3A_3 = arith.constant 0 : i32
    %dma_start3A_4 = tpu.memref_slice %arg2[%dma_start3A, %dma_start3A_3] : memref<2048x32xf32, #tpu.memory_space<hbm>> -> memref<2048x32xf32, #tpu.memory_space<hbm>>
    tpu.enqueue_indirect_dma source(%dma_start3A_4 : memref<2048x32xf32, #tpu.memory_space<hbm>>) target(%arg6 : memref<1920x32xf32, #tpu.memory_space<vmem>>) offsets(%arg5 : memref<1920xi32, #tpu.memory_space<vmem>>) semaphore(%arg7 : memref<!tpu.dma_semaphore, #tpu.memory_space<semaphore_mem>>)
    %dma_wait3A = arith.constant 0 : i32
    %dma_wait3A_5 = arith.constant 0 : i32
    %dma_wait3A_6 = tpu.memref_slice %arg2[%dma_wait3A, %dma_wait3A_5] : memref<2048x32xf32, #tpu.memory_space<hbm>> -> memref<2048x32xf32, #tpu.memory_space<hbm>>
    tpu.wait_indirect_dma semaphore(%arg7 : memref<!tpu.dma_semaphore, #tpu.memory_space<semaphore_mem>>) src(%dma_wait3A_6 : memref<2048x32xf32, #tpu.memory_space<hbm>>) dst(%arg6 : memref<1920x32xf32, #tpu.memory_space<vmem>>)
    "tpu.region"() ({
      %run_scoped3A = tpu.sem_alloc : memref<!tpu.dma_semaphore, #tpu.memory_space<semaphore_mem>>
      %dma_start3A_7 = arith.constant 0 : i32
      %dma_start3A_8 = tpu.memref_slice %arg4[%mul3A_2, %dma_start3A_7] : memref<61440x32xf32, #tpu.memory_space<hbm>> -> memref<1920x32xf32, #tpu.memory_space<hbm>>
      %dma_start3A_9 = arith.constant 0 : i32
      %dma_start3A_10 = tpu.memref_slice %arg4[%mul3A_2, %dma_start3A_9] : memref<61440x32xf32, #tpu.memory_space<hbm>> -> memref<1920x32xf32, #tpu.memory_space<hbm>>
      tpu.enqueue_dma source(%arg6 : memref<1920x32xf32, #tpu.memory_space<vmem>>) target(%dma_start3A_10 : memref<1920x32xf32, #tpu.memory_space<hbm>>) target_semaphore(%run_scoped3A : memref<!tpu.dma_semaphore, #tpu.memory_space<semaphore_mem>>)
      %dma_wait3A_11 = arith.constant 0 : i32
      %dma_wait3A_12 = tpu.memref_slice %arg4[%mul3A_2, %dma_wait3A_11] : memref<61440x32xf32, #tpu.memory_space<hbm>> -> memref<1920x32xf32, #tpu.memory_space<hbm>>
      %dma_wait3A_13 = arith.constant 0 : i32
      %dma_wait3A_14 = tpu.memref_slice %arg4[%mul3A_2, %dma_wait3A_13] : memref<61440x32xf32, #tpu.memory_space<hbm>> -> memref<1920x32xf32, #tpu.memory_space<hbm>>
      tpu.wait_dma2 semaphore(%run_scoped3A : memref<!tpu.dma_semaphore, #tpu.memory_space<semaphore_mem>>) src(%arg6 : memref<1920x32xf32, #tpu.memory_space<vmem>>) dst(%dma_wait3A_14 : memref<1920x32xf32, #tpu.memory_space<hbm>>)
      tpu.yield
    }) : () -> ()
    return
  }
}

module attributes {stable_mosaic.version = 14 : i64} {
  func.func @_prep_topk_body(%arg0: i32, %arg1: i32, %arg2: memref<1x256x12xf32, #tpu.memory_space<vmem>>, %arg3: memref<1x3x1024xf32, #tpu.memory_space<vmem>>, %arg4: memref<1x256x1xf32, #tpu.memory_space<vmem>>, %arg5: memref<1x256x1xf32, #tpu.memory_space<vmem>>, %arg6: memref<1x256x32xf32, #tpu.memory_space<vmem>>, %arg7: memref<1x256x30xf32, #tpu.memory_space<vmem>>, %arg8: memref<1x256x30xi32, #tpu.memory_space<vmem>>, %arg9: memref<1x256x30xi32, #tpu.memory_space<vmem>>) attributes {dimension_semantics = [#tpu.dimension_semantics<arbitrary>, #tpu.dimension_semantics<arbitrary>], iteration_bounds = array<i64: 2, 4>, scalar_prefetch = 0 : i64, scratch_operands = 0 : i64, tpu.core_type = #tpu.core_type<tc>, window_params = [{transform_indices = @transform_0, window_bounds = array<i64: 1, 256, 12>}, {transform_indices = @transform_1, window_bounds = array<i64: 1, 3, 1024>}, {transform_indices = @transform_2, window_bounds = array<i64: 1, 256, 1>}, {transform_indices = @transform_3, window_bounds = array<i64: 1, 256, 1>}, {transform_indices = @transform_4, window_bounds = array<i64: 1, 256, 32>}, {transform_indices = @transform_5, window_bounds = array<i64: 1, 256, 30>}, {transform_indices = @transform_6, window_bounds = array<i64: 1, 256, 30>}, {transform_indices = @transform_7, window_bounds = array<i64: 1, 256, 30>}]} {
    %get3A = arith.constant 0 : index
    %get3A_0 = arith.constant 0 : index
    %get3A_1 = arith.constant 0 : index
    %get3A_2 = vector.load %arg2[%get3A, %get3A_0, %get3A_1] : memref<1x256x12xf32, #tpu.memory_space<vmem>>, vector<1x256x12xf32>
    %get3A_3 = vector.shape_cast %get3A_2 : vector<1x256x12xf32> to vector<256x12xf32>
    %slice3A = vector.extract_strided_slice %get3A_3 {offsets = [0, 0], sizes = [256, 1], strides = [1, 1]} : vector<256x12xf32> to vector<256x1xf32>
    %slice3A_4 = vector.extract_strided_slice %get3A_3 {offsets = [0, 1], sizes = [256, 1], strides = [1, 1]} : vector<256x12xf32> to vector<256x1xf32>
    %slice3A_5 = vector.extract_strided_slice %get3A_3 {offsets = [0, 2], sizes = [256, 1], strides = [1, 1]} : vector<256x12xf32> to vector<256x1xf32>
    %slice3A_6 = vector.extract_strided_slice %get3A_3 {offsets = [0, 3], sizes = [256, 1], strides = [1, 1]} : vector<256x12xf32> to vector<256x1xf32>
    %slice3A_7 = vector.extract_strided_slice %get3A_3 {offsets = [0, 4], sizes = [256, 1], strides = [1, 1]} : vector<256x12xf32> to vector<256x1xf32>
    %slice3A_8 = vector.extract_strided_slice %get3A_3 {offsets = [0, 5], sizes = [256, 1], strides = [1, 1]} : vector<256x12xf32> to vector<256x1xf32>
    %slice3A_9 = vector.extract_strided_slice %get3A_3 {offsets = [0, 6], sizes = [256, 1], strides = [1, 1]} : vector<256x12xf32> to vector<256x1xf32>
    %slice3A_10 = vector.extract_strided_slice %get3A_3 {offsets = [0, 7], sizes = [256, 1], strides = [1, 1]} : vector<256x12xf32> to vector<256x1xf32>
    %slice3A_11 = vector.extract_strided_slice %get3A_3 {offsets = [0, 8], sizes = [256, 1], strides = [1, 1]} : vector<256x12xf32> to vector<256x1xf32>
    %slice3A_12 = vector.extract_strided_slice %get3A_3 {offsets = [0, 9], sizes = [256, 1], strides = [1, 1]} : vector<256x12xf32> to vector<256x1xf32>
    %slice3A_13 = vector.extract_strided_slice %get3A_3 {offsets = [0, 10], sizes = [256, 1], strides = [1, 1]} : vector<256x12xf32> to vector<256x1xf32>
    %slice3A_14 = vector.extract_strided_slice %get3A_3 {offsets = [0, 11], sizes = [256, 1], strides = [1, 1]} : vector<256x12xf32> to vector<256x1xf32>
    %sub3A = arith.subf %slice3A_6, %slice3A : vector<256x1xf32>
    %sub3A_15 = arith.subf %slice3A_7, %slice3A_4 : vector<256x1xf32>
    %sub3A_16 = arith.subf %slice3A_8, %slice3A_5 : vector<256x1xf32>
    %sub3A_17 = arith.subf %slice3A_9, %slice3A_6 : vector<256x1xf32>
    %sub3A_18 = arith.subf %slice3A_10, %slice3A_7 : vector<256x1xf32>
    %sub3A_19 = arith.subf %slice3A_11, %slice3A_8 : vector<256x1xf32>
    %mul3A = arith.mulf %sub3A_15, %sub3A_19 : vector<256x1xf32>
    %mul3A_20 = arith.mulf %sub3A_16, %sub3A_18 : vector<256x1xf32>
    %sub3A_21 = arith.subf %mul3A, %mul3A_20 : vector<256x1xf32>
    %mul3A_22 = arith.mulf %sub3A_16, %sub3A_17 : vector<256x1xf32>
    %mul3A_23 = arith.mulf %sub3A, %sub3A_19 : vector<256x1xf32>
    %sub3A_24 = arith.subf %mul3A_22, %mul3A_23 : vector<256x1xf32>
    %mul3A_25 = arith.mulf %sub3A, %sub3A_18 : vector<256x1xf32>
    %mul3A_26 = arith.mulf %sub3A_15, %sub3A_17 : vector<256x1xf32>
    %sub3A_27 = arith.subf %mul3A_25, %mul3A_26 : vector<256x1xf32>
    %mul3A_28 = arith.constant -0.582734287 : f32
    %mul3A_29 = vector.broadcast %mul3A_28 : f32 to vector<256x1xf32>
    %mul3A_30 = arith.mulf %mul3A_29, %sub3A_21 : vector<256x1xf32>
    %mul3A_31 = arith.constant 0.568028271 : f32
    %mul3A_32 = vector.broadcast %mul3A_31 : f32 to vector<256x1xf32>
    %mul3A_33 = arith.mulf %mul3A_32, %sub3A : vector<256x1xf32>
    %add3A = arith.addf %mul3A_30, %mul3A_33 : vector<256x1xf32>
    %mul3A_34 = arith.constant 0.540674686 : f32
    %mul3A_35 = vector.broadcast %mul3A_34 : f32 to vector<256x1xf32>
    %mul3A_36 = arith.mulf %mul3A_35, %sub3A_17 : vector<256x1xf32>
    %sub3A_37 = arith.subf %add3A, %mul3A_36 : vector<256x1xf32>
    %add3A_38 = arith.addf %sub3A_37, %slice3A_6 : vector<256x1xf32>
    %mul3A_39 = arith.constant -0.582734287 : f32
    %mul3A_40 = vector.broadcast %mul3A_39 : f32 to vector<256x1xf32>
    %mul3A_41 = arith.mulf %mul3A_40, %sub3A_24 : vector<256x1xf32>
    %mul3A_42 = arith.constant 0.568028271 : f32
    %mul3A_43 = vector.broadcast %mul3A_42 : f32 to vector<256x1xf32>
    %mul3A_44 = arith.mulf %mul3A_43, %sub3A_15 : vector<256x1xf32>
    %add3A_45 = arith.addf %mul3A_41, %mul3A_44 : vector<256x1xf32>
    %mul3A_46 = arith.constant 0.540674686 : f32
    %mul3A_47 = vector.broadcast %mul3A_46 : f32 to vector<256x1xf32>
    %mul3A_48 = arith.mulf %mul3A_47, %sub3A_18 : vector<256x1xf32>
    %sub3A_49 = arith.subf %add3A_45, %mul3A_48 : vector<256x1xf32>
    %add3A_50 = arith.addf %sub3A_49, %slice3A_7 : vector<256x1xf32>
    %mul3A_51 = arith.constant -0.582734287 : f32
    %mul3A_52 = vector.broadcast %mul3A_51 : f32 to vector<256x1xf32>
    %mul3A_53 = arith.mulf %mul3A_52, %sub3A_27 : vector<256x1xf32>
    %mul3A_54 = arith.constant 0.568028271 : f32
    %mul3A_55 = vector.broadcast %mul3A_54 : f32 to vector<256x1xf32>
    %mul3A_56 = arith.mulf %mul3A_55, %sub3A_16 : vector<256x1xf32>
    %add3A_57 = arith.addf %mul3A_53, %mul3A_56 : vector<256x1xf32>
    %mul3A_58 = arith.constant 0.540674686 : f32
    %mul3A_59 = vector.broadcast %mul3A_58 : f32 to vector<256x1xf32>
    %mul3A_60 = arith.mulf %mul3A_59, %sub3A_19 : vector<256x1xf32>
    %sub3A_61 = arith.subf %add3A_57, %mul3A_60 : vector<256x1xf32>
    %add3A_62 = arith.addf %sub3A_61, %slice3A_8 : vector<256x1xf32>
    %sub3A_63 = arith.subf %slice3A, %slice3A_6 : vector<256x1xf32>
    %sub3A_64 = arith.subf %slice3A_4, %slice3A_7 : vector<256x1xf32>
    %sub3A_65 = arith.subf %slice3A_5, %slice3A_8 : vector<256x1xf32>
    %sub3A_66 = arith.subf %slice3A_9, %slice3A_6 : vector<256x1xf32>
    %sub3A_67 = arith.subf %slice3A_10, %slice3A_7 : vector<256x1xf32>
    %sub3A_68 = arith.subf %slice3A_11, %slice3A_8 : vector<256x1xf32>
    %mul3A_69 = arith.mulf %sub3A_63, %sub3A_63 : vector<256x1xf32>
    %mul3A_70 = arith.mulf %sub3A_64, %sub3A_64 : vector<256x1xf32>
    %add3A_71 = arith.addf %mul3A_69, %mul3A_70 : vector<256x1xf32>
    %mul3A_72 = arith.mulf %sub3A_65, %sub3A_65 : vector<256x1xf32>
    %add3A_73 = arith.addf %add3A_71, %mul3A_72 : vector<256x1xf32>
    %sqrt3A = math.sqrt %add3A_73 : vector<256x1xf32>
    %div3A = arith.divf %sub3A_63, %sqrt3A : vector<256x1xf32>
    %div3A_74 = arith.divf %sub3A_64, %sqrt3A : vector<256x1xf32>
    %div3A_75 = arith.divf %sub3A_65, %sqrt3A : vector<256x1xf32>
    %mul3A_76 = arith.mulf %div3A, %sub3A_66 : vector<256x1xf32>
    %mul3A_77 = arith.mulf %div3A_74, %sub3A_67 : vector<256x1xf32>
    %add3A_78 = arith.addf %mul3A_76, %mul3A_77 : vector<256x1xf32>
    %mul3A_79 = arith.mulf %div3A_75, %sub3A_68 : vector<256x1xf32>
    %add3A_80 = arith.addf %add3A_78, %mul3A_79 : vector<256x1xf32>
    %mul3A_81 = arith.mulf %div3A, %add3A_80 : vector<256x1xf32>
    %sub3A_82 = arith.subf %sub3A_66, %mul3A_81 : vector<256x1xf32>
    %mul3A_83 = arith.mulf %div3A_74, %add3A_80 : vector<256x1xf32>
    %sub3A_84 = arith.subf %sub3A_67, %mul3A_83 : vector<256x1xf32>
    %mul3A_85 = arith.mulf %div3A_75, %add3A_80 : vector<256x1xf32>
    %sub3A_86 = arith.subf %sub3A_68, %mul3A_85 : vector<256x1xf32>
    %mul3A_87 = arith.mulf %sub3A_82, %sub3A_82 : vector<256x1xf32>
    %mul3A_88 = arith.mulf %sub3A_84, %sub3A_84 : vector<256x1xf32>
    %add3A_89 = arith.addf %mul3A_87, %mul3A_88 : vector<256x1xf32>
    %mul3A_90 = arith.mulf %sub3A_86, %sub3A_86 : vector<256x1xf32>
    %add3A_91 = arith.addf %add3A_89, %mul3A_90 : vector<256x1xf32>
    %sqrt3A_92 = math.sqrt %add3A_91 : vector<256x1xf32>
    %div3A_93 = arith.divf %sub3A_82, %sqrt3A_92 : vector<256x1xf32>
    %div3A_94 = arith.divf %sub3A_84, %sqrt3A_92 : vector<256x1xf32>
    %div3A_95 = arith.divf %sub3A_86, %sqrt3A_92 : vector<256x1xf32>
    %mul3A_96 = arith.mulf %div3A_74, %div3A_95 : vector<256x1xf32>
    %mul3A_97 = arith.mulf %div3A_75, %div3A_94 : vector<256x1xf32>
    %sub3A_98 = arith.subf %mul3A_96, %mul3A_97 : vector<256x1xf32>
    %mul3A_99 = arith.mulf %div3A_75, %div3A_93 : vector<256x1xf32>
    %mul3A_100 = arith.mulf %div3A, %div3A_95 : vector<256x1xf32>
    %sub3A_101 = arith.subf %mul3A_99, %mul3A_100 : vector<256x1xf32>
    %mul3A_102 = arith.mulf %div3A, %div3A_94 : vector<256x1xf32>
    %mul3A_103 = arith.mulf %div3A_74, %div3A_93 : vector<256x1xf32>
    %sub3A_104 = arith.subf %mul3A_102, %mul3A_103 : vector<256x1xf32>
    %broadcast_in_dim3A = arith.constant 0.000000e+00 : f32
    %broadcast_in_dim3A_105 = vector.broadcast %broadcast_in_dim3A : f32 to vector<256x6xf32>
    %get3A_106 = arith.constant 0 : index
    %get3A_107 = arith.constant 0 : index
    %get3A_108 = arith.constant 0 : index
    %get3A_109 = vector.load %arg4[%get3A_106, %get3A_107, %get3A_108] : memref<1x256x1xf32, #tpu.memory_space<vmem>>, vector<1x256x1xf32>
    %get3A_110 = vector.shape_cast %get3A_109 : vector<1x256x1xf32> to vector<256x1xf32>
    %get3A_111 = arith.constant 0 : index
    %get3A_112 = arith.constant 0 : index
    %get3A_113 = arith.constant 0 : index
    %get3A_114 = vector.load %arg5[%get3A_111, %get3A_112, %get3A_113] : memref<1x256x1xf32, #tpu.memory_space<vmem>>, vector<1x256x1xf32>
    %get3A_115 = vector.shape_cast %get3A_114 : vector<1x256x1xf32> to vector<256x1xf32>
    %concatenate3A = tpu.concatenate %slice3A, %slice3A_4, %slice3A_5, %slice3A_9, %slice3A_10, %slice3A_11, %slice3A_12, %slice3A_13, %slice3A_14, %add3A_38, %add3A_50, %add3A_62, %slice3A_6, %slice3A_7, %slice3A_8, %get3A_110, %get3A_115, %div3A, %div3A_74, %div3A_75, %div3A_93, %div3A_94, %div3A_95, %sub3A_98, %sub3A_101, %sub3A_104, %broadcast_in_dim3A_105 in 1 : vector<256x1xf32>, vector<256x1xf32>, vector<256x1xf32>, vector<256x1xf32>, vector<256x1xf32>, vector<256x1xf32>, vector<256x1xf32>, vector<256x1xf32>, vector<256x1xf32>, vector<256x1xf32>, vector<256x1xf32>, vector<256x1xf32>, vector<256x1xf32>, vector<256x1xf32>, vector<256x1xf32>, vector<256x1xf32>, vector<256x1xf32>, vector<256x1xf32>, vector<256x1xf32>, vector<256x1xf32>, vector<256x1xf32>, vector<256x1xf32>, vector<256x1xf32>, vector<256x1xf32>, vector<256x1xf32>, vector<256x1xf32>, vector<256x6xf32> -> vector<256x32xf32>
    %swap3A = arith.constant 0 : index
    %swap3A_116 = arith.constant 0 : index
    %swap3A_117 = arith.constant 0 : index
    %swap3A_118 = vector.load %arg6[%swap3A, %swap3A_116, %swap3A_117] : memref<1x256x32xf32, #tpu.memory_space<vmem>>, vector<1x256x32xf32>
    %swap3A_119 = vector.shape_cast %swap3A_118 : vector<1x256x32xf32> to vector<256x32xf32>
    %swap3A_120 = vector.shape_cast %concatenate3A : vector<256x32xf32> to vector<1x256x32xf32>
    tpu.vector_store %arg6[%swap3A, %swap3A_116, %swap3A_117], %swap3A_120 {strides = array<i32>} : memref<1x256x32xf32, #tpu.memory_space<vmem>>, vector<1x256x32xf32>,
    %get3A_121 = arith.constant 0 : index
    %get3A_122 = arith.constant 0 : index
    %get3A_123 = arith.constant 0 : index
    %get3A_124 = vector.load %arg3[%get3A_121, %get3A_122, %get3A_123] : memref<1x3x1024xf32, #tpu.memory_space<vmem>>, vector<1x3x1024xf32>
    %get3A_125 = vector.shape_cast %get3A_124 : vector<1x3x1024xf32> to vector<3x1024xf32>
    %slice3A_126 = vector.extract_strided_slice %get3A_125 {offsets = [0, 0], sizes = [1, 1024], strides = [1, 1]} : vector<3x1024xf32> to vector<1x1024xf32>
    %sub3A_127 = vector.broadcast %slice3A_6 : vector<256x1xf32> to vector<256x1024xf32>
    %sub3A_128 = vector.broadcast %slice3A_126 : vector<1x1024xf32> to vector<256x1024xf32>
    %sub3A_129 = arith.subf %sub3A_127, %sub3A_128 : vector<256x1024xf32>
    %integer_pow3A = arith.mulf %sub3A_129, %sub3A_129 : vector<256x1024xf32>
    %slice3A_130 = vector.extract_strided_slice %get3A_125 {offsets = [1, 0], sizes = [1, 1024], strides = [1, 1]} : vector<3x1024xf32> to vector<1x1024xf32>
    %sub3A_131 = vector.broadcast %slice3A_7 : vector<256x1xf32> to vector<256x1024xf32>
    %sub3A_132 = vector.broadcast %slice3A_130 : vector<1x1024xf32> to vector<256x1024xf32>
    %sub3A_133 = arith.subf %sub3A_131, %sub3A_132 : vector<256x1024xf32>
    %integer_pow3A_134 = arith.mulf %sub3A_133, %sub3A_133 : vector<256x1024xf32>
    %add3A_135 = arith.addf %integer_pow3A, %integer_pow3A_134 : vector<256x1024xf32>
    %slice3A_136 = vector.extract_strided_slice %get3A_125 {offsets = [2, 0], sizes = [1, 1024], strides = [1, 1]} : vector<3x1024xf32> to vector<1x1024xf32>
    %sub3A_137 = vector.broadcast %slice3A_8 : vector<256x1xf32> to vector<256x1024xf32>
    %sub3A_138 = vector.broadcast %slice3A_136 : vector<1x1024xf32> to vector<256x1024xf32>
    %sub3A_139 = arith.subf %sub3A_137, %sub3A_138 : vector<256x1024xf32>
    %integer_pow3A_140 = arith.mulf %sub3A_139, %sub3A_139 : vector<256x1024xf32>
    %add3A_141 = arith.addf %add3A_135, %integer_pow3A_140 : vector<256x1024xf32>
    %add3A_142 = arith.constant 9.99999997E-7 : f32
    %add3A_143 = vector.broadcast %add3A_142 : f32 to vector<256x1024xf32>
    %add3A_144 = arith.addf %add3A_141, %add3A_143 : vector<256x1024xf32>
    %sqrt3A_145 = math.sqrt %add3A_144 : vector<256x1024xf32>
    %iota3A = tpu.iota {dimensions = array<i32: 1>} : vector<256x1024xi32>
    %reduce_max3A = arith.constant dense<0xFF800000> : vector<256xf32>
    %reduce_max3A_146 = vector.multi_reduction <maximumf>, %sqrt3A_145, %reduce_max3A [1] : vector<256x1024xf32> to vector<256xf32>
    %broadcast_in_dim3A_147 = vector.shape_cast %reduce_max3A_146 : vector<256xf32> to vector<256x1xf32>
    %eq3A = vector.broadcast %broadcast_in_dim3A_147 : vector<256x1xf32> to vector<256x1024xf32>
    %eq3A_148 = arith.cmpf oeq, %sqrt3A_145, %eq3A : vector<256x1024xf32>
    %jit3A = arith.constant 1073741824 : i32
    %broadcast_in_dim3A_149 = vector.broadcast %jit3A : i32 to vector<256x1024xi32>
    %select_n3A = arith.select %eq3A_148, %iota3A, %broadcast_in_dim3A_149 : vector<256x1024xi1>, vector<256x1024xi32>
    %reduce_min3A = arith.constant dense<2147483647> : vector<256xi32>
    %reduce_min3A_150 = vector.multi_reduction <minsi>, %select_n3A, %reduce_min3A [1] : vector<256x1024xi32> to vector<256xi32>
    %broadcast_in_dim3A_151 = vector.shape_cast %reduce_min3A_150 : vector<256xi32> to vector<256x1xi32>
    %eq3A_152 = vector.broadcast %broadcast_in_dim3A_151 : vector<256x1xi32> to vector<256x1024xi32>
    %eq3A_153 = arith.cmpi eq, %iota3A, %eq3A_152 : vector<256x1024xi32>
    %jit3A_154 = arith.constant 0xFF800000 : f32
    %broadcast_in_dim3A_155 = vector.broadcast %jit3A_154 : f32 to vector<256x1024xf32>
    %select_n3A_156 = arith.select %eq3A_153, %broadcast_in_dim3A_155, %sqrt3A_145 : vector<256x1024xi1>, vector<256x1024xf32>
    %reduce_max3A_157 = arith.constant dense<0xFF800000> : vector<256xf32>
    %reduce_max3A_158 = vector.multi_reduction <maximumf>, %select_n3A_156, %reduce_max3A_157 [1] : vector<256x1024xf32> to vector<256xf32>
    %broadcast_in_dim3A_159 = vector.shape_cast %reduce_max3A_158 : vector<256xf32> to vector<256x1xf32>
    %eq3A_160 = vector.broadcast %broadcast_in_dim3A_159 : vector<256x1xf32> to vector<256x1024xf32>
    %eq3A_161 = arith.cmpf oeq, %select_n3A_156, %eq3A_160 : vector<256x1024xf32>
    %jit3A_162 = arith.constant 1073741824 : i32
    %broadcast_in_dim3A_163 = vector.broadcast %jit3A_162 : i32 to vector<256x1024xi32>
    %select_n3A_164 = arith.select %eq3A_161, %iota3A, %broadcast_in_dim3A_163 : vector<256x1024xi1>, vector<256x1024xi32>
    %reduce_min3A_165 = arith.constant dense<2147483647> : vector<256xi32>
    %reduce_min3A_166 = vector.multi_reduction <minsi>, %select_n3A_164, %reduce_min3A_165 [1] : vector<256x1024xi32> to vector<256xi32>
    %broadcast_in_dim3A_167 = vector.shape_cast %reduce_min3A_166 : vector<256xi32> to vector<256x1xi32>
    %eq3A_168 = vector.broadcast %broadcast_in_dim3A_167 : vector<256x1xi32> to vector<256x1024xi32>
    %eq3A_169 = arith.cmpi eq, %iota3A, %eq3A_168 : vector<256x1024xi32>
    %jit3A_170 = arith.constant 0xFF800000 : f32
    %broadcast_in_dim3A_171 = vector.broadcast %jit3A_170 : f32 to vector<256x1024xf32>
    %select_n3A_172 = arith.select %eq3A_169, %broadcast_in_dim3A_171, %select_n3A_156 : vector<256x1024xi1>, vector<256x1024xf32>
    %reduce_max3A_173 = arith.constant dense<0xFF800000> : vector<256xf32>
    %reduce_max3A_174 = vector.multi_reduction <maximumf>, %select_n3A_172, %reduce_max3A_173 [1] : vector<256x1024xf32> to vector<256xf32>
    %broadcast_in_dim3A_175 = vector.shape_cast %reduce_max3A_174 : vector<256xf32> to vector<256x1xf32>
    %eq3A_176 = vector.broadcast %broadcast_in_dim3A_175 : vector<256x1xf32> to vector<256x1024xf32>
    %eq3A_177 = arith.cmpf oeq, %select_n3A_172, %eq3A_176 : vector<256x1024xf32>
    %jit3A_178 = arith.constant 1073741824 : i32
    %broadcast_in_dim3A_179 = vector.broadcast %jit3A_178 : i32 to vector<256x1024xi32>
    %select_n3A_180 = arith.select %eq3A_177, %iota3A, %broadcast_in_dim3A_179 : vector<256x1024xi1>, vector<256x1024xi32>
    %reduce_min3A_181 = arith.constant dense<2147483647> : vector<256xi32>
    %reduce_min3A_182 = vector.multi_reduction <minsi>, %select_n3A_180, %reduce_min3A_181 [1] : vector<256x1024xi32> to vector<256xi32>
    %broadcast_in_dim3A_183 = vector.shape_cast %reduce_min3A_182 : vector<256xi32> to vector<256x1xi32>
    %eq3A_184 = vector.broadcast %broadcast_in_dim3A_183 : vector<256x1xi32> to vector<256x1024xi32>
    %eq3A_185 = arith.cmpi eq, %iota3A, %eq3A_184 : vector<256x1024xi32>
    %jit3A_186 = arith.constant 0xFF800000 : f32
    %broadcast_in_dim3A_187 = vector.broadcast %jit3A_186 : f32 to vector<256x1024xf32>
    %select_n3A_188 = arith.select %eq3A_185, %broadcast_in_dim3A_187, %select_n3A_172 : vector<256x1024xi1>, vector<256x1024xf32>
    %reduce_max3A_189 = arith.constant dense<0xFF800000> : vector<256xf32>
    %reduce_max3A_190 = vector.multi_reduction <maximumf>, %select_n3A_188, %reduce_max3A_189 [1] : vector<256x1024xf32> to vector<256xf32>
    %broadcast_in_dim3A_191 = vector.shape_cast %reduce_max3A_190 : vector<256xf32> to vector<256x1xf32>
    %eq3A_192 = vector.broadcast %broadcast_in_dim3A_191 : vector<256x1xf32> to vector<256x1024xf32>
    %eq3A_193 = arith.cmpf oeq, %select_n3A_188, %eq3A_192 : vector<256x1024xf32>
    %jit3A_194 = arith.constant 1073741824 : i32
    %broadcast_in_dim3A_195 = vector.broadcast %jit3A_194 : i32 to vector<256x1024xi32>
    %select_n3A_196 = arith.select %eq3A_193, %iota3A, %broadcast_in_dim3A_195 : vector<256x1024xi1>, vector<256x1024xi32>
    %reduce_min3A_197 = arith.constant dense<2147483647> : vector<256xi32>
    %reduce_min3A_198 = vector.multi_reduction <minsi>, %select_n3A_196, %reduce_min3A_197 [1] : vector<256x1024xi32> to vector<256xi32>
    %broadcast_in_dim3A_199 = vector.shape_cast %reduce_min3A_198 : vector<256xi32> to vector<256x1xi32>
    %eq3A_200 = vector.broadcast %broadcast_in_dim3A_199 : vector<256x1xi32> to vector<256x1024xi32>
    %eq3A_201 = arith.cmpi eq, %iota3A, %eq3A_200 : vector<256x1024xi32>
    %jit3A_202 = arith.constant 0xFF800000 : f32
    %broadcast_in_dim3A_203 = vector.broadcast %jit3A_202 : f32 to vector<256x1024xf32>
    %select_n3A_204 = arith.select %eq3A_201, %broadcast_in_dim3A_203, %select_n3A_188 : vector<256x1024xi1>, vector<256x1024xf32>
    %reduce_max3A_205 = arith.constant dense<0xFF800000> : vector<256xf32>
    %reduce_max3A_206 = vector.multi_reduction <maximumf>, %select_n3A_204, %reduce_max3A_205 [1] : vector<256x1024xf32> to vector<256xf32>
    %broadcast_in_dim3A_207 = vector.shape_cast %reduce_max3A_206 : vector<256xf32> to vector<256x1xf32>
    %eq3A_208 = vector.broadcast %broadcast_in_dim3A_207 : vector<256x1xf32> to vector<256x1024xf32>
    %eq3A_209 = arith.cmpf oeq, %select_n3A_204, %eq3A_208 : vector<256x1024xf32>
    %jit3A_210 = arith.constant 1073741824 : i32
    %broadcast_in_dim3A_211 = vector.broadcast %jit3A_210 : i32 to vector<256x1024xi32>
    %select_n3A_212 = arith.select %eq3A_209, %iota3A, %broadcast_in_dim3A_211 : vector<256x1024xi1>, vector<256x1024xi32>
    %reduce_min3A_213 = arith.constant dense<2147483647> : vector<256xi32>
    %reduce_min3A_214 = vector.multi_reduction <minsi>, %select_n3A_212, %reduce_min3A_213 [1] : vector<256x1024xi32> to vector<256xi32>
    %broadcast_in_dim3A_215 = vector.shape_cast %reduce_min3A_214 : vector<256xi32> to vector<256x1xi32>
    %eq3A_216 = vector.broadcast %broadcast_in_dim3A_215 : vector<256x1xi32> to vector<256x1024xi32>
    %eq3A_217 = arith.cmpi eq, %iota3A, %eq3A_216 : vector<256x1024xi32>
    %jit3A_218 = arith.constant 0xFF800000 : f32
    %broadcast_in_dim3A_219 = vector.broadcast %jit3A_218 : f32 to vector<256x1024xf32>
    %select_n3A_220 = arith.select %eq3A_217, %broadcast_in_dim3A_219, %select_n3A_204 : vector<256x1024xi1>, vector<256x1024xf32>
    %reduce_max3A_221 = arith.constant dense<0xFF800000> : vector<256xf32>
    %reduce_max3A_222 = vector.multi_reduction <maximumf>, %select_n3A_220, %reduce_max3A_221 [1] : vector<256x1024xf32> to vector<256xf32>
    %broadcast_in_dim3A_223 = vector.shape_cast %reduce_max3A_222 : vector<256xf32> to vector<256x1xf32>
    %eq3A_224 = vector.broadcast %broadcast_in_dim3A_223 : vector<256x1xf32> to vector<256x1024xf32>
    %eq3A_225 = arith.cmpf oeq, %select_n3A_220, %eq3A_224 : vector<256x1024xf32>
    %jit3A_226 = arith.constant 1073741824 : i32
    %broadcast_in_dim3A_227 = vector.broadcast %jit3A_226 : i32 to vector<256x1024xi32>
    %select_n3A_228 = arith.select %eq3A_225, %iota3A, %broadcast_in_dim3A_227 : vector<256x1024xi1>, vector<256x1024xi32>
    %reduce_min3A_229 = arith.constant dense<2147483647> : vector<256xi32>
    %reduce_min3A_230 = vector.multi_reduction <minsi>, %select_n3A_228, %reduce_min3A_229 [1] : vector<256x1024xi32> to vector<256xi32>
    %broadcast_in_dim3A_231 = vector.shape_cast %reduce_min3A_230 : vector<256xi32> to vector<256x1xi32>
    %eq3A_232 = vector.broadcast %broadcast_in_dim3A_231 : vector<256x1xi32> to vector<256x1024xi32>
    %eq3A_233 = arith.cmpi eq, %iota3A, %eq3A_232 : vector<256x1024xi32>
    %jit3A_234 = arith.constant 0xFF800000 : f32
    %broadcast_in_dim3A_235 = vector.broadcast %jit3A_234 : f32 to vector<256x1024xf32>
    %select_n3A_236 = arith.select %eq3A_233, %broadcast_in_dim3A_235, %select_n3A_220 : vector<256x1024xi1>, vector<256x1024xf32>
    %reduce_max3A_237 = arith.constant dense<0xFF800000> : vector<256xf32>
    %reduce_max3A_238 = vector.multi_reduction <maximumf>, %select_n3A_236, %reduce_max3A_237 [1] : vector<256x1024xf32> to vector<256xf32>
    %broadcast_in_dim3A_239 = vector.shape_cast %reduce_max3A_238 : vector<256xf32> to vector<256x1xf32>
    %eq3A_240 = vector.broadcast %broadcast_in_dim3A_239 : vector<256x1xf32> to vector<256x1024xf32>
    %eq3A_241 = arith.cmpf oeq, %select_n3A_236, %eq3A_240 : vector<256x1024xf32>
    %jit3A_242 = arith.constant 1073741824 : i32
    %broadcast_in_dim3A_243 = vector.broadcast %jit3A_242 : i32 to vector<256x1024xi32>
    %select_n3A_244 = arith.select %eq3A_241, %iota3A, %broadcast_in_dim3A_243 : vector<256x1024xi1>, vector<256x1024xi32>
    %reduce_min3A_245 = arith.constant dense<2147483647> : vector<256xi32>
    %reduce_min3A_246 = vector.multi_reduction <minsi>, %select_n3A_244, %reduce_min3A_245 [1] : vector<256x1024xi32> to vector<256xi32>
    %broadcast_in_dim3A_247 = vector.shape_cast %reduce_min3A_246 : vector<256xi32> to vector<256x1xi32>
    %eq3A_248 = vector.broadcast %broadcast_in_dim3A_247 : vector<256x1xi32> to vector<256x1024xi32>
    %eq3A_249 = arith.cmpi eq, %iota3A, %eq3A_248 : vector<256x1024xi32>
    %jit3A_250 = arith.constant 0xFF800000 : f32
    %broadcast_in_dim3A_251 = vector.broadcast %jit3A_250 : f32 to vector<256x1024xf32>
    %select_n3A_252 = arith.select %eq3A_249, %broadcast_in_dim3A_251, %select_n3A_236 : vector<256x1024xi1>, vector<256x1024xf32>
    %reduce_max3A_253 = arith.constant dense<0xFF800000> : vector<256xf32>
    %reduce_max3A_254 = vector.multi_reduction <maximumf>, %select_n3A_252, %reduce_max3A_253 [1] : vector<256x1024xf32> to vector<256xf32>
    %broadcast_in_dim3A_255 = vector.shape_cast %reduce_max3A_254 : vector<256xf32> to vector<256x1xf32>
    %eq3A_256 = vector.broadcast %broadcast_in_dim3A_255 : vector<256x1xf32> to vector<256x1024xf32>
    %eq3A_257 = arith.cmpf oeq, %select_n3A_252, %eq3A_256 : vector<256x1024xf32>
    %jit3A_258 = arith.constant 1073741824 : i32
    %broadcast_in_dim3A_259 = vector.broadcast %jit3A_258 : i32 to vector<256x1024xi32>
    %select_n3A_260 = arith.select %eq3A_257, %iota3A, %broadcast_in_dim3A_259 : vector<256x1024xi1>, vector<256x1024xi32>
    %reduce_min3A_261 = arith.constant dense<2147483647> : vector<256xi32>
    %reduce_min3A_262 = vector.multi_reduction <minsi>, %select_n3A_260, %reduce_min3A_261 [1] : vector<256x1024xi32> to vector<256xi32>
    %broadcast_in_dim3A_263 = vector.shape_cast %reduce_min3A_262 : vector<256xi32> to vector<256x1xi32>
    %eq3A_264 = vector.broadcast %broadcast_in_dim3A_263 : vector<256x1xi32> to vector<256x1024xi32>
    %eq3A_265 = arith.cmpi eq, %iota3A, %eq3A_264 : vector<256x1024xi32>
    %jit3A_266 = arith.constant 0xFF800000 : f32
    %broadcast_in_dim3A_267 = vector.broadcast %jit3A_266 : f32 to vector<256x1024xf32>
    %select_n3A_268 = arith.select %eq3A_265, %broadcast_in_dim3A_267, %select_n3A_252 : vector<256x1024xi1>, vector<256x1024xf32>
    %reduce_max3A_269 = arith.constant dense<0xFF800000> : vector<256xf32>
    %reduce_max3A_270 = vector.multi_reduction <maximumf>, %select_n3A_268, %reduce_max3A_269 [1] : vector<256x1024xf32> to vector<256xf32>
    %broadcast_in_dim3A_271 = vector.shape_cast %reduce_max3A_270 : vector<256xf32> to vector<256x1xf32>
    %eq3A_272 = vector.broadcast %broadcast_in_dim3A_271 : vector<256x1xf32> to vector<256x1024xf32>
    %eq3A_273 = arith.cmpf oeq, %select_n3A_268, %eq3A_272 : vector<256x1024xf32>
    %jit3A_274 = arith.constant 1073741824 : i32
    %broadcast_in_dim3A_275 = vector.broadcast %jit3A_274 : i32 to vector<256x1024xi32>
    %select_n3A_276 = arith.select %eq3A_273, %iota3A, %broadcast_in_dim3A_275 : vector<256x1024xi1>, vector<256x1024xi32>
    %reduce_min3A_277 = arith.constant dense<2147483647> : vector<256xi32>
    %reduce_min3A_278 = vector.multi_reduction <minsi>, %select_n3A_276, %reduce_min3A_277 [1] : vector<256x1024xi32> to vector<256xi32>
    %broadcast_in_dim3A_279 = vector.shape_cast %reduce_min3A_278 : vector<256xi32> to vector<256x1xi32>
    %eq3A_280 = vector.broadcast %broadcast_in_dim3A_279 : vector<256x1xi32> to vector<256x1024xi32>
    %eq3A_281 = arith.cmpi eq, %iota3A, %eq3A_280 : vector<256x1024xi32>
    %jit3A_282 = arith.constant 0xFF800000 : f32
    %broadcast_in_dim3A_283 = vector.broadcast %jit3A_282 : f32 to vector<256x1024xf32>
    %select_n3A_284 = arith.select %eq3A_281, %broadcast_in_dim3A_283, %select_n3A_268 : vector<256x1024xi1>, vector<256x1024xf32>
    %reduce_max3A_285 = arith.constant dense<0xFF800000> : vector<256xf32>
    %reduce_max3A_286 = vector.multi_reduction <maximumf>, %select_n3A_284, %reduce_max3A_285 [1] : vector<256x1024xf32> to vector<256xf32>
    %broadcast_in_dim3A_287 = vector.shape_cast %reduce_max3A_286 : vector<256xf32> to vector<256x1xf32>
    %eq3A_288 = vector.broadcast %broadcast_in_dim3A_287 : vector<256x1xf32> to vector<256x1024xf32>
    %eq3A_289 = arith.cmpf oeq, %select_n3A_284, %eq3A_288 : vector<256x1024xf32>
    %jit3A_290 = arith.constant 1073741824 : i32
    %broadcast_in_dim3A_291 = vector.broadcast %jit3A_290 : i32 to vector<256x1024xi32>
    %select_n3A_292 = arith.select %eq3A_289, %iota3A, %broadcast_in_dim3A_291 : vector<256x1024xi1>, vector<256x1024xi32>
    %reduce_min3A_293 = arith.constant dense<2147483647> : vector<256xi32>
    %reduce_min3A_294 = vector.multi_reduction <minsi>, %select_n3A_292, %reduce_min3A_293 [1] : vector<256x1024xi32> to vector<256xi32>
    %broadcast_in_dim3A_295 = vector.shape_cast %reduce_min3A_294 : vector<256xi32> to vector<256x1xi32>
    %eq3A_296 = vector.broadcast %broadcast_in_dim3A_295 : vector<256x1xi32> to vector<256x1024xi32>
    %eq3A_297 = arith.cmpi eq, %iota3A, %eq3A_296 : vector<256x1024xi32>
    %jit3A_298 = arith.constant 0xFF800000 : f32
    %broadcast_in_dim3A_299 = vector.broadcast %jit3A_298 : f32 to vector<256x1024xf32>
    %select_n3A_300 = arith.select %eq3A_297, %broadcast_in_dim3A_299, %select_n3A_284 : vector<256x1024xi1>, vector<256x1024xf32>
    %reduce_max3A_301 = arith.constant dense<0xFF800000> : vector<256xf32>
    %reduce_max3A_302 = vector.multi_reduction <maximumf>, %select_n3A_300, %reduce_max3A_301 [1] : vector<256x1024xf32> to vector<256xf32>
    %broadcast_in_dim3A_303 = vector.shape_cast %reduce_max3A_302 : vector<256xf32> to vector<256x1xf32>
    %eq3A_304 = vector.broadcast %broadcast_in_dim3A_303 : vector<256x1xf32> to vector<256x1024xf32>
    %eq3A_305 = arith.cmpf oeq, %select_n3A_300, %eq3A_304 : vector<256x1024xf32>
    %jit3A_306 = arith.constant 1073741824 : i32
    %broadcast_in_dim3A_307 = vector.broadcast %jit3A_306 : i32 to vector<256x1024xi32>
    %select_n3A_308 = arith.select %eq3A_305, %iota3A, %broadcast_in_dim3A_307 : vector<256x1024xi1>, vector<256x1024xi32>
    %reduce_min3A_309 = arith.constant dense<2147483647> : vector<256xi32>
    %reduce_min3A_310 = vector.multi_reduction <minsi>, %select_n3A_308, %reduce_min3A_309 [1] : vector<256x1024xi32> to vector<256xi32>
    %broadcast_in_dim3A_311 = vector.shape_cast %reduce_min3A_310 : vector<256xi32> to vector<256x1xi32>
    %eq3A_312 = vector.broadcast %broadcast_in_dim3A_311 : vector<256x1xi32> to vector<256x1024xi32>
    %eq3A_313 = arith.cmpi eq, %iota3A, %eq3A_312 : vector<256x1024xi32>
    %jit3A_314 = arith.constant 0xFF800000 : f32
    %broadcast_in_dim3A_315 = vector.broadcast %jit3A_314 : f32 to vector<256x1024xf32>
    %select_n3A_316 = arith.select %eq3A_313, %broadcast_in_dim3A_315, %select_n3A_300 : vector<256x1024xi1>, vector<256x1024xf32>
    %reduce_max3A_317 = arith.constant dense<0xFF800000> : vector<256xf32>
    %reduce_max3A_318 = vector.multi_reduction <maximumf>, %select_n3A_316, %reduce_max3A_317 [1] : vector<256x1024xf32> to vector<256xf32>
    %broadcast_in_dim3A_319 = vector.shape_cast %reduce_max3A_318 : vector<256xf32> to vector<256x1xf32>
    %eq3A_320 = vector.broadcast %broadcast_in_dim3A_319 : vector<256x1xf32> to vector<256x1024xf32>
    %eq3A_321 = arith.cmpf oeq, %select_n3A_316, %eq3A_320 : vector<256x1024xf32>
    %jit3A_322 = arith.constant 1073741824 : i32
    %broadcast_in_dim3A_323 = vector.broadcast %jit3A_322 : i32 to vector<256x1024xi32>
    %select_n3A_324 = arith.select %eq3A_321, %iota3A, %broadcast_in_dim3A_323 : vector<256x1024xi1>, vector<256x1024xi32>
    %reduce_min3A_325 = arith.constant dense<2147483647> : vector<256xi32>
    %reduce_min3A_326 = vector.multi_reduction <minsi>, %select_n3A_324, %reduce_min3A_325 [1] : vector<256x1024xi32> to vector<256xi32>
    %broadcast_in_dim3A_327 = vector.shape_cast %reduce_min3A_326 : vector<256xi32> to vector<256x1xi32>
    %eq3A_328 = vector.broadcast %broadcast_in_dim3A_327 : vector<256x1xi32> to vector<256x1024xi32>
    %eq3A_329 = arith.cmpi eq, %iota3A, %eq3A_328 : vector<256x1024xi32>
    %jit3A_330 = arith.constant 0xFF800000 : f32
    %broadcast_in_dim3A_331 = vector.broadcast %jit3A_330 : f32 to vector<256x1024xf32>
    %select_n3A_332 = arith.select %eq3A_329, %broadcast_in_dim3A_331, %select_n3A_316 : vector<256x1024xi1>, vector<256x1024xf32>
    %reduce_max3A_333 = arith.constant dense<0xFF800000> : vector<256xf32>
    %reduce_max3A_334 = vector.multi_reduction <maximumf>, %select_n3A_332, %reduce_max3A_333 [1] : vector<256x1024xf32> to vector<256xf32>
    %broadcast_in_dim3A_335 = vector.shape_cast %reduce_max3A_334 : vector<256xf32> to vector<256x1xf32>
    %eq3A_336 = vector.broadcast %broadcast_in_dim3A_335 : vector<256x1xf32> to vector<256x1024xf32>
    %eq3A_337 = arith.cmpf oeq, %select_n3A_332, %eq3A_336 : vector<256x1024xf32>
    %jit3A_338 = arith.constant 1073741824 : i32
    %broadcast_in_dim3A_339 = vector.broadcast %jit3A_338 : i32 to vector<256x1024xi32>
    %select_n3A_340 = arith.select %eq3A_337, %iota3A, %broadcast_in_dim3A_339 : vector<256x1024xi1>, vector<256x1024xi32>
    %reduce_min3A_341 = arith.constant dense<2147483647> : vector<256xi32>
    %reduce_min3A_342 = vector.multi_reduction <minsi>, %select_n3A_340, %reduce_min3A_341 [1] : vector<256x1024xi32> to vector<256xi32>
    %broadcast_in_dim3A_343 = vector.shape_cast %reduce_min3A_342 : vector<256xi32> to vector<256x1xi32>
    %eq3A_344 = vector.broadcast %broadcast_in_dim3A_343 : vector<256x1xi32> to vector<256x1024xi32>
    %eq3A_345 = arith.cmpi eq, %iota3A, %eq3A_344 : vector<256x1024xi32>
    %jit3A_346 = arith.constant 0xFF800000 : f32
    %broadcast_in_dim3A_347 = vector.broadcast %jit3A_346 : f32 to vector<256x1024xf32>
    %select_n3A_348 = arith.select %eq3A_345, %broadcast_in_dim3A_347, %select_n3A_332 : vector<256x1024xi1>, vector<256x1024xf32>
    %reduce_max3A_349 = arith.constant dense<0xFF800000> : vector<256xf32>
    %reduce_max3A_350 = vector.multi_reduction <maximumf>, %select_n3A_348, %reduce_max3A_349 [1] : vector<256x1024xf32> to vector<256xf32>
    %broadcast_in_dim3A_351 = vector.shape_cast %reduce_max3A_350 : vector<256xf32> to vector<256x1xf32>
    %eq3A_352 = vector.broadcast %broadcast_in_dim3A_351 : vector<256x1xf32> to vector<256x1024xf32>
    %eq3A_353 = arith.cmpf oeq, %select_n3A_348, %eq3A_352 : vector<256x1024xf32>
    %jit3A_354 = arith.constant 1073741824 : i32
    %broadcast_in_dim3A_355 = vector.broadcast %jit3A_354 : i32 to vector<256x1024xi32>
    %select_n3A_356 = arith.select %eq3A_353, %iota3A, %broadcast_in_dim3A_355 : vector<256x1024xi1>, vector<256x1024xi32>
    %reduce_min3A_357 = arith.constant dense<2147483647> : vector<256xi32>
    %reduce_min3A_358 = vector.multi_reduction <minsi>, %select_n3A_356, %reduce_min3A_357 [1] : vector<256x1024xi32> to vector<256xi32>
    %broadcast_in_dim3A_359 = vector.shape_cast %reduce_min3A_358 : vector<256xi32> to vector<256x1xi32>
    %eq3A_360 = vector.broadcast %broadcast_in_dim3A_359 : vector<256x1xi32> to vector<256x1024xi32>
    %eq3A_361 = arith.cmpi eq, %iota3A, %eq3A_360 : vector<256x1024xi32>
    %jit3A_362 = arith.constant 0xFF800000 : f32
    %broadcast_in_dim3A_363 = vector.broadcast %jit3A_362 : f32 to vector<256x1024xf32>
    %select_n3A_364 = arith.select %eq3A_361, %broadcast_in_dim3A_363, %select_n3A_348 : vector<256x1024xi1>, vector<256x1024xf32>
    %reduce_max3A_365 = arith.constant dense<0xFF800000> : vector<256xf32>
    %reduce_max3A_366 = vector.multi_reduction <maximumf>, %select_n3A_364, %reduce_max3A_365 [1] : vector<256x1024xf32> to vector<256xf32>
    %broadcast_in_dim3A_367 = vector.shape_cast %reduce_max3A_366 : vector<256xf32> to vector<256x1xf32>
    %eq3A_368 = vector.broadcast %broadcast_in_dim3A_367 : vector<256x1xf32> to vector<256x1024xf32>
    %eq3A_369 = arith.cmpf oeq, %select_n3A_364, %eq3A_368 : vector<256x1024xf32>
    %jit3A_370 = arith.constant 1073741824 : i32
    %broadcast_in_dim3A_371 = vector.broadcast %jit3A_370 : i32 to vector<256x1024xi32>
    %select_n3A_372 = arith.select %eq3A_369, %iota3A, %broadcast_in_dim3A_371 : vector<256x1024xi1>, vector<256x1024xi32>
    %reduce_min3A_373 = arith.constant dense<2147483647> : vector<256xi32>
    %reduce_min3A_374 = vector.multi_reduction <minsi>, %select_n3A_372, %reduce_min3A_373 [1] : vector<256x1024xi32> to vector<256xi32>
    %broadcast_in_dim3A_375 = vector.shape_cast %reduce_min3A_374 : vector<256xi32> to vector<256x1xi32>
    %eq3A_376 = vector.broadcast %broadcast_in_dim3A_375 : vector<256x1xi32> to vector<256x1024xi32>
    %eq3A_377 = arith.cmpi eq, %iota3A, %eq3A_376 : vector<256x1024xi32>
    %jit3A_378 = arith.constant 0xFF800000 : f32
    %broadcast_in_dim3A_379 = vector.broadcast %jit3A_378 : f32 to vector<256x1024xf32>
    %select_n3A_380 = arith.select %eq3A_377, %broadcast_in_dim3A_379, %select_n3A_364 : vector<256x1024xi1>, vector<256x1024xf32>
    %reduce_max3A_381 = arith.constant dense<0xFF800000> : vector<256xf32>
    %reduce_max3A_382 = vector.multi_reduction <maximumf>, %select_n3A_380, %reduce_max3A_381 [1] : vector<256x1024xf32> to vector<256xf32>
    %broadcast_in_dim3A_383 = vector.shape_cast %reduce_max3A_382 : vector<256xf32> to vector<256x1xf32>
    %eq3A_384 = vector.broadcast %broadcast_in_dim3A_383 : vector<256x1xf32> to vector<256x1024xf32>
    %eq3A_385 = arith.cmpf oeq, %select_n3A_380, %eq3A_384 : vector<256x1024xf32>
    %jit3A_386 = arith.constant 1073741824 : i32
    %broadcast_in_dim3A_387 = vector.broadcast %jit3A_386 : i32 to vector<256x1024xi32>
    %select_n3A_388 = arith.select %eq3A_385, %iota3A, %broadcast_in_dim3A_387 : vector<256x1024xi1>, vector<256x1024xi32>
    %reduce_min3A_389 = arith.constant dense<2147483647> : vector<256xi32>
    %reduce_min3A_390 = vector.multi_reduction <minsi>, %select_n3A_388, %reduce_min3A_389 [1] : vector<256x1024xi32> to vector<256xi32>
    %broadcast_in_dim3A_391 = vector.shape_cast %reduce_min3A_390 : vector<256xi32> to vector<256x1xi32>
    %eq3A_392 = vector.broadcast %broadcast_in_dim3A_391 : vector<256x1xi32> to vector<256x1024xi32>
    %eq3A_393 = arith.cmpi eq, %iota3A, %eq3A_392 : vector<256x1024xi32>
    %jit3A_394 = arith.constant 0xFF800000 : f32
    %broadcast_in_dim3A_395 = vector.broadcast %jit3A_394 : f32 to vector<256x1024xf32>
    %select_n3A_396 = arith.select %eq3A_393, %broadcast_in_dim3A_395, %select_n3A_380 : vector<256x1024xi1>, vector<256x1024xf32>
    %reduce_max3A_397 = arith.constant dense<0xFF800000> : vector<256xf32>
    %reduce_max3A_398 = vector.multi_reduction <maximumf>, %select_n3A_396, %reduce_max3A_397 [1] : vector<256x1024xf32> to vector<256xf32>
    %broadcast_in_dim3A_399 = vector.shape_cast %reduce_max3A_398 : vector<256xf32> to vector<256x1xf32>
    %eq3A_400 = vector.broadcast %broadcast_in_dim3A_399 : vector<256x1xf32> to vector<256x1024xf32>
    %eq3A_401 = arith.cmpf oeq, %select_n3A_396, %eq3A_400 : vector<256x1024xf32>
    %jit3A_402 = arith.constant 1073741824 : i32
    %broadcast_in_dim3A_403 = vector.broadcast %jit3A_402 : i32 to vector<256x1024xi32>
    %select_n3A_404 = arith.select %eq3A_401, %iota3A, %broadcast_in_dim3A_403 : vector<256x1024xi1>, vector<256x1024xi32>
    %reduce_min3A_405 = arith.constant dense<2147483647> : vector<256xi32>
    %reduce_min3A_406 = vector.multi_reduction <minsi>, %select_n3A_404, %reduce_min3A_405 [1] : vector<256x1024xi32> to vector<256xi32>
    %broadcast_in_dim3A_407 = vector.shape_cast %reduce_min3A_406 : vector<256xi32> to vector<256x1xi32>
    %eq3A_408 = vector.broadcast %broadcast_in_dim3A_407 : vector<256x1xi32> to vector<256x1024xi32>
    %eq3A_409 = arith.cmpi eq, %iota3A, %eq3A_408 : vector<256x1024xi32>
    %jit3A_410 = arith.constant 0xFF800000 : f32
    %broadcast_in_dim3A_411 = vector.broadcast %jit3A_410 : f32 to vector<256x1024xf32>
    %select_n3A_412 = arith.select %eq3A_409, %broadcast_in_dim3A_411, %select_n3A_396 : vector<256x1024xi1>, vector<256x1024xf32>
    %reduce_max3A_413 = arith.constant dense<0xFF800000> : vector<256xf32>
    %reduce_max3A_414 = vector.multi_reduction <maximumf>, %select_n3A_412, %reduce_max3A_413 [1] : vector<256x1024xf32> to vector<256xf32>
    %broadcast_in_dim3A_415 = vector.shape_cast %reduce_max3A_414 : vector<256xf32> to vector<256x1xf32>
    %eq3A_416 = vector.broadcast %broadcast_in_dim3A_415 : vector<256x1xf32> to vector<256x1024xf32>
    %eq3A_417 = arith.cmpf oeq, %select_n3A_412, %eq3A_416 : vector<256x1024xf32>
    %jit3A_418 = arith.constant 1073741824 : i32
    %broadcast_in_dim3A_419 = vector.broadcast %jit3A_418 : i32 to vector<256x1024xi32>
    %select_n3A_420 = arith.select %eq3A_417, %iota3A, %broadcast_in_dim3A_419 : vector<256x1024xi1>, vector<256x1024xi32>
    %reduce_min3A_421 = arith.constant dense<2147483647> : vector<256xi32>
    %reduce_min3A_422 = vector.multi_reduction <minsi>, %select_n3A_420, %reduce_min3A_421 [1] : vector<256x1024xi32> to vector<256xi32>
    %broadcast_in_dim3A_423 = vector.shape_cast %reduce_min3A_422 : vector<256xi32> to vector<256x1xi32>
    %eq3A_424 = vector.broadcast %broadcast_in_dim3A_423 : vector<256x1xi32> to vector<256x1024xi32>
    %eq3A_425 = arith.cmpi eq, %iota3A, %eq3A_424 : vector<256x1024xi32>
    %jit3A_426 = arith.constant 0xFF800000 : f32
    %broadcast_in_dim3A_427 = vector.broadcast %jit3A_426 : f32 to vector<256x1024xf32>
    %select_n3A_428 = arith.select %eq3A_425, %broadcast_in_dim3A_427, %select_n3A_412 : vector<256x1024xi1>, vector<256x1024xf32>
    %reduce_max3A_429 = arith.constant dense<0xFF800000> : vector<256xf32>
    %reduce_max3A_430 = vector.multi_reduction <maximumf>, %select_n3A_428, %reduce_max3A_429 [1] : vector<256x1024xf32> to vector<256xf32>
    %broadcast_in_dim3A_431 = vector.shape_cast %reduce_max3A_430 : vector<256xf32> to vector<256x1xf32>
    %eq3A_432 = vector.broadcast %broadcast_in_dim3A_431 : vector<256x1xf32> to vector<256x1024xf32>
    %eq3A_433 = arith.cmpf oeq, %select_n3A_428, %eq3A_432 : vector<256x1024xf32>
    %jit3A_434 = arith.constant 1073741824 : i32
    %broadcast_in_dim3A_435 = vector.broadcast %jit3A_434 : i32 to vector<256x1024xi32>
    %select_n3A_436 = arith.select %eq3A_433, %iota3A, %broadcast_in_dim3A_435 : vector<256x1024xi1>, vector<256x1024xi32>
    %reduce_min3A_437 = arith.constant dense<2147483647> : vector<256xi32>
    %reduce_min3A_438 = vector.multi_reduction <minsi>, %select_n3A_436, %reduce_min3A_437 [1] : vector<256x1024xi32> to vector<256xi32>
    %broadcast_in_dim3A_439 = vector.shape_cast %reduce_min3A_438 : vector<256xi32> to vector<256x1xi32>
    %eq3A_440 = vector.broadcast %broadcast_in_dim3A_439 : vector<256x1xi32> to vector<256x1024xi32>
    %eq3A_441 = arith.cmpi eq, %iota3A, %eq3A_440 : vector<256x1024xi32>
    %jit3A_442 = arith.constant 0xFF800000 : f32
    %broadcast_in_dim3A_443 = vector.broadcast %jit3A_442 : f32 to vector<256x1024xf32>
    %select_n3A_444 = arith.select %eq3A_441, %broadcast_in_dim3A_443, %select_n3A_428 : vector<256x1024xi1>, vector<256x1024xf32>
    %reduce_max3A_445 = arith.constant dense<0xFF800000> : vector<256xf32>
    %reduce_max3A_446 = vector.multi_reduction <maximumf>, %select_n3A_444, %reduce_max3A_445 [1] : vector<256x1024xf32> to vector<256xf32>
    %broadcast_in_dim3A_447 = vector.shape_cast %reduce_max3A_446 : vector<256xf32> to vector<256x1xf32>
    %eq3A_448 = vector.broadcast %broadcast_in_dim3A_447 : vector<256x1xf32> to vector<256x1024xf32>
    %eq3A_449 = arith.cmpf oeq, %select_n3A_444, %eq3A_448 : vector<256x1024xf32>
    %jit3A_450 = arith.constant 1073741824 : i32
    %broadcast_in_dim3A_451 = vector.broadcast %jit3A_450 : i32 to vector<256x1024xi32>
    %select_n3A_452 = arith.select %eq3A_449, %iota3A, %broadcast_in_dim3A_451 : vector<256x1024xi1>, vector<256x1024xi32>
    %reduce_min3A_453 = arith.constant dense<2147483647> : vector<256xi32>
    %reduce_min3A_454 = vector.multi_reduction <minsi>, %select_n3A_452, %reduce_min3A_453 [1] : vector<256x1024xi32> to vector<256xi32>
    %broadcast_in_dim3A_455 = vector.shape_cast %reduce_min3A_454 : vector<256xi32> to vector<256x1xi32>
    %eq3A_456 = vector.broadcast %broadcast_in_dim3A_455 : vector<256x1xi32> to vector<256x1024xi32>
    %eq3A_457 = arith.cmpi eq, %iota3A, %eq3A_456 : vector<256x1024xi32>
    %jit3A_458 = arith.constant 0xFF800000 : f32
    %broadcast_in_dim3A_459 = vector.broadcast %jit3A_458 : f32 to vector<256x1024xf32>
    %select_n3A_460 = arith.select %eq3A_457, %broadcast_in_dim3A_459, %select_n3A_444 : vector<256x1024xi1>, vector<256x1024xf32>
    %reduce_max3A_461 = arith.constant dense<0xFF800000> : vector<256xf32>
    %reduce_max3A_462 = vector.multi_reduction <maximumf>, %select_n3A_460, %reduce_max3A_461 [1] : vector<256x1024xf32> to vector<256xf32>
    %broadcast_in_dim3A_463 = vector.shape_cast %reduce_max3A_462 : vector<256xf32> to vector<256x1xf32>
    %eq3A_464 = vector.broadcast %broadcast_in_dim3A_463 : vector<256x1xf32> to vector<256x1024xf32>
    %eq3A_465 = arith.cmpf oeq, %select_n3A_460, %eq3A_464 : vector<256x1024xf32>
    %jit3A_466 = arith.constant 1073741824 : i32
    %broadcast_in_dim3A_467 = vector.broadcast %jit3A_466 : i32 to vector<256x1024xi32>
    %select_n3A_468 = arith.select %eq3A_465, %iota3A, %broadcast_in_dim3A_467 : vector<256x1024xi1>, vector<256x1024xi32>
    %reduce_min3A_469 = arith.constant dense<2147483647> : vector<256xi32>
    %reduce_min3A_470 = vector.multi_reduction <minsi>, %select_n3A_468, %reduce_min3A_469 [1] : vector<256x1024xi32> to vector<256xi32>
    %broadcast_in_dim3A_471 = vector.shape_cast %reduce_min3A_470 : vector<256xi32> to vector<256x1xi32>
    %eq3A_472 = vector.broadcast %broadcast_in_dim3A_471 : vector<256x1xi32> to vector<256x1024xi32>
    %eq3A_473 = arith.cmpi eq, %iota3A, %eq3A_472 : vector<256x1024xi32>
    %jit3A_474 = arith.constant 0xFF800000 : f32
    %broadcast_in_dim3A_475 = vector.broadcast %jit3A_474 : f32 to vector<256x1024xf32>
    %select_n3A_476 = arith.select %eq3A_473, %broadcast_in_dim3A_475, %select_n3A_460 : vector<256x1024xi1>, vector<256x1024xf32>
    %reduce_max3A_477 = arith.constant dense<0xFF800000> : vector<256xf32>
    %reduce_max3A_478 = vector.multi_reduction <maximumf>, %select_n3A_476, %reduce_max3A_477 [1] : vector<256x1024xf32> to vector<256xf32>
    %broadcast_in_dim3A_479 = vector.shape_cast %reduce_max3A_478 : vector<256xf32> to vector<256x1xf32>
    %eq3A_480 = vector.broadcast %broadcast_in_dim3A_479 : vector<256x1xf32> to vector<256x1024xf32>
    %eq3A_481 = arith.cmpf oeq, %select_n3A_476, %eq3A_480 : vector<256x1024xf32>
    %jit3A_482 = arith.constant 1073741824 : i32
    %broadcast_in_dim3A_483 = vector.broadcast %jit3A_482 : i32 to vector<256x1024xi32>
    %select_n3A_484 = arith.select %eq3A_481, %iota3A, %broadcast_in_dim3A_483 : vector<256x1024xi1>, vector<256x1024xi32>
    %reduce_min3A_485 = arith.constant dense<2147483647> : vector<256xi32>
    %reduce_min3A_486 = vector.multi_reduction <minsi>, %select_n3A_484, %reduce_min3A_485 [1] : vector<256x1024xi32> to vector<256xi32>
    %broadcast_in_dim3A_487 = vector.shape_cast %reduce_min3A_486 : vector<256xi32> to vector<256x1xi32>
    %eq3A_488 = vector.broadcast %broadcast_in_dim3A_487 : vector<256x1xi32> to vector<256x1024xi32>
    %eq3A_489 = arith.cmpi eq, %iota3A, %eq3A_488 : vector<256x1024xi32>
    %jit3A_490 = arith.constant 0xFF800000 : f32
    %broadcast_in_dim3A_491 = vector.broadcast %jit3A_490 : f32 to vector<256x1024xf32>
    %select_n3A_492 = arith.select %eq3A_489, %broadcast_in_dim3A_491, %select_n3A_476 : vector<256x1024xi1>, vector<256x1024xf32>
    %reduce_max3A_493 = arith.constant dense<0xFF800000> : vector<256xf32>
    %reduce_max3A_494 = vector.multi_reduction <maximumf>, %select_n3A_492, %reduce_max3A_493 [1] : vector<256x1024xf32> to vector<256xf32>
    %broadcast_in_dim3A_495 = vector.shape_cast %reduce_max3A_494 : vector<256xf32> to vector<256x1xf32>
    %eq3A_496 = vector.broadcast %broadcast_in_dim3A_495 : vector<256x1xf32> to vector<256x1024xf32>
    %eq3A_497 = arith.cmpf oeq, %select_n3A_492, %eq3A_496 : vector<256x1024xf32>
    %jit3A_498 = arith.constant 1073741824 : i32
    %broadcast_in_dim3A_499 = vector.broadcast %jit3A_498 : i32 to vector<256x1024xi32>
    %select_n3A_500 = arith.select %eq3A_497, %iota3A, %broadcast_in_dim3A_499 : vector<256x1024xi1>, vector<256x1024xi32>
    %reduce_min3A_501 = arith.constant dense<2147483647> : vector<256xi32>
    %reduce_min3A_502 = vector.multi_reduction <minsi>, %select_n3A_500, %reduce_min3A_501 [1] : vector<256x1024xi32> to vector<256xi32>
    %broadcast_in_dim3A_503 = vector.shape_cast %reduce_min3A_502 : vector<256xi32> to vector<256x1xi32>
    %eq3A_504 = vector.broadcast %broadcast_in_dim3A_503 : vector<256x1xi32> to vector<256x1024xi32>
    %eq3A_505 = arith.cmpi eq, %iota3A, %eq3A_504 : vector<256x1024xi32>
    %jit3A_506 = arith.constant 0xFF800000 : f32
    %broadcast_in_dim3A_507 = vector.broadcast %jit3A_506 : f32 to vector<256x1024xf32>
    %select_n3A_508 = arith.select %eq3A_505, %broadcast_in_dim3A_507, %select_n3A_492 : vector<256x1024xi1>, vector<256x1024xf32>
    %reduce_max3A_509 = arith.constant dense<0xFF800000> : vector<256xf32>
    %reduce_max3A_510 = vector.multi_reduction <maximumf>, %select_n3A_508, %reduce_max3A_509 [1] : vector<256x1024xf32> to vector<256xf32>
    %broadcast_in_dim3A_511 = vector.shape_cast %reduce_max3A_510 : vector<256xf32> to vector<256x1xf32>
    %eq3A_512 = vector.broadcast %broadcast_in_dim3A_511 : vector<256x1xf32> to vector<256x1024xf32>
    %eq3A_513 = arith.cmpf oeq, %select_n3A_508, %eq3A_512 : vector<256x1024xf32>
    %jit3A_514 = arith.constant 1073741824 : i32
    %broadcast_in_dim3A_515 = vector.broadcast %jit3A_514 : i32 to vector<256x1024xi32>
    %select_n3A_516 = arith.select %eq3A_513, %iota3A, %broadcast_in_dim3A_515 : vector<256x1024xi1>, vector<256x1024xi32>
    %reduce_min3A_517 = arith.constant dense<2147483647> : vector<256xi32>
    %reduce_min3A_518 = vector.multi_reduction <minsi>, %select_n3A_516, %reduce_min3A_517 [1] : vector<256x1024xi32> to vector<256xi32>
    %broadcast_in_dim3A_519 = vector.shape_cast %reduce_min3A_518 : vector<256xi32> to vector<256x1xi32>
    %eq3A_520 = vector.broadcast %broadcast_in_dim3A_519 : vector<256x1xi32> to vector<256x1024xi32>
    %eq3A_521 = arith.cmpi eq, %iota3A, %eq3A_520 : vector<256x1024xi32>
    %jit3A_522 = arith.constant 0xFF800000 : f32
    %broadcast_in_dim3A_523 = vector.broadcast %jit3A_522 : f32 to vector<256x1024xf32>
    %select_n3A_524 = arith.select %eq3A_521, %broadcast_in_dim3A_523, %select_n3A_508 : vector<256x1024xi1>, vector<256x1024xf32>
    %reduce_max3A_525 = arith.constant dense<0xFF800000> : vector<256xf32>
    %reduce_max3A_526 = vector.multi_reduction <maximumf>, %select_n3A_524, %reduce_max3A_525 [1] : vector<256x1024xf32> to vector<256xf32>
    %broadcast_in_dim3A_527 = vector.shape_cast %reduce_max3A_526 : vector<256xf32> to vector<256x1xf32>
    %eq3A_528 = vector.broadcast %broadcast_in_dim3A_527 : vector<256x1xf32> to vector<256x1024xf32>
    %eq3A_529 = arith.cmpf oeq, %select_n3A_524, %eq3A_528 : vector<256x1024xf32>
    %jit3A_530 = arith.constant 1073741824 : i32
    %broadcast_in_dim3A_531 = vector.broadcast %jit3A_530 : i32 to vector<256x1024xi32>
    %select_n3A_532 = arith.select %eq3A_529, %iota3A, %broadcast_in_dim3A_531 : vector<256x1024xi1>, vector<256x1024xi32>
    %reduce_min3A_533 = arith.constant dense<2147483647> : vector<256xi32>
    %reduce_min3A_534 = vector.multi_reduction <minsi>, %select_n3A_532, %reduce_min3A_533 [1] : vector<256x1024xi32> to vector<256xi32>
    %broadcast_in_dim3A_535 = vector.shape_cast %reduce_min3A_534 : vector<256xi32> to vector<256x1xi32>
    %eq3A_536 = vector.broadcast %broadcast_in_dim3A_535 : vector<256x1xi32> to vector<256x1024xi32>
    %eq3A_537 = arith.cmpi eq, %iota3A, %eq3A_536 : vector<256x1024xi32>
    %jit3A_538 = arith.constant 0xFF800000 : f32
    %broadcast_in_dim3A_539 = vector.broadcast %jit3A_538 : f32 to vector<256x1024xf32>
    %select_n3A_540 = arith.select %eq3A_537, %broadcast_in_dim3A_539, %select_n3A_524 : vector<256x1024xi1>, vector<256x1024xf32>
    %reduce_max3A_541 = arith.constant dense<0xFF800000> : vector<256xf32>
    %reduce_max3A_542 = vector.multi_reduction <maximumf>, %select_n3A_540, %reduce_max3A_541 [1] : vector<256x1024xf32> to vector<256xf32>
    %broadcast_in_dim3A_543 = vector.shape_cast %reduce_max3A_542 : vector<256xf32> to vector<256x1xf32>
    %eq3A_544 = vector.broadcast %broadcast_in_dim3A_543 : vector<256x1xf32> to vector<256x1024xf32>
    %eq3A_545 = arith.cmpf oeq, %select_n3A_540, %eq3A_544 : vector<256x1024xf32>
    %jit3A_546 = arith.constant 1073741824 : i32
    %broadcast_in_dim3A_547 = vector.broadcast %jit3A_546 : i32 to vector<256x1024xi32>
    %select_n3A_548 = arith.select %eq3A_545, %iota3A, %broadcast_in_dim3A_547 : vector<256x1024xi1>, vector<256x1024xi32>
    %reduce_min3A_549 = arith.constant dense<2147483647> : vector<256xi32>
    %reduce_min3A_550 = vector.multi_reduction <minsi>, %select_n3A_548, %reduce_min3A_549 [1] : vector<256x1024xi32> to vector<256xi32>
    %broadcast_in_dim3A_551 = vector.shape_cast %reduce_min3A_550 : vector<256xi32> to vector<256x1xi32>
    %eq3A_552 = vector.broadcast %broadcast_in_dim3A_551 : vector<256x1xi32> to vector<256x1024xi32>
    %eq3A_553 = arith.cmpi eq, %iota3A, %eq3A_552 : vector<256x1024xi32>
    %jit3A_554 = arith.constant 0xFF800000 : f32
    %broadcast_in_dim3A_555 = vector.broadcast %jit3A_554 : f32 to vector<256x1024xf32>
    %select_n3A_556 = arith.select %eq3A_553, %broadcast_in_dim3A_555, %select_n3A_540 : vector<256x1024xi1>, vector<256x1024xf32>
    %reduce_max3A_557 = arith.constant dense<0xFF800000> : vector<256xf32>
    %reduce_max3A_558 = vector.multi_reduction <maximumf>, %select_n3A_556, %reduce_max3A_557 [1] : vector<256x1024xf32> to vector<256xf32>
    %broadcast_in_dim3A_559 = vector.shape_cast %reduce_max3A_558 : vector<256xf32> to vector<256x1xf32>
    %eq3A_560 = vector.broadcast %broadcast_in_dim3A_559 : vector<256x1xf32> to vector<256x1024xf32>
    %eq3A_561 = arith.cmpf oeq, %select_n3A_556, %eq3A_560 : vector<256x1024xf32>
    %jit3A_562 = arith.constant 1073741824 : i32
    %broadcast_in_dim3A_563 = vector.broadcast %jit3A_562 : i32 to vector<256x1024xi32>
    %select_n3A_564 = arith.select %eq3A_561, %iota3A, %broadcast_in_dim3A_563 : vector<256x1024xi1>, vector<256x1024xi32>
    %reduce_min3A_565 = arith.constant dense<2147483647> : vector<256xi32>
    %reduce_min3A_566 = vector.multi_reduction <minsi>, %select_n3A_564, %reduce_min3A_565 [1] : vector<256x1024xi32> to vector<256xi32>
    %broadcast_in_dim3A_567 = vector.shape_cast %reduce_min3A_566 : vector<256xi32> to vector<256x1xi32>
    %eq3A_568 = vector.broadcast %broadcast_in_dim3A_567 : vector<256x1xi32> to vector<256x1024xi32>
    %eq3A_569 = arith.cmpi eq, %iota3A, %eq3A_568 : vector<256x1024xi32>
    %jit3A_570 = arith.constant 0xFF800000 : f32
    %broadcast_in_dim3A_571 = vector.broadcast %jit3A_570 : f32 to vector<256x1024xf32>
    %select_n3A_572 = arith.select %eq3A_569, %broadcast_in_dim3A_571, %select_n3A_556 : vector<256x1024xi1>, vector<256x1024xf32>
    %reduce_max3A_573 = arith.constant dense<0xFF800000> : vector<256xf32>
    %reduce_max3A_574 = vector.multi_reduction <maximumf>, %select_n3A_572, %reduce_max3A_573 [1] : vector<256x1024xf32> to vector<256xf32>
    %broadcast_in_dim3A_575 = vector.shape_cast %reduce_max3A_574 : vector<256xf32> to vector<256x1xf32>
    %eq3A_576 = vector.broadcast %broadcast_in_dim3A_575 : vector<256x1xf32> to vector<256x1024xf32>
    %eq3A_577 = arith.cmpf oeq, %select_n3A_572, %eq3A_576 : vector<256x1024xf32>
    %jit3A_578 = arith.constant 1073741824 : i32
    %broadcast_in_dim3A_579 = vector.broadcast %jit3A_578 : i32 to vector<256x1024xi32>
    %select_n3A_580 = arith.select %eq3A_577, %iota3A, %broadcast_in_dim3A_579 : vector<256x1024xi1>, vector<256x1024xi32>
    %reduce_min3A_581 = arith.constant dense<2147483647> : vector<256xi32>
    %reduce_min3A_582 = vector.multi_reduction <minsi>, %select_n3A_580, %reduce_min3A_581 [1] : vector<256x1024xi32> to vector<256xi32>
    %broadcast_in_dim3A_583 = vector.shape_cast %reduce_min3A_582 : vector<256xi32> to vector<256x1xi32>
    %eq3A_584 = vector.broadcast %broadcast_in_dim3A_583 : vector<256x1xi32> to vector<256x1024xi32>
    %eq3A_585 = arith.cmpi eq, %iota3A, %eq3A_584 : vector<256x1024xi32>
    %jit3A_586 = arith.constant 0xFF800000 : f32
    %broadcast_in_dim3A_587 = vector.broadcast %jit3A_586 : f32 to vector<256x1024xf32>
    %select_n3A_588 = arith.select %eq3A_585, %broadcast_in_dim3A_587, %select_n3A_572 : vector<256x1024xi1>, vector<256x1024xf32>
    %reduce_max3A_589 = arith.constant dense<0xFF800000> : vector<256xf32>
    %reduce_max3A_590 = vector.multi_reduction <maximumf>, %select_n3A_588, %reduce_max3A_589 [1] : vector<256x1024xf32> to vector<256xf32>
    %broadcast_in_dim3A_591 = vector.shape_cast %reduce_max3A_590 : vector<256xf32> to vector<256x1xf32>
    %eq3A_592 = vector.broadcast %broadcast_in_dim3A_591 : vector<256x1xf32> to vector<256x1024xf32>
    %eq3A_593 = arith.cmpf oeq, %select_n3A_588, %eq3A_592 : vector<256x1024xf32>
    %jit3A_594 = arith.constant 1073741824 : i32
    %broadcast_in_dim3A_595 = vector.broadcast %jit3A_594 : i32 to vector<256x1024xi32>
    %select_n3A_596 = arith.select %eq3A_593, %iota3A, %broadcast_in_dim3A_595 : vector<256x1024xi1>, vector<256x1024xi32>
    %reduce_min3A_597 = arith.constant dense<2147483647> : vector<256xi32>
    %reduce_min3A_598 = vector.multi_reduction <minsi>, %select_n3A_596, %reduce_min3A_597 [1] : vector<256x1024xi32> to vector<256xi32>
    %broadcast_in_dim3A_599 = vector.shape_cast %reduce_min3A_598 : vector<256xi32> to vector<256x1xi32>
    %eq3A_600 = vector.broadcast %broadcast_in_dim3A_599 : vector<256x1xi32> to vector<256x1024xi32>
    %eq3A_601 = arith.cmpi eq, %iota3A, %eq3A_600 : vector<256x1024xi32>
    %jit3A_602 = arith.constant 0xFF800000 : f32
    %broadcast_in_dim3A_603 = vector.broadcast %jit3A_602 : f32 to vector<256x1024xf32>
    %select_n3A_604 = arith.select %eq3A_601, %broadcast_in_dim3A_603, %select_n3A_588 : vector<256x1024xi1>, vector<256x1024xf32>
    %reduce_max3A_605 = arith.constant dense<0xFF800000> : vector<256xf32>
    %reduce_max3A_606 = vector.multi_reduction <maximumf>, %select_n3A_604, %reduce_max3A_605 [1] : vector<256x1024xf32> to vector<256xf32>
    %broadcast_in_dim3A_607 = vector.shape_cast %reduce_max3A_606 : vector<256xf32> to vector<256x1xf32>
    %eq3A_608 = vector.broadcast %broadcast_in_dim3A_607 : vector<256x1xf32> to vector<256x1024xf32>
    %eq3A_609 = arith.cmpf oeq, %select_n3A_604, %eq3A_608 : vector<256x1024xf32>
    %jit3A_610 = arith.constant 1073741824 : i32
    %broadcast_in_dim3A_611 = vector.broadcast %jit3A_610 : i32 to vector<256x1024xi32>
    %select_n3A_612 = arith.select %eq3A_609, %iota3A, %broadcast_in_dim3A_611 : vector<256x1024xi1>, vector<256x1024xi32>
    %reduce_min3A_613 = arith.constant dense<2147483647> : vector<256xi32>
    %reduce_min3A_614 = vector.multi_reduction <minsi>, %select_n3A_612, %reduce_min3A_613 [1] : vector<256x1024xi32> to vector<256xi32>
    %broadcast_in_dim3A_615 = vector.shape_cast %reduce_min3A_614 : vector<256xi32> to vector<256x1xi32>
    %concatenate3A_616 = tpu.concatenate %broadcast_in_dim3A_151, %broadcast_in_dim3A_167, %broadcast_in_dim3A_183, %broadcast_in_dim3A_199, %broadcast_in_dim3A_215, %broadcast_in_dim3A_231, %broadcast_in_dim3A_247, %broadcast_in_dim3A_263, %broadcast_in_dim3A_279, %broadcast_in_dim3A_295, %broadcast_in_dim3A_311, %broadcast_in_dim3A_327, %broadcast_in_dim3A_343, %broadcast_in_dim3A_359, %broadcast_in_dim3A_375, %broadcast_in_dim3A_391, %broadcast_in_dim3A_407, %broadcast_in_dim3A_423, %broadcast_in_dim3A_439, %broadcast_in_dim3A_455, %broadcast_in_dim3A_471, %broadcast_in_dim3A_487, %broadcast_in_dim3A_503, %broadcast_in_dim3A_519, %broadcast_in_dim3A_535, %broadcast_in_dim3A_551, %broadcast_in_dim3A_567, %broadcast_in_dim3A_583, %broadcast_in_dim3A_599, %broadcast_in_dim3A_615 in 1 : vector<256x1xi32>, vector<256x1xi32>, vector<256x1xi32>, vector<256x1xi32>, vector<256x1xi32>, vector<256x1xi32>, vector<256x1xi32>, vector<256x1xi32>, vector<256x1xi32>, vector<256x1xi32>, vector<256x1xi32>, vector<256x1xi32>, vector<256x1xi32>, vector<256x1xi32>, vector<256x1xi32>, vector<256x1xi32>, vector<256x1xi32>, vector<256x1xi32>, vector<256x1xi32>, vector<256x1xi32>, vector<256x1xi32>, vector<256x1xi32>, vector<256x1xi32>, vector<256x1xi32>, vector<256x1xi32>, vector<256x1xi32>, vector<256x1xi32>, vector<256x1xi32>, vector<256x1xi32>, vector<256x1xi32> -> vector<256x30xi32>
    %concatenate3A_617 = tpu.concatenate %broadcast_in_dim3A_147, %broadcast_in_dim3A_159, %broadcast_in_dim3A_175, %broadcast_in_dim3A_191, %broadcast_in_dim3A_207, %broadcast_in_dim3A_223, %broadcast_in_dim3A_239, %broadcast_in_dim3A_255, %broadcast_in_dim3A_271, %broadcast_in_dim3A_287, %broadcast_in_dim3A_303, %broadcast_in_dim3A_319, %broadcast_in_dim3A_335, %broadcast_in_dim3A_351, %broadcast_in_dim3A_367, %broadcast_in_dim3A_383, %broadcast_in_dim3A_399, %broadcast_in_dim3A_415, %broadcast_in_dim3A_431, %broadcast_in_dim3A_447, %broadcast_in_dim3A_463, %broadcast_in_dim3A_479, %broadcast_in_dim3A_495, %broadcast_in_dim3A_511, %broadcast_in_dim3A_527, %broadcast_in_dim3A_543, %broadcast_in_dim3A_559, %broadcast_in_dim3A_575, %broadcast_in_dim3A_591, %broadcast_in_dim3A_607 in 1 : vector<256x1xf32>, vector<256x1xf32>, vector<256x1xf32>, vector<256x1xf32>, vector<256x1xf32>, vector<256x1xf32>, vector<256x1xf32>, vector<256x1xf32>, vector<256x1xf32>, vector<256x1xf32>, vector<256x1xf32>, vector<256x1xf32>, vector<256x1xf32>, vector<256x1xf32>, vector<256x1xf32>, vector<256x1xf32>, vector<256x1xf32>, vector<256x1xf32>, vector<256x1xf32>, vector<256x1xf32>, vector<256x1xf32>, vector<256x1xf32>, vector<256x1xf32>, vector<256x1xf32>, vector<256x1xf32>, vector<256x1xf32>, vector<256x1xf32>, vector<256x1xf32>, vector<256x1xf32>, vector<256x1xf32> -> vector<256x30xf32>
    %swap3A_618 = arith.constant 0 : index
    %swap3A_619 = arith.constant 0 : index
    %swap3A_620 = arith.constant 0 : index
    %swap3A_621 = vector.load %arg7[%swap3A_618, %swap3A_619, %swap3A_620] : memref<1x256x30xf32, #tpu.memory_space<vmem>>, vector<1x256x30xf32>
    %swap3A_622 = vector.shape_cast %swap3A_621 : vector<1x256x30xf32> to vector<256x30xf32>
    %swap3A_623 = vector.shape_cast %concatenate3A_617 : vector<256x30xf32> to vector<1x256x30xf32>
    tpu.vector_store %arg7[%swap3A_618, %swap3A_619, %swap3A_620], %swap3A_623 {strides = array<i32>} : memref<1x256x30xf32, #tpu.memory_space<vmem>>, vector<1x256x30xf32>,
    %swap3A_624 = arith.constant 0 : index
    %swap3A_625 = arith.constant 0 : index
    %swap3A_626 = arith.constant 0 : index
    %swap3A_627 = vector.load %arg8[%swap3A_624, %swap3A_625, %swap3A_626] : memref<1x256x30xi32, #tpu.memory_space<vmem>>, vector<1x256x30xi32>
    %swap3A_628 = vector.shape_cast %swap3A_627 : vector<1x256x30xi32> to vector<256x30xi32>
    %swap3A_629 = vector.shape_cast %concatenate3A_616 : vector<256x30xi32> to vector<1x256x30xi32>
    tpu.vector_store %arg8[%swap3A_624, %swap3A_625, %swap3A_626], %swap3A_629 {strides = array<i32>} : memref<1x256x30xi32, #tpu.memory_space<vmem>>, vector<1x256x30xi32>,
    %mul3A_630 = arith.constant 1024 : i32
    %mul3A_631 = arith.muli %arg0, %mul3A_630 : i32
    %add3A_632 = vector.broadcast %mul3A_631 : i32 to vector<256x30xi32>
    %add3A_633 = arith.addi %concatenate3A_616, %add3A_632 : vector<256x30xi32>
    %swap3A_634 = arith.constant 0 : index
    %swap3A_635 = arith.constant 0 : index
    %swap3A_636 = arith.constant 0 : index
    %swap3A_637 = vector.load %arg9[%swap3A_634, %swap3A_635, %swap3A_636] : memref<1x256x30xi32, #tpu.memory_space<vmem>>, vector<1x256x30xi32>
    %swap3A_638 = vector.shape_cast %swap3A_637 : vector<1x256x30xi32> to vector<256x30xi32>
    %swap3A_639 = vector.shape_cast %add3A_633 : vector<256x30xi32> to vector<1x256x30xi32>
    tpu.vector_store %arg9[%swap3A_634, %swap3A_635, %swap3A_636], %swap3A_639 {strides = array<i32>} : memref<1x256x30xi32, #tpu.memory_space<vmem>>, vector<1x256x30xi32>,
    return
  }
  func.func @transform_0(%arg0: i32, %arg1: i32) -> (i32, i32, i32) {
    %c0_i32 = arith.constant 0 : i32
    %c0_i32_0 = arith.constant 0 : i32
    return %arg0, %arg1, %c0_i32 : i32, i32, i32
  }
  func.func @transform_1(%arg0: i32, %arg1: i32) -> (i32, i32, i32) {
    %c0_i32 = arith.constant 0 : i32
    %c0_i32_0 = arith.constant 0 : i32
    %c0_i32_1 = arith.constant 0 : i32
    return %arg0, %c0_i32, %c0_i32_0 : i32, i32, i32
  }
  func.func @transform_2(%arg0: i32, %arg1: i32) -> (i32, i32, i32) {
    %c0_i32 = arith.constant 0 : i32
    %c0_i32_0 = arith.constant 0 : i32
    return %arg0, %arg1, %c0_i32 : i32, i32, i32
  }
  func.func @transform_3(%arg0: i32, %arg1: i32) -> (i32, i32, i32) {
    %c0_i32 = arith.constant 0 : i32
    %c0_i32_0 = arith.constant 0 : i32
    return %arg0, %arg1, %c0_i32 : i32, i32, i32
  }
  func.func @transform_4(%arg0: i32, %arg1: i32) -> (i32, i32, i32) {
    %c0_i32 = arith.constant 0 : i32
    %c0_i32_0 = arith.constant 0 : i32
    return %arg0, %arg1, %c0_i32 : i32, i32, i32
  }
  func.func @transform_5(%arg0: i32, %arg1: i32) -> (i32, i32, i32) {
    %c0_i32 = arith.constant 0 : i32
    %c0_i32_0 = arith.constant 0 : i32
    return %arg0, %arg1, %c0_i32 : i32, i32, i32
  }
  func.func @transform_6(%arg0: i32, %arg1: i32) -> (i32, i32, i32) {
    %c0_i32 = arith.constant 0 : i32
    %c0_i32_0 = arith.constant 0 : i32
    return %arg0, %arg1, %c0_i32 : i32, i32, i32
  }
  func.func @transform_7(%arg0: i32, %arg1: i32) -> (i32, i32, i32) {
    %c0_i32 = arith.constant 0 : i32
    %c0_i32_0 = arith.constant 0 : i32
    return %arg0, %arg1, %c0_i32 : i32, i32, i32
  }
}

module attributes {stable_mosaic.version = 14 : i64} {
  func.func @_yedge_body(%arg0: i32, %arg1: memref<512x3xf32, #tpu.memory_space<vmem>>, %arg2: memref<512x48xf32, #tpu.memory_space<vmem>>, %arg3: memref<1x256xf32, #tpu.memory_space<vmem>>, %arg4: memref<256x2048xf32, #tpu.memory_space<vmem>>, %arg5: memref<1x128xf32, #tpu.memory_space<vmem>>, %arg6: memref<1x128xf32, #tpu.memory_space<vmem>>, %arg7: memref<1x128xf32, #tpu.memory_space<vmem>>, %arg8: memref<512x2048xf32, #tpu.memory_space<vmem>>) attributes {dimension_semantics = [#tpu.dimension_semantics<arbitrary>], iteration_bounds = array<i64: 64>, scalar_prefetch = 0 : i64, scratch_operands = 0 : i64, tpu.core_type = #tpu.core_type<tc>, window_params = [{transform_indices = @transform_0, window_bounds = array<i64: 512, 3>}, {transform_indices = @transform_1, window_bounds = array<i64: 512, 48>}, {pipeline_mode = #tpu.pipeline_mode<synchronous>, transform_indices = @transform_2, window_bounds = array<i64: 1, 256>}, {pipeline_mode = #tpu.pipeline_mode<synchronous>, transform_indices = @transform_3, window_bounds = array<i64: 256, 2048>}, {pipeline_mode = #tpu.pipeline_mode<synchronous>, transform_indices = @transform_4, window_bounds = array<i64: 1, 128>}, {pipeline_mode = #tpu.pipeline_mode<synchronous>, transform_indices = @transform_5, window_bounds = array<i64: 1, 128>}, {pipeline_mode = #tpu.pipeline_mode<synchronous>, transform_indices = @transform_6, window_bounds = array<i64: 1, 128>}, {transform_indices = @transform_7, window_bounds = array<i64: 512, 2048>}]} {
    %get3A = arith.constant 0 : index
    %get3A_0 = arith.constant 0 : index
    %get3A_1 = vector.load %arg3[%get3A, %get3A_0] : memref<1x256xf32, #tpu.memory_space<vmem>>, vector<1x256xf32>
    %get3A_2 = arith.constant 0 : index
    %get3A_3 = arith.constant 0 : index
    %get3A_4 = vector.load %arg1[%get3A_2, %get3A_3] : memref<512x3xf32, #tpu.memory_space<vmem>>, vector<512x1xf32>
    %get3A_5 = arith.constant 0 : index
    %get3A_6 = arith.constant 1 : index
    %get3A_7 = vector.load %arg1[%get3A_5, %get3A_6] : memref<512x3xf32, #tpu.memory_space<vmem>>, vector<512x1xf32>
    %get3A_8 = arith.constant 0 : index
    %get3A_9 = arith.constant 2 : index
    %get3A_10 = vector.load %arg1[%get3A_8, %get3A_9] : memref<512x3xf32, #tpu.memory_space<vmem>>, vector<512x1xf32>
    %get3A_11 = arith.constant 0 : index
    %get3A_12 = arith.constant 0 : index
    %get3A_13 = vector.load %arg2[%get3A_11, %get3A_12] : memref<512x48xf32, #tpu.memory_space<vmem>>, vector<512x48xf32>
    %slice3A = vector.extract_strided_slice %get3A_13 {offsets = [0, 0], sizes = [512, 1], strides = [1, 1]} : vector<512x48xf32> to vector<512x1xf32>
    %slice3A_14 = vector.extract_strided_slice %get3A_13 {offsets = [0, 1], sizes = [512, 1], strides = [1, 1]} : vector<512x48xf32> to vector<512x1xf32>
    %slice3A_15 = vector.extract_strided_slice %get3A_13 {offsets = [0, 2], sizes = [512, 1], strides = [1, 1]} : vector<512x48xf32> to vector<512x1xf32>
    %sub3A = arith.subf %get3A_4, %slice3A : vector<512x1xf32>
    %integer_pow3A = arith.mulf %sub3A, %sub3A : vector<512x1xf32>
    %sub3A_16 = arith.subf %get3A_7, %slice3A_14 : vector<512x1xf32>
    %integer_pow3A_17 = arith.mulf %sub3A_16, %sub3A_16 : vector<512x1xf32>
    %add3A = arith.addf %integer_pow3A, %integer_pow3A_17 : vector<512x1xf32>
    %sub3A_18 = arith.subf %get3A_10, %slice3A_15 : vector<512x1xf32>
    %integer_pow3A_19 = arith.mulf %sub3A_18, %sub3A_18 : vector<512x1xf32>
    %add3A_20 = arith.addf %add3A, %integer_pow3A_19 : vector<512x1xf32>
    %add3A_21 = arith.constant 9.99999997E-7 : f32
    %add3A_22 = vector.broadcast %add3A_21 : f32 to vector<512x1xf32>
    %add3A_23 = arith.addf %add3A_20, %add3A_22 : vector<512x1xf32>
    %sqrt3A = math.sqrt %add3A_23 : vector<512x1xf32>
    %slice3A_24 = vector.extract_strided_slice %get3A_13 {offsets = [0, 3], sizes = [512, 1], strides = [1, 1]} : vector<512x48xf32> to vector<512x1xf32>
    %slice3A_25 = vector.extract_strided_slice %get3A_13 {offsets = [0, 4], sizes = [512, 1], strides = [1, 1]} : vector<512x48xf32> to vector<512x1xf32>
    %slice3A_26 = vector.extract_strided_slice %get3A_13 {offsets = [0, 5], sizes = [512, 1], strides = [1, 1]} : vector<512x48xf32> to vector<512x1xf32>
    %sub3A_27 = arith.subf %get3A_4, %slice3A_24 : vector<512x1xf32>
    %integer_pow3A_28 = arith.mulf %sub3A_27, %sub3A_27 : vector<512x1xf32>
    %sub3A_29 = arith.subf %get3A_7, %slice3A_25 : vector<512x1xf32>
    %integer_pow3A_30 = arith.mulf %sub3A_29, %sub3A_29 : vector<512x1xf32>
    %add3A_31 = arith.addf %integer_pow3A_28, %integer_pow3A_30 : vector<512x1xf32>
    %sub3A_32 = arith.subf %get3A_10, %slice3A_26 : vector<512x1xf32>
    %integer_pow3A_33 = arith.mulf %sub3A_32, %sub3A_32 : vector<512x1xf32>
    %add3A_34 = arith.addf %add3A_31, %integer_pow3A_33 : vector<512x1xf32>
    %add3A_35 = arith.constant 9.99999997E-7 : f32
    %add3A_36 = vector.broadcast %add3A_35 : f32 to vector<512x1xf32>
    %add3A_37 = arith.addf %add3A_34, %add3A_36 : vector<512x1xf32>
    %sqrt3A_38 = math.sqrt %add3A_37 : vector<512x1xf32>
    %slice3A_39 = vector.extract_strided_slice %get3A_13 {offsets = [0, 6], sizes = [512, 1], strides = [1, 1]} : vector<512x48xf32> to vector<512x1xf32>
    %slice3A_40 = vector.extract_strided_slice %get3A_13 {offsets = [0, 7], sizes = [512, 1], strides = [1, 1]} : vector<512x48xf32> to vector<512x1xf32>
    %slice3A_41 = vector.extract_strided_slice %get3A_13 {offsets = [0, 8], sizes = [512, 1], strides = [1, 1]} : vector<512x48xf32> to vector<512x1xf32>
    %sub3A_42 = arith.subf %get3A_4, %slice3A_39 : vector<512x1xf32>
    %integer_pow3A_43 = arith.mulf %sub3A_42, %sub3A_42 : vector<512x1xf32>
    %sub3A_44 = arith.subf %get3A_7, %slice3A_40 : vector<512x1xf32>
    %integer_pow3A_45 = arith.mulf %sub3A_44, %sub3A_44 : vector<512x1xf32>
    %add3A_46 = arith.addf %integer_pow3A_43, %integer_pow3A_45 : vector<512x1xf32>
    %sub3A_47 = arith.subf %get3A_10, %slice3A_41 : vector<512x1xf32>
    %integer_pow3A_48 = arith.mulf %sub3A_47, %sub3A_47 : vector<512x1xf32>
    %add3A_49 = arith.addf %add3A_46, %integer_pow3A_48 : vector<512x1xf32>
    %add3A_50 = arith.constant 9.99999997E-7 : f32
    %add3A_51 = vector.broadcast %add3A_50 : f32 to vector<512x1xf32>
    %add3A_52 = arith.addf %add3A_49, %add3A_51 : vector<512x1xf32>
    %sqrt3A_53 = math.sqrt %add3A_52 : vector<512x1xf32>
    %slice3A_54 = vector.extract_strided_slice %get3A_13 {offsets = [0, 9], sizes = [512, 1], strides = [1, 1]} : vector<512x48xf32> to vector<512x1xf32>
    %slice3A_55 = vector.extract_strided_slice %get3A_13 {offsets = [0, 10], sizes = [512, 1], strides = [1, 1]} : vector<512x48xf32> to vector<512x1xf32>
    %slice3A_56 = vector.extract_strided_slice %get3A_13 {offsets = [0, 11], sizes = [512, 1], strides = [1, 1]} : vector<512x48xf32> to vector<512x1xf32>
    %sub3A_57 = arith.subf %get3A_4, %slice3A_54 : vector<512x1xf32>
    %integer_pow3A_58 = arith.mulf %sub3A_57, %sub3A_57 : vector<512x1xf32>
    %sub3A_59 = arith.subf %get3A_7, %slice3A_55 : vector<512x1xf32>
    %integer_pow3A_60 = arith.mulf %sub3A_59, %sub3A_59 : vector<512x1xf32>
    %add3A_61 = arith.addf %integer_pow3A_58, %integer_pow3A_60 : vector<512x1xf32>
    %sub3A_62 = arith.subf %get3A_10, %slice3A_56 : vector<512x1xf32>
    %integer_pow3A_63 = arith.mulf %sub3A_62, %sub3A_62 : vector<512x1xf32>
    %add3A_64 = arith.addf %add3A_61, %integer_pow3A_63 : vector<512x1xf32>
    %add3A_65 = arith.constant 9.99999997E-7 : f32
    %add3A_66 = vector.broadcast %add3A_65 : f32 to vector<512x1xf32>
    %add3A_67 = arith.addf %add3A_64, %add3A_66 : vector<512x1xf32>
    %sqrt3A_68 = math.sqrt %add3A_67 : vector<512x1xf32>
    %slice3A_69 = vector.extract_strided_slice %get3A_13 {offsets = [0, 12], sizes = [512, 1], strides = [1, 1]} : vector<512x48xf32> to vector<512x1xf32>
    %slice3A_70 = vector.extract_strided_slice %get3A_13 {offsets = [0, 13], sizes = [512, 1], strides = [1, 1]} : vector<512x48xf32> to vector<512x1xf32>
    %slice3A_71 = vector.extract_strided_slice %get3A_13 {offsets = [0, 14], sizes = [512, 1], strides = [1, 1]} : vector<512x48xf32> to vector<512x1xf32>
    %sub3A_72 = arith.subf %get3A_4, %slice3A_69 : vector<512x1xf32>
    %integer_pow3A_73 = arith.mulf %sub3A_72, %sub3A_72 : vector<512x1xf32>
    %sub3A_74 = arith.subf %get3A_7, %slice3A_70 : vector<512x1xf32>
    %integer_pow3A_75 = arith.mulf %sub3A_74, %sub3A_74 : vector<512x1xf32>
    %add3A_76 = arith.addf %integer_pow3A_73, %integer_pow3A_75 : vector<512x1xf32>
    %sub3A_77 = arith.subf %get3A_10, %slice3A_71 : vector<512x1xf32>
    %integer_pow3A_78 = arith.mulf %sub3A_77, %sub3A_77 : vector<512x1xf32>
    %add3A_79 = arith.addf %add3A_76, %integer_pow3A_78 : vector<512x1xf32>
    %add3A_80 = arith.constant 9.99999997E-7 : f32
    %add3A_81 = vector.broadcast %add3A_80 : f32 to vector<512x1xf32>
    %add3A_82 = arith.addf %add3A_79, %add3A_81 : vector<512x1xf32>
    %sqrt3A_83 = math.sqrt %add3A_82 : vector<512x1xf32>
    %slice3A_84 = vector.extract_strided_slice %get3A_13 {offsets = [0, 15], sizes = [512, 1], strides = [1, 1]} : vector<512x48xf32> to vector<512x1xf32>
    %slice3A_85 = vector.extract_strided_slice %get3A_13 {offsets = [0, 16], sizes = [512, 1], strides = [1, 1]} : vector<512x48xf32> to vector<512x1xf32>
    %slice3A_86 = vector.extract_strided_slice %get3A_13 {offsets = [0, 17], sizes = [512, 1], strides = [1, 1]} : vector<512x48xf32> to vector<512x1xf32>
    %sub3A_87 = arith.subf %get3A_4, %slice3A_84 : vector<512x1xf32>
    %integer_pow3A_88 = arith.mulf %sub3A_87, %sub3A_87 : vector<512x1xf32>
    %sub3A_89 = arith.subf %get3A_7, %slice3A_85 : vector<512x1xf32>
    %integer_pow3A_90 = arith.mulf %sub3A_89, %sub3A_89 : vector<512x1xf32>
    %add3A_91 = arith.addf %integer_pow3A_88, %integer_pow3A_90 : vector<512x1xf32>
    %sub3A_92 = arith.subf %get3A_10, %slice3A_86 : vector<512x1xf32>
    %integer_pow3A_93 = arith.mulf %sub3A_92, %sub3A_92 : vector<512x1xf32>
    %add3A_94 = arith.addf %add3A_91, %integer_pow3A_93 : vector<512x1xf32>
    %add3A_95 = arith.constant 9.99999997E-7 : f32
    %add3A_96 = vector.broadcast %add3A_95 : f32 to vector<512x1xf32>
    %add3A_97 = arith.addf %add3A_94, %add3A_96 : vector<512x1xf32>
    %sqrt3A_98 = math.sqrt %add3A_97 : vector<512x1xf32>
    %slice3A_99 = vector.extract_strided_slice %get3A_13 {offsets = [0, 18], sizes = [512, 1], strides = [1, 1]} : vector<512x48xf32> to vector<512x1xf32>
    %slice3A_100 = vector.extract_strided_slice %get3A_13 {offsets = [0, 19], sizes = [512, 1], strides = [1, 1]} : vector<512x48xf32> to vector<512x1xf32>
    %slice3A_101 = vector.extract_strided_slice %get3A_13 {offsets = [0, 20], sizes = [512, 1], strides = [1, 1]} : vector<512x48xf32> to vector<512x1xf32>
    %sub3A_102 = arith.subf %get3A_4, %slice3A_99 : vector<512x1xf32>
    %integer_pow3A_103 = arith.mulf %sub3A_102, %sub3A_102 : vector<512x1xf32>
    %sub3A_104 = arith.subf %get3A_7, %slice3A_100 : vector<512x1xf32>
    %integer_pow3A_105 = arith.mulf %sub3A_104, %sub3A_104 : vector<512x1xf32>
    %add3A_106 = arith.addf %integer_pow3A_103, %integer_pow3A_105 : vector<512x1xf32>
    %sub3A_107 = arith.subf %get3A_10, %slice3A_101 : vector<512x1xf32>
    %integer_pow3A_108 = arith.mulf %sub3A_107, %sub3A_107 : vector<512x1xf32>
    %add3A_109 = arith.addf %add3A_106, %integer_pow3A_108 : vector<512x1xf32>
    %add3A_110 = arith.constant 9.99999997E-7 : f32
    %add3A_111 = vector.broadcast %add3A_110 : f32 to vector<512x1xf32>
    %add3A_112 = arith.addf %add3A_109, %add3A_111 : vector<512x1xf32>
    %sqrt3A_113 = math.sqrt %add3A_112 : vector<512x1xf32>
    %slice3A_114 = vector.extract_strided_slice %get3A_13 {offsets = [0, 21], sizes = [512, 1], strides = [1, 1]} : vector<512x48xf32> to vector<512x1xf32>
    %slice3A_115 = vector.extract_strided_slice %get3A_13 {offsets = [0, 22], sizes = [512, 1], strides = [1, 1]} : vector<512x48xf32> to vector<512x1xf32>
    %slice3A_116 = vector.extract_strided_slice %get3A_13 {offsets = [0, 23], sizes = [512, 1], strides = [1, 1]} : vector<512x48xf32> to vector<512x1xf32>
    %sub3A_117 = arith.subf %get3A_4, %slice3A_114 : vector<512x1xf32>
    %integer_pow3A_118 = arith.mulf %sub3A_117, %sub3A_117 : vector<512x1xf32>
    %sub3A_119 = arith.subf %get3A_7, %slice3A_115 : vector<512x1xf32>
    %integer_pow3A_120 = arith.mulf %sub3A_119, %sub3A_119 : vector<512x1xf32>
    %add3A_121 = arith.addf %integer_pow3A_118, %integer_pow3A_120 : vector<512x1xf32>
    %sub3A_122 = arith.subf %get3A_10, %slice3A_116 : vector<512x1xf32>
    %integer_pow3A_123 = arith.mulf %sub3A_122, %sub3A_122 : vector<512x1xf32>
    %add3A_124 = arith.addf %add3A_121, %integer_pow3A_123 : vector<512x1xf32>
    %add3A_125 = arith.constant 9.99999997E-7 : f32
    %add3A_126 = vector.broadcast %add3A_125 : f32 to vector<512x1xf32>
    %add3A_127 = arith.addf %add3A_124, %add3A_126 : vector<512x1xf32>
    %sqrt3A_128 = math.sqrt %add3A_127 : vector<512x1xf32>
    %slice3A_129 = vector.extract_strided_slice %get3A_13 {offsets = [0, 24], sizes = [512, 1], strides = [1, 1]} : vector<512x48xf32> to vector<512x1xf32>
    %slice3A_130 = vector.extract_strided_slice %get3A_13 {offsets = [0, 25], sizes = [512, 1], strides = [1, 1]} : vector<512x48xf32> to vector<512x1xf32>
    %slice3A_131 = vector.extract_strided_slice %get3A_13 {offsets = [0, 26], sizes = [512, 1], strides = [1, 1]} : vector<512x48xf32> to vector<512x1xf32>
    %sub3A_132 = arith.subf %get3A_4, %slice3A_129 : vector<512x1xf32>
    %integer_pow3A_133 = arith.mulf %sub3A_132, %sub3A_132 : vector<512x1xf32>
    %sub3A_134 = arith.subf %get3A_7, %slice3A_130 : vector<512x1xf32>
    %integer_pow3A_135 = arith.mulf %sub3A_134, %sub3A_134 : vector<512x1xf32>
    %add3A_136 = arith.addf %integer_pow3A_133, %integer_pow3A_135 : vector<512x1xf32>
    %sub3A_137 = arith.subf %get3A_10, %slice3A_131 : vector<512x1xf32>
    %integer_pow3A_138 = arith.mulf %sub3A_137, %sub3A_137 : vector<512x1xf32>
    %add3A_139 = arith.addf %add3A_136, %integer_pow3A_138 : vector<512x1xf32>
    %add3A_140 = arith.constant 9.99999997E-7 : f32
    %add3A_141 = vector.broadcast %add3A_140 : f32 to vector<512x1xf32>
    %add3A_142 = arith.addf %add3A_139, %add3A_141 : vector<512x1xf32>
    %sqrt3A_143 = math.sqrt %add3A_142 : vector<512x1xf32>
    %slice3A_144 = vector.extract_strided_slice %get3A_13 {offsets = [0, 27], sizes = [512, 1], strides = [1, 1]} : vector<512x48xf32> to vector<512x1xf32>
    %slice3A_145 = vector.extract_strided_slice %get3A_13 {offsets = [0, 28], sizes = [512, 1], strides = [1, 1]} : vector<512x48xf32> to vector<512x1xf32>
    %slice3A_146 = vector.extract_strided_slice %get3A_13 {offsets = [0, 29], sizes = [512, 1], strides = [1, 1]} : vector<512x48xf32> to vector<512x1xf32>
    %sub3A_147 = arith.subf %get3A_4, %slice3A_144 : vector<512x1xf32>
    %integer_pow3A_148 = arith.mulf %sub3A_147, %sub3A_147 : vector<512x1xf32>
    %sub3A_149 = arith.subf %get3A_7, %slice3A_145 : vector<512x1xf32>
    %integer_pow3A_150 = arith.mulf %sub3A_149, %sub3A_149 : vector<512x1xf32>
    %add3A_151 = arith.addf %integer_pow3A_148, %integer_pow3A_150 : vector<512x1xf32>
    %sub3A_152 = arith.subf %get3A_10, %slice3A_146 : vector<512x1xf32>
    %integer_pow3A_153 = arith.mulf %sub3A_152, %sub3A_152 : vector<512x1xf32>
    %add3A_154 = arith.addf %add3A_151, %integer_pow3A_153 : vector<512x1xf32>
    %add3A_155 = arith.constant 9.99999997E-7 : f32
    %add3A_156 = vector.broadcast %add3A_155 : f32 to vector<512x1xf32>
    %add3A_157 = arith.addf %add3A_154, %add3A_156 : vector<512x1xf32>
    %sqrt3A_158 = math.sqrt %add3A_157 : vector<512x1xf32>
    %slice3A_159 = vector.extract_strided_slice %get3A_13 {offsets = [0, 30], sizes = [512, 1], strides = [1, 1]} : vector<512x48xf32> to vector<512x1xf32>
    %slice3A_160 = vector.extract_strided_slice %get3A_13 {offsets = [0, 31], sizes = [512, 1], strides = [1, 1]} : vector<512x48xf32> to vector<512x1xf32>
    %slice3A_161 = vector.extract_strided_slice %get3A_13 {offsets = [0, 32], sizes = [512, 1], strides = [1, 1]} : vector<512x48xf32> to vector<512x1xf32>
    %sub3A_162 = arith.subf %get3A_4, %slice3A_159 : vector<512x1xf32>
    %integer_pow3A_163 = arith.mulf %sub3A_162, %sub3A_162 : vector<512x1xf32>
    %sub3A_164 = arith.subf %get3A_7, %slice3A_160 : vector<512x1xf32>
    %integer_pow3A_165 = arith.mulf %sub3A_164, %sub3A_164 : vector<512x1xf32>
    %add3A_166 = arith.addf %integer_pow3A_163, %integer_pow3A_165 : vector<512x1xf32>
    %sub3A_167 = arith.subf %get3A_10, %slice3A_161 : vector<512x1xf32>
    %integer_pow3A_168 = arith.mulf %sub3A_167, %sub3A_167 : vector<512x1xf32>
    %add3A_169 = arith.addf %add3A_166, %integer_pow3A_168 : vector<512x1xf32>
    %add3A_170 = arith.constant 9.99999997E-7 : f32
    %add3A_171 = vector.broadcast %add3A_170 : f32 to vector<512x1xf32>
    %add3A_172 = arith.addf %add3A_169, %add3A_171 : vector<512x1xf32>
    %sqrt3A_173 = math.sqrt %add3A_172 : vector<512x1xf32>
    %slice3A_174 = vector.extract_strided_slice %get3A_13 {offsets = [0, 33], sizes = [512, 1], strides = [1, 1]} : vector<512x48xf32> to vector<512x1xf32>
    %slice3A_175 = vector.extract_strided_slice %get3A_13 {offsets = [0, 34], sizes = [512, 1], strides = [1, 1]} : vector<512x48xf32> to vector<512x1xf32>
    %slice3A_176 = vector.extract_strided_slice %get3A_13 {offsets = [0, 35], sizes = [512, 1], strides = [1, 1]} : vector<512x48xf32> to vector<512x1xf32>
    %sub3A_177 = arith.subf %get3A_4, %slice3A_174 : vector<512x1xf32>
    %integer_pow3A_178 = arith.mulf %sub3A_177, %sub3A_177 : vector<512x1xf32>
    %sub3A_179 = arith.subf %get3A_7, %slice3A_175 : vector<512x1xf32>
    %integer_pow3A_180 = arith.mulf %sub3A_179, %sub3A_179 : vector<512x1xf32>
    %add3A_181 = arith.addf %integer_pow3A_178, %integer_pow3A_180 : vector<512x1xf32>
    %sub3A_182 = arith.subf %get3A_10, %slice3A_176 : vector<512x1xf32>
    %integer_pow3A_183 = arith.mulf %sub3A_182, %sub3A_182 : vector<512x1xf32>
    %add3A_184 = arith.addf %add3A_181, %integer_pow3A_183 : vector<512x1xf32>
    %add3A_185 = arith.constant 9.99999997E-7 : f32
    %add3A_186 = vector.broadcast %add3A_185 : f32 to vector<512x1xf32>
    %add3A_187 = arith.addf %add3A_184, %add3A_186 : vector<512x1xf32>
    %sqrt3A_188 = math.sqrt %add3A_187 : vector<512x1xf32>
    %slice3A_189 = vector.extract_strided_slice %get3A_13 {offsets = [0, 36], sizes = [512, 1], strides = [1, 1]} : vector<512x48xf32> to vector<512x1xf32>
    %slice3A_190 = vector.extract_strided_slice %get3A_13 {offsets = [0, 37], sizes = [512, 1], strides = [1, 1]} : vector<512x48xf32> to vector<512x1xf32>
    %slice3A_191 = vector.extract_strided_slice %get3A_13 {offsets = [0, 38], sizes = [512, 1], strides = [1, 1]} : vector<512x48xf32> to vector<512x1xf32>
    %sub3A_192 = arith.subf %get3A_4, %slice3A_189 : vector<512x1xf32>
    %integer_pow3A_193 = arith.mulf %sub3A_192, %sub3A_192 : vector<512x1xf32>
    %sub3A_194 = arith.subf %get3A_7, %slice3A_190 : vector<512x1xf32>
    %integer_pow3A_195 = arith.mulf %sub3A_194, %sub3A_194 : vector<512x1xf32>
    %add3A_196 = arith.addf %integer_pow3A_193, %integer_pow3A_195 : vector<512x1xf32>
    %sub3A_197 = arith.subf %get3A_10, %slice3A_191 : vector<512x1xf32>
    %integer_pow3A_198 = arith.mulf %sub3A_197, %sub3A_197 : vector<512x1xf32>
    %add3A_199 = arith.addf %add3A_196, %integer_pow3A_198 : vector<512x1xf32>
    %add3A_200 = arith.constant 9.99999997E-7 : f32
    %add3A_201 = vector.broadcast %add3A_200 : f32 to vector<512x1xf32>
    %add3A_202 = arith.addf %add3A_199, %add3A_201 : vector<512x1xf32>
    %sqrt3A_203 = math.sqrt %add3A_202 : vector<512x1xf32>
    %slice3A_204 = vector.extract_strided_slice %get3A_13 {offsets = [0, 39], sizes = [512, 1], strides = [1, 1]} : vector<512x48xf32> to vector<512x1xf32>
    %slice3A_205 = vector.extract_strided_slice %get3A_13 {offsets = [0, 40], sizes = [512, 1], strides = [1, 1]} : vector<512x48xf32> to vector<512x1xf32>
    %slice3A_206 = vector.extract_strided_slice %get3A_13 {offsets = [0, 41], sizes = [512, 1], strides = [1, 1]} : vector<512x48xf32> to vector<512x1xf32>
    %sub3A_207 = arith.subf %get3A_4, %slice3A_204 : vector<512x1xf32>
    %integer_pow3A_208 = arith.mulf %sub3A_207, %sub3A_207 : vector<512x1xf32>
    %sub3A_209 = arith.subf %get3A_7, %slice3A_205 : vector<512x1xf32>
    %integer_pow3A_210 = arith.mulf %sub3A_209, %sub3A_209 : vector<512x1xf32>
    %add3A_211 = arith.addf %integer_pow3A_208, %integer_pow3A_210 : vector<512x1xf32>
    %sub3A_212 = arith.subf %get3A_10, %slice3A_206 : vector<512x1xf32>
    %integer_pow3A_213 = arith.mulf %sub3A_212, %sub3A_212 : vector<512x1xf32>
    %add3A_214 = arith.addf %add3A_211, %integer_pow3A_213 : vector<512x1xf32>
    %add3A_215 = arith.constant 9.99999997E-7 : f32
    %add3A_216 = vector.broadcast %add3A_215 : f32 to vector<512x1xf32>
    %add3A_217 = arith.addf %add3A_214, %add3A_216 : vector<512x1xf32>
    %sqrt3A_218 = math.sqrt %add3A_217 : vector<512x1xf32>
    %slice3A_219 = vector.extract_strided_slice %get3A_13 {offsets = [0, 42], sizes = [512, 1], strides = [1, 1]} : vector<512x48xf32> to vector<512x1xf32>
    %slice3A_220 = vector.extract_strided_slice %get3A_13 {offsets = [0, 43], sizes = [512, 1], strides = [1, 1]} : vector<512x48xf32> to vector<512x1xf32>
    %slice3A_221 = vector.extract_strided_slice %get3A_13 {offsets = [0, 44], sizes = [512, 1], strides = [1, 1]} : vector<512x48xf32> to vector<512x1xf32>
    %sub3A_222 = arith.subf %get3A_4, %slice3A_219 : vector<512x1xf32>
    %integer_pow3A_223 = arith.mulf %sub3A_222, %sub3A_222 : vector<512x1xf32>
    %sub3A_224 = arith.subf %get3A_7, %slice3A_220 : vector<512x1xf32>
    %integer_pow3A_225 = arith.mulf %sub3A_224, %sub3A_224 : vector<512x1xf32>
    %add3A_226 = arith.addf %integer_pow3A_223, %integer_pow3A_225 : vector<512x1xf32>
    %sub3A_227 = arith.subf %get3A_10, %slice3A_221 : vector<512x1xf32>
    %integer_pow3A_228 = arith.mulf %sub3A_227, %sub3A_227 : vector<512x1xf32>
    %add3A_229 = arith.addf %add3A_226, %integer_pow3A_228 : vector<512x1xf32>
    %add3A_230 = arith.constant 9.99999997E-7 : f32
    %add3A_231 = vector.broadcast %add3A_230 : f32 to vector<512x1xf32>
    %add3A_232 = arith.addf %add3A_229, %add3A_231 : vector<512x1xf32>
    %sqrt3A_233 = math.sqrt %add3A_232 : vector<512x1xf32>
    %slice3A_234 = vector.extract_strided_slice %get3A_13 {offsets = [0, 45], sizes = [512, 1], strides = [1, 1]} : vector<512x48xf32> to vector<512x1xf32>
    %slice3A_235 = vector.extract_strided_slice %get3A_13 {offsets = [0, 46], sizes = [512, 1], strides = [1, 1]} : vector<512x48xf32> to vector<512x1xf32>
    %slice3A_236 = vector.extract_strided_slice %get3A_13 {offsets = [0, 47], sizes = [512, 1], strides = [1, 1]} : vector<512x48xf32> to vector<512x1xf32>
    %sub3A_237 = arith.subf %get3A_4, %slice3A_234 : vector<512x1xf32>
    %integer_pow3A_238 = arith.mulf %sub3A_237, %sub3A_237 : vector<512x1xf32>
    %sub3A_239 = arith.subf %get3A_7, %slice3A_235 : vector<512x1xf32>
    %integer_pow3A_240 = arith.mulf %sub3A_239, %sub3A_239 : vector<512x1xf32>
    %add3A_241 = arith.addf %integer_pow3A_238, %integer_pow3A_240 : vector<512x1xf32>
    %sub3A_242 = arith.subf %get3A_10, %slice3A_236 : vector<512x1xf32>
    %integer_pow3A_243 = arith.mulf %sub3A_242, %sub3A_242 : vector<512x1xf32>
    %add3A_244 = arith.addf %add3A_241, %integer_pow3A_243 : vector<512x1xf32>
    %add3A_245 = arith.constant 9.99999997E-7 : f32
    %add3A_246 = vector.broadcast %add3A_245 : f32 to vector<512x1xf32>
    %add3A_247 = arith.addf %add3A_244, %add3A_246 : vector<512x1xf32>
    %sqrt3A_248 = math.sqrt %add3A_247 : vector<512x1xf32>
    %broadcast_in_dim3A = vector.shape_cast %sqrt3A : vector<512x1xf32> to vector<512x1xf32>
    %broadcast_in_dim3A_249 = vector.broadcast %broadcast_in_dim3A : vector<512x1xf32> to vector<512x16xf32>
    %broadcast_in_dim3A_250 = vector.shape_cast %sqrt3A_38 : vector<512x1xf32> to vector<512x1xf32>
    %broadcast_in_dim3A_251 = vector.broadcast %broadcast_in_dim3A_250 : vector<512x1xf32> to vector<512x16xf32>
    %broadcast_in_dim3A_252 = vector.shape_cast %sqrt3A_53 : vector<512x1xf32> to vector<512x1xf32>
    %broadcast_in_dim3A_253 = vector.broadcast %broadcast_in_dim3A_252 : vector<512x1xf32> to vector<512x16xf32>
    %broadcast_in_dim3A_254 = vector.shape_cast %sqrt3A_68 : vector<512x1xf32> to vector<512x1xf32>
    %broadcast_in_dim3A_255 = vector.broadcast %broadcast_in_dim3A_254 : vector<512x1xf32> to vector<512x16xf32>
    %broadcast_in_dim3A_256 = vector.shape_cast %sqrt3A_83 : vector<512x1xf32> to vector<512x1xf32>
    %broadcast_in_dim3A_257 = vector.broadcast %broadcast_in_dim3A_256 : vector<512x1xf32> to vector<512x16xf32>
    %broadcast_in_dim3A_258 = vector.shape_cast %sqrt3A_98 : vector<512x1xf32> to vector<512x1xf32>
    %broadcast_in_dim3A_259 = vector.broadcast %broadcast_in_dim3A_258 : vector<512x1xf32> to vector<512x16xf32>
    %broadcast_in_dim3A_260 = vector.shape_cast %sqrt3A_113 : vector<512x1xf32> to vector<512x1xf32>
    %broadcast_in_dim3A_261 = vector.broadcast %broadcast_in_dim3A_260 : vector<512x1xf32> to vector<512x16xf32>
    %broadcast_in_dim3A_262 = vector.shape_cast %sqrt3A_128 : vector<512x1xf32> to vector<512x1xf32>
    %broadcast_in_dim3A_263 = vector.broadcast %broadcast_in_dim3A_262 : vector<512x1xf32> to vector<512x16xf32>
    %broadcast_in_dim3A_264 = vector.shape_cast %sqrt3A_143 : vector<512x1xf32> to vector<512x1xf32>
    %broadcast_in_dim3A_265 = vector.broadcast %broadcast_in_dim3A_264 : vector<512x1xf32> to vector<512x16xf32>
    %broadcast_in_dim3A_266 = vector.shape_cast %sqrt3A_158 : vector<512x1xf32> to vector<512x1xf32>
    %broadcast_in_dim3A_267 = vector.broadcast %broadcast_in_dim3A_266 : vector<512x1xf32> to vector<512x16xf32>
    %broadcast_in_dim3A_268 = vector.shape_cast %sqrt3A_173 : vector<512x1xf32> to vector<512x1xf32>
    %broadcast_in_dim3A_269 = vector.broadcast %broadcast_in_dim3A_268 : vector<512x1xf32> to vector<512x16xf32>
    %broadcast_in_dim3A_270 = vector.shape_cast %sqrt3A_188 : vector<512x1xf32> to vector<512x1xf32>
    %broadcast_in_dim3A_271 = vector.broadcast %broadcast_in_dim3A_270 : vector<512x1xf32> to vector<512x16xf32>
    %broadcast_in_dim3A_272 = vector.shape_cast %sqrt3A_203 : vector<512x1xf32> to vector<512x1xf32>
    %broadcast_in_dim3A_273 = vector.broadcast %broadcast_in_dim3A_272 : vector<512x1xf32> to vector<512x16xf32>
    %broadcast_in_dim3A_274 = vector.shape_cast %sqrt3A_218 : vector<512x1xf32> to vector<512x1xf32>
    %broadcast_in_dim3A_275 = vector.broadcast %broadcast_in_dim3A_274 : vector<512x1xf32> to vector<512x16xf32>
    %broadcast_in_dim3A_276 = vector.shape_cast %sqrt3A_233 : vector<512x1xf32> to vector<512x1xf32>
    %broadcast_in_dim3A_277 = vector.broadcast %broadcast_in_dim3A_276 : vector<512x1xf32> to vector<512x16xf32>
    %broadcast_in_dim3A_278 = vector.shape_cast %sqrt3A_248 : vector<512x1xf32> to vector<512x1xf32>
    %broadcast_in_dim3A_279 = vector.broadcast %broadcast_in_dim3A_278 : vector<512x1xf32> to vector<512x16xf32>
    %concatenate3A = tpu.concatenate %broadcast_in_dim3A_249, %broadcast_in_dim3A_251, %broadcast_in_dim3A_253, %broadcast_in_dim3A_255, %broadcast_in_dim3A_257, %broadcast_in_dim3A_259, %broadcast_in_dim3A_261, %broadcast_in_dim3A_263, %broadcast_in_dim3A_265, %broadcast_in_dim3A_267, %broadcast_in_dim3A_269, %broadcast_in_dim3A_271, %broadcast_in_dim3A_273, %broadcast_in_dim3A_275, %broadcast_in_dim3A_277, %broadcast_in_dim3A_279 in 1 : vector<512x16xf32>, vector<512x16xf32>, vector<512x16xf32>, vector<512x16xf32>, vector<512x16xf32>, vector<512x16xf32>, vector<512x16xf32>, vector<512x16xf32>, vector<512x16xf32>, vector<512x16xf32>, vector<512x16xf32>, vector<512x16xf32>, vector<512x16xf32>, vector<512x16xf32>, vector<512x16xf32>, vector<512x16xf32> -> vector<512x256xf32>
    %sub3A_280 = vector.broadcast %get3A_1 : vector<1x256xf32> to vector<512x256xf32>
    %sub3A_281 = arith.subf %concatenate3A, %sub3A_280 : vector<512x256xf32>
    %div3A = arith.constant 1.250000e+00 : f32
    %div3A_282 = vector.broadcast %div3A : f32 to vector<512x256xf32>
    %div3A_283 = arith.divf %sub3A_281, %div3A_282 : vector<512x256xf32>
    %mul3A = arith.mulf %div3A_283, %div3A_283 : vector<512x256xf32>
    %neg3A = arith.constant 0.000000e+00 : f32
    %neg3A_284 = vector.broadcast %neg3A : f32 to vector<512x256xf32>
    %neg3A_285 = arith.subf %neg3A_284, %mul3A : vector<512x256xf32>
    %exp3A = math.exp %neg3A_285 : vector<512x256xf32>
    %get3A_286 = arith.constant 0 : index
    %get3A_287 = arith.constant 0 : index
    %get3A_288 = vector.load %arg4[%get3A_286, %get3A_287] : memref<256x2048xf32, #tpu.memory_space<vmem>>, vector<256x2048xf32>
    %dot_general3A = arith.constant dense<0.000000e+00> : vector<512x2048xf32>
    %dot_general3A_289 = tpu.matmul %exp3A, %get3A_288, %dot_general3A {dimension_numbers = #tpu.dot_dimension_numbers<[1], [0], [0], [1], [0, 0, 1, 1], [], []>, transpose_lhs_hint = false} : vector<512x256xf32>, vector<256x2048xf32>, vector<512x2048xf32> -> vector<512x2048xf32>
    %get3A_290 = arith.constant 0 : index
    %get3A_291 = arith.constant 0 : index
    %get3A_292 = vector.load %arg6[%get3A_290, %get3A_291] : memref<1x128xf32, #tpu.memory_space<vmem>>, vector<1x128xf32>
    %get3A_293 = arith.constant 0 : index
    %get3A_294 = arith.constant 0 : index
    %get3A_295 = vector.load %arg7[%get3A_293, %get3A_294] : memref<1x128xf32, #tpu.memory_space<vmem>>, vector<1x128xf32>
    %get3A_296 = arith.constant 0 : index
    %get3A_297 = arith.constant 0 : index
    %get3A_298 = vector.load %arg5[%get3A_296, %get3A_297] : memref<1x128xf32, #tpu.memory_space<vmem>>, vector<1x128xf32>
    %slice3A_299 = vector.extract_strided_slice %dot_general3A_289 {offsets = [0, 0], sizes = [512, 128], strides = [1, 1]} : vector<512x2048xf32> to vector<512x128xf32>
    %add3A_300 = vector.broadcast %get3A_298 : vector<1x128xf32> to vector<512x128xf32>
    %add3A_301 = arith.addf %slice3A_299, %add3A_300 : vector<512x128xf32>
    %reduce_sum3A = arith.constant dense<0.000000e+00> : vector<512xf32>
    %reduce_sum3A_302 = vector.multi_reduction <add>, %add3A_301, %reduce_sum3A [1] : vector<512x128xf32> to vector<512xf32>
    %broadcast_in_dim3A_303 = vector.shape_cast %reduce_sum3A_302 : vector<512xf32> to vector<512x1xf32>
    %div3A_304 = arith.constant 1.280000e+02 : f32
    %div3A_305 = vector.broadcast %div3A_304 : f32 to vector<512x1xf32>
    %div3A_306 = arith.divf %broadcast_in_dim3A_303, %div3A_305 : vector<512x1xf32>
    %jit3A = arith.constant 0 : i32
    %reduce_sum3A_307 = arith.constant dense<0.000000e+00> : vector<512xf32>
    %reduce_sum3A_308 = vector.multi_reduction <add>, %add3A_301, %reduce_sum3A_307 [1] : vector<512x128xf32> to vector<512xf32>
    %broadcast_in_dim3A_309 = vector.shape_cast %reduce_sum3A_308 : vector<512xf32> to vector<512x1xf32>
    %div3A_310 = arith.constant 1.280000e+02 : f32
    %div3A_311 = vector.broadcast %div3A_310 : f32 to vector<512x1xf32>
    %div3A_312 = arith.divf %broadcast_in_dim3A_309, %div3A_311 : vector<512x1xf32>
    %sub3A_313 = vector.broadcast %div3A_312 : vector<512x1xf32> to vector<512x128xf32>
    %sub3A_314 = arith.subf %add3A_301, %sub3A_313 : vector<512x128xf32>
    %square3A = arith.mulf %sub3A_314, %sub3A_314 : vector<512x128xf32>
    %convert_element_type3A = arith.sitofp %jit3A : i32 to f32
    %sub3A_315 = arith.constant 1.280000e+02 : f32
    %sub3A_316 = arith.subf %sub3A_315, %convert_element_type3A : f32
    %reduce_sum3A_317 = arith.constant dense<0.000000e+00> : vector<512xf32>
    %reduce_sum3A_318 = vector.multi_reduction <add>, %square3A, %reduce_sum3A_317 [1] : vector<512x128xf32> to vector<512xf32>
    %broadcast_in_dim3A_319 = vector.shape_cast %reduce_sum3A_318 : vector<512xf32> to vector<512x1xf32>
    %div3A_320 = vector.broadcast %sub3A_316 : f32 to vector<512x1xf32>
    %div3A_321 = arith.divf %broadcast_in_dim3A_319, %div3A_320 : vector<512x1xf32>
    %gt3A = arith.constant 0.000000e+00 : f32
    %gt3A_322 = arith.cmpf ogt, %sub3A_316, %gt3A : f32
    %jit3A_323 = arith.constant 0x7FC00000 : f32
    %broadcast_in_dim3A_324 = vector.broadcast %jit3A_323 : f32 to vector<512x1xf32>
    %select_n3A = arith.select %gt3A_322, %div3A_321, %broadcast_in_dim3A_324 : vector<512x1xf32>
    %sub3A_325 = vector.broadcast %div3A_306 : vector<512x1xf32> to vector<512x128xf32>
    %sub3A_326 = arith.subf %add3A_301, %sub3A_325 : vector<512x128xf32>
    %add3A_327 = arith.constant 9.99999974E-6 : f32
    %add3A_328 = vector.broadcast %add3A_327 : f32 to vector<512x1xf32>
    %add3A_329 = arith.addf %select_n3A, %add3A_328 : vector<512x1xf32>
    %sqrt3A_330 = math.sqrt %add3A_329 : vector<512x1xf32>
    %div3A_331 = vector.broadcast %sqrt3A_330 : vector<512x1xf32> to vector<512x128xf32>
    %div3A_332 = arith.divf %sub3A_326, %div3A_331 : vector<512x128xf32>
    %mul3A_333 = vector.broadcast %get3A_292 : vector<1x128xf32> to vector<512x128xf32>
    %mul3A_334 = arith.mulf %div3A_332, %mul3A_333 : vector<512x128xf32>
    %add3A_335 = vector.broadcast %get3A_295 : vector<1x128xf32> to vector<512x128xf32>
    %add3A_336 = arith.addf %mul3A_334, %add3A_335 : vector<512x128xf32>
    %slice3A_337 = vector.extract_strided_slice %dot_general3A_289 {offsets = [0, 128], sizes = [512, 128], strides = [1, 1]} : vector<512x2048xf32> to vector<512x128xf32>
    %add3A_338 = vector.broadcast %get3A_298 : vector<1x128xf32> to vector<512x128xf32>
    %add3A_339 = arith.addf %slice3A_337, %add3A_338 : vector<512x128xf32>
    %reduce_sum3A_340 = arith.constant dense<0.000000e+00> : vector<512xf32>
    %reduce_sum3A_341 = vector.multi_reduction <add>, %add3A_339, %reduce_sum3A_340 [1] : vector<512x128xf32> to vector<512xf32>
    %broadcast_in_dim3A_342 = vector.shape_cast %reduce_sum3A_341 : vector<512xf32> to vector<512x1xf32>
    %div3A_343 = arith.constant 1.280000e+02 : f32
    %div3A_344 = vector.broadcast %div3A_343 : f32 to vector<512x1xf32>
    %div3A_345 = arith.divf %broadcast_in_dim3A_342, %div3A_344 : vector<512x1xf32>
    %jit3A_346 = arith.constant 0 : i32
    %reduce_sum3A_347 = arith.constant dense<0.000000e+00> : vector<512xf32>
    %reduce_sum3A_348 = vector.multi_reduction <add>, %add3A_339, %reduce_sum3A_347 [1] : vector<512x128xf32> to vector<512xf32>
    %broadcast_in_dim3A_349 = vector.shape_cast %reduce_sum3A_348 : vector<512xf32> to vector<512x1xf32>
    %div3A_350 = arith.constant 1.280000e+02 : f32
    %div3A_351 = vector.broadcast %div3A_350 : f32 to vector<512x1xf32>
    %div3A_352 = arith.divf %broadcast_in_dim3A_349, %div3A_351 : vector<512x1xf32>
    %sub3A_353 = vector.broadcast %div3A_352 : vector<512x1xf32> to vector<512x128xf32>
    %sub3A_354 = arith.subf %add3A_339, %sub3A_353 : vector<512x128xf32>
    %square3A_355 = arith.mulf %sub3A_354, %sub3A_354 : vector<512x128xf32>
    %convert_element_type3A_356 = arith.sitofp %jit3A_346 : i32 to f32
    %sub3A_357 = arith.constant 1.280000e+02 : f32
    %sub3A_358 = arith.subf %sub3A_357, %convert_element_type3A_356 : f32
    %reduce_sum3A_359 = arith.constant dense<0.000000e+00> : vector<512xf32>
    %reduce_sum3A_360 = vector.multi_reduction <add>, %square3A_355, %reduce_sum3A_359 [1] : vector<512x128xf32> to vector<512xf32>
    %broadcast_in_dim3A_361 = vector.shape_cast %reduce_sum3A_360 : vector<512xf32> to vector<512x1xf32>
    %div3A_362 = vector.broadcast %sub3A_358 : f32 to vector<512x1xf32>
    %div3A_363 = arith.divf %broadcast_in_dim3A_361, %div3A_362 : vector<512x1xf32>
    %gt3A_364 = arith.constant 0.000000e+00 : f32
    %gt3A_365 = arith.cmpf ogt, %sub3A_358, %gt3A_364 : f32
    %jit3A_366 = arith.constant 0x7FC00000 : f32
    %broadcast_in_dim3A_367 = vector.broadcast %jit3A_366 : f32 to vector<512x1xf32>
    %select_n3A_368 = arith.select %gt3A_365, %div3A_363, %broadcast_in_dim3A_367 : vector<512x1xf32>
    %sub3A_369 = vector.broadcast %div3A_345 : vector<512x1xf32> to vector<512x128xf32>
    %sub3A_370 = arith.subf %add3A_339, %sub3A_369 : vector<512x128xf32>
    %add3A_371 = arith.constant 9.99999974E-6 : f32
    %add3A_372 = vector.broadcast %add3A_371 : f32 to vector<512x1xf32>
    %add3A_373 = arith.addf %select_n3A_368, %add3A_372 : vector<512x1xf32>
    %sqrt3A_374 = math.sqrt %add3A_373 : vector<512x1xf32>
    %div3A_375 = vector.broadcast %sqrt3A_374 : vector<512x1xf32> to vector<512x128xf32>
    %div3A_376 = arith.divf %sub3A_370, %div3A_375 : vector<512x128xf32>
    %mul3A_377 = vector.broadcast %get3A_292 : vector<1x128xf32> to vector<512x128xf32>
    %mul3A_378 = arith.mulf %div3A_376, %mul3A_377 : vector<512x128xf32>
    %add3A_379 = vector.broadcast %get3A_295 : vector<1x128xf32> to vector<512x128xf32>
    %add3A_380 = arith.addf %mul3A_378, %add3A_379 : vector<512x128xf32>
    %slice3A_381 = vector.extract_strided_slice %dot_general3A_289 {offsets = [0, 256], sizes = [512, 128], strides = [1, 1]} : vector<512x2048xf32> to vector<512x128xf32>
    %add3A_382 = vector.broadcast %get3A_298 : vector<1x128xf32> to vector<512x128xf32>
    %add3A_383 = arith.addf %slice3A_381, %add3A_382 : vector<512x128xf32>
    %reduce_sum3A_384 = arith.constant dense<0.000000e+00> : vector<512xf32>
    %reduce_sum3A_385 = vector.multi_reduction <add>, %add3A_383, %reduce_sum3A_384 [1] : vector<512x128xf32> to vector<512xf32>
    %broadcast_in_dim3A_386 = vector.shape_cast %reduce_sum3A_385 : vector<512xf32> to vector<512x1xf32>
    %div3A_387 = arith.constant 1.280000e+02 : f32
    %div3A_388 = vector.broadcast %div3A_387 : f32 to vector<512x1xf32>
    %div3A_389 = arith.divf %broadcast_in_dim3A_386, %div3A_388 : vector<512x1xf32>
    %jit3A_390 = arith.constant 0 : i32
    %reduce_sum3A_391 = arith.constant dense<0.000000e+00> : vector<512xf32>
    %reduce_sum3A_392 = vector.multi_reduction <add>, %add3A_383, %reduce_sum3A_391 [1] : vector<512x128xf32> to vector<512xf32>
    %broadcast_in_dim3A_393 = vector.shape_cast %reduce_sum3A_392 : vector<512xf32> to vector<512x1xf32>
    %div3A_394 = arith.constant 1.280000e+02 : f32
    %div3A_395 = vector.broadcast %div3A_394 : f32 to vector<512x1xf32>
    %div3A_396 = arith.divf %broadcast_in_dim3A_393, %div3A_395 : vector<512x1xf32>
    %sub3A_397 = vector.broadcast %div3A_396 : vector<512x1xf32> to vector<512x128xf32>
    %sub3A_398 = arith.subf %add3A_383, %sub3A_397 : vector<512x128xf32>
    %square3A_399 = arith.mulf %sub3A_398, %sub3A_398 : vector<512x128xf32>
    %convert_element_type3A_400 = arith.sitofp %jit3A_390 : i32 to f32
    %sub3A_401 = arith.constant 1.280000e+02 : f32
    %sub3A_402 = arith.subf %sub3A_401, %convert_element_type3A_400 : f32
    %reduce_sum3A_403 = arith.constant dense<0.000000e+00> : vector<512xf32>
    %reduce_sum3A_404 = vector.multi_reduction <add>, %square3A_399, %reduce_sum3A_403 [1] : vector<512x128xf32> to vector<512xf32>
    %broadcast_in_dim3A_405 = vector.shape_cast %reduce_sum3A_404 : vector<512xf32> to vector<512x1xf32>
    %div3A_406 = vector.broadcast %sub3A_402 : f32 to vector<512x1xf32>
    %div3A_407 = arith.divf %broadcast_in_dim3A_405, %div3A_406 : vector<512x1xf32>
    %gt3A_408 = arith.constant 0.000000e+00 : f32
    %gt3A_409 = arith.cmpf ogt, %sub3A_402, %gt3A_408 : f32
    %jit3A_410 = arith.constant 0x7FC00000 : f32
    %broadcast_in_dim3A_411 = vector.broadcast %jit3A_410 : f32 to vector<512x1xf32>
    %select_n3A_412 = arith.select %gt3A_409, %div3A_407, %broadcast_in_dim3A_411 : vector<512x1xf32>
    %sub3A_413 = vector.broadcast %div3A_389 : vector<512x1xf32> to vector<512x128xf32>
    %sub3A_414 = arith.subf %add3A_383, %sub3A_413 : vector<512x128xf32>
    %add3A_415 = arith.constant 9.99999974E-6 : f32
    %add3A_416 = vector.broadcast %add3A_415 : f32 to vector<512x1xf32>
    %add3A_417 = arith.addf %select_n3A_412, %add3A_416 : vector<512x1xf32>
    %sqrt3A_418 = math.sqrt %add3A_417 : vector<512x1xf32>
    %div3A_419 = vector.broadcast %sqrt3A_418 : vector<512x1xf32> to vector<512x128xf32>
    %div3A_420 = arith.divf %sub3A_414, %div3A_419 : vector<512x128xf32>
    %mul3A_421 = vector.broadcast %get3A_292 : vector<1x128xf32> to vector<512x128xf32>
    %mul3A_422 = arith.mulf %div3A_420, %mul3A_421 : vector<512x128xf32>
    %add3A_423 = vector.broadcast %get3A_295 : vector<1x128xf32> to vector<512x128xf32>
    %add3A_424 = arith.addf %mul3A_422, %add3A_423 : vector<512x128xf32>
    %slice3A_425 = vector.extract_strided_slice %dot_general3A_289 {offsets = [0, 384], sizes = [512, 128], strides = [1, 1]} : vector<512x2048xf32> to vector<512x128xf32>
    %add3A_426 = vector.broadcast %get3A_298 : vector<1x128xf32> to vector<512x128xf32>
    %add3A_427 = arith.addf %slice3A_425, %add3A_426 : vector<512x128xf32>
    %reduce_sum3A_428 = arith.constant dense<0.000000e+00> : vector<512xf32>
    %reduce_sum3A_429 = vector.multi_reduction <add>, %add3A_427, %reduce_sum3A_428 [1] : vector<512x128xf32> to vector<512xf32>
    %broadcast_in_dim3A_430 = vector.shape_cast %reduce_sum3A_429 : vector<512xf32> to vector<512x1xf32>
    %div3A_431 = arith.constant 1.280000e+02 : f32
    %div3A_432 = vector.broadcast %div3A_431 : f32 to vector<512x1xf32>
    %div3A_433 = arith.divf %broadcast_in_dim3A_430, %div3A_432 : vector<512x1xf32>
    %jit3A_434 = arith.constant 0 : i32
    %reduce_sum3A_435 = arith.constant dense<0.000000e+00> : vector<512xf32>
    %reduce_sum3A_436 = vector.multi_reduction <add>, %add3A_427, %reduce_sum3A_435 [1] : vector<512x128xf32> to vector<512xf32>
    %broadcast_in_dim3A_437 = vector.shape_cast %reduce_sum3A_436 : vector<512xf32> to vector<512x1xf32>
    %div3A_438 = arith.constant 1.280000e+02 : f32
    %div3A_439 = vector.broadcast %div3A_438 : f32 to vector<512x1xf32>
    %div3A_440 = arith.divf %broadcast_in_dim3A_437, %div3A_439 : vector<512x1xf32>
    %sub3A_441 = vector.broadcast %div3A_440 : vector<512x1xf32> to vector<512x128xf32>
    %sub3A_442 = arith.subf %add3A_427, %sub3A_441 : vector<512x128xf32>
    %square3A_443 = arith.mulf %sub3A_442, %sub3A_442 : vector<512x128xf32>
    %convert_element_type3A_444 = arith.sitofp %jit3A_434 : i32 to f32
    %sub3A_445 = arith.constant 1.280000e+02 : f32
    %sub3A_446 = arith.subf %sub3A_445, %convert_element_type3A_444 : f32
    %reduce_sum3A_447 = arith.constant dense<0.000000e+00> : vector<512xf32>
    %reduce_sum3A_448 = vector.multi_reduction <add>, %square3A_443, %reduce_sum3A_447 [1] : vector<512x128xf32> to vector<512xf32>
    %broadcast_in_dim3A_449 = vector.shape_cast %reduce_sum3A_448 : vector<512xf32> to vector<512x1xf32>
    %div3A_450 = vector.broadcast %sub3A_446 : f32 to vector<512x1xf32>
    %div3A_451 = arith.divf %broadcast_in_dim3A_449, %div3A_450 : vector<512x1xf32>
    %gt3A_452 = arith.constant 0.000000e+00 : f32
    %gt3A_453 = arith.cmpf ogt, %sub3A_446, %gt3A_452 : f32
    %jit3A_454 = arith.constant 0x7FC00000 : f32
    %broadcast_in_dim3A_455 = vector.broadcast %jit3A_454 : f32 to vector<512x1xf32>
    %select_n3A_456 = arith.select %gt3A_453, %div3A_451, %broadcast_in_dim3A_455 : vector<512x1xf32>
    %sub3A_457 = vector.broadcast %div3A_433 : vector<512x1xf32> to vector<512x128xf32>
    %sub3A_458 = arith.subf %add3A_427, %sub3A_457 : vector<512x128xf32>
    %add3A_459 = arith.constant 9.99999974E-6 : f32
    %add3A_460 = vector.broadcast %add3A_459 : f32 to vector<512x1xf32>
    %add3A_461 = arith.addf %select_n3A_456, %add3A_460 : vector<512x1xf32>
    %sqrt3A_462 = math.sqrt %add3A_461 : vector<512x1xf32>
    %div3A_463 = vector.broadcast %sqrt3A_462 : vector<512x1xf32> to vector<512x128xf32>
    %div3A_464 = arith.divf %sub3A_458, %div3A_463 : vector<512x128xf32>
    %mul3A_465 = vector.broadcast %get3A_292 : vector<1x128xf32> to vector<512x128xf32>
    %mul3A_466 = arith.mulf %div3A_464, %mul3A_465 : vector<512x128xf32>
    %add3A_467 = vector.broadcast %get3A_295 : vector<1x128xf32> to vector<512x128xf32>
    %add3A_468 = arith.addf %mul3A_466, %add3A_467 : vector<512x128xf32>
    %slice3A_469 = vector.extract_strided_slice %dot_general3A_289 {offsets = [0, 512], sizes = [512, 128], strides = [1, 1]} : vector<512x2048xf32> to vector<512x128xf32>
    %add3A_470 = vector.broadcast %get3A_298 : vector<1x128xf32> to vector<512x128xf32>
    %add3A_471 = arith.addf %slice3A_469, %add3A_470 : vector<512x128xf32>
    %reduce_sum3A_472 = arith.constant dense<0.000000e+00> : vector<512xf32>
    %reduce_sum3A_473 = vector.multi_reduction <add>, %add3A_471, %reduce_sum3A_472 [1] : vector<512x128xf32> to vector<512xf32>
    %broadcast_in_dim3A_474 = vector.shape_cast %reduce_sum3A_473 : vector<512xf32> to vector<512x1xf32>
    %div3A_475 = arith.constant 1.280000e+02 : f32
    %div3A_476 = vector.broadcast %div3A_475 : f32 to vector<512x1xf32>
    %div3A_477 = arith.divf %broadcast_in_dim3A_474, %div3A_476 : vector<512x1xf32>
    %jit3A_478 = arith.constant 0 : i32
    %reduce_sum3A_479 = arith.constant dense<0.000000e+00> : vector<512xf32>
    %reduce_sum3A_480 = vector.multi_reduction <add>, %add3A_471, %reduce_sum3A_479 [1] : vector<512x128xf32> to vector<512xf32>
    %broadcast_in_dim3A_481 = vector.shape_cast %reduce_sum3A_480 : vector<512xf32> to vector<512x1xf32>
    %div3A_482 = arith.constant 1.280000e+02 : f32
    %div3A_483 = vector.broadcast %div3A_482 : f32 to vector<512x1xf32>
    %div3A_484 = arith.divf %broadcast_in_dim3A_481, %div3A_483 : vector<512x1xf32>
    %sub3A_485 = vector.broadcast %div3A_484 : vector<512x1xf32> to vector<512x128xf32>
    %sub3A_486 = arith.subf %add3A_471, %sub3A_485 : vector<512x128xf32>
    %square3A_487 = arith.mulf %sub3A_486, %sub3A_486 : vector<512x128xf32>
    %convert_element_type3A_488 = arith.sitofp %jit3A_478 : i32 to f32
    %sub3A_489 = arith.constant 1.280000e+02 : f32
    %sub3A_490 = arith.subf %sub3A_489, %convert_element_type3A_488 : f32
    %reduce_sum3A_491 = arith.constant dense<0.000000e+00> : vector<512xf32>
    %reduce_sum3A_492 = vector.multi_reduction <add>, %square3A_487, %reduce_sum3A_491 [1] : vector<512x128xf32> to vector<512xf32>
    %broadcast_in_dim3A_493 = vector.shape_cast %reduce_sum3A_492 : vector<512xf32> to vector<512x1xf32>
    %div3A_494 = vector.broadcast %sub3A_490 : f32 to vector<512x1xf32>
    %div3A_495 = arith.divf %broadcast_in_dim3A_493, %div3A_494 : vector<512x1xf32>
    %gt3A_496 = arith.constant 0.000000e+00 : f32
    %gt3A_497 = arith.cmpf ogt, %sub3A_490, %gt3A_496 : f32
    %jit3A_498 = arith.constant 0x7FC00000 : f32
    %broadcast_in_dim3A_499 = vector.broadcast %jit3A_498 : f32 to vector<512x1xf32>
    %select_n3A_500 = arith.select %gt3A_497, %div3A_495, %broadcast_in_dim3A_499 : vector<512x1xf32>
    %sub3A_501 = vector.broadcast %div3A_477 : vector<512x1xf32> to vector<512x128xf32>
    %sub3A_502 = arith.subf %add3A_471, %sub3A_501 : vector<512x128xf32>
    %add3A_503 = arith.constant 9.99999974E-6 : f32
    %add3A_504 = vector.broadcast %add3A_503 : f32 to vector<512x1xf32>
    %add3A_505 = arith.addf %select_n3A_500, %add3A_504 : vector<512x1xf32>
    %sqrt3A_506 = math.sqrt %add3A_505 : vector<512x1xf32>
    %div3A_507 = vector.broadcast %sqrt3A_506 : vector<512x1xf32> to vector<512x128xf32>
    %div3A_508 = arith.divf %sub3A_502, %div3A_507 : vector<512x128xf32>
    %mul3A_509 = vector.broadcast %get3A_292 : vector<1x128xf32> to vector<512x128xf32>
    %mul3A_510 = arith.mulf %div3A_508, %mul3A_509 : vector<512x128xf32>
    %add3A_511 = vector.broadcast %get3A_295 : vector<1x128xf32> to vector<512x128xf32>
    %add3A_512 = arith.addf %mul3A_510, %add3A_511 : vector<512x128xf32>
    %slice3A_513 = vector.extract_strided_slice %dot_general3A_289 {offsets = [0, 640], sizes = [512, 128], strides = [1, 1]} : vector<512x2048xf32> to vector<512x128xf32>
    %add3A_514 = vector.broadcast %get3A_298 : vector<1x128xf32> to vector<512x128xf32>
    %add3A_515 = arith.addf %slice3A_513, %add3A_514 : vector<512x128xf32>
    %reduce_sum3A_516 = arith.constant dense<0.000000e+00> : vector<512xf32>
    %reduce_sum3A_517 = vector.multi_reduction <add>, %add3A_515, %reduce_sum3A_516 [1] : vector<512x128xf32> to vector<512xf32>
    %broadcast_in_dim3A_518 = vector.shape_cast %reduce_sum3A_517 : vector<512xf32> to vector<512x1xf32>
    %div3A_519 = arith.constant 1.280000e+02 : f32
    %div3A_520 = vector.broadcast %div3A_519 : f32 to vector<512x1xf32>
    %div3A_521 = arith.divf %broadcast_in_dim3A_518, %div3A_520 : vector<512x1xf32>
    %jit3A_522 = arith.constant 0 : i32
    %reduce_sum3A_523 = arith.constant dense<0.000000e+00> : vector<512xf32>
    %reduce_sum3A_524 = vector.multi_reduction <add>, %add3A_515, %reduce_sum3A_523 [1] : vector<512x128xf32> to vector<512xf32>
    %broadcast_in_dim3A_525 = vector.shape_cast %reduce_sum3A_524 : vector<512xf32> to vector<512x1xf32>
    %div3A_526 = arith.constant 1.280000e+02 : f32
    %div3A_527 = vector.broadcast %div3A_526 : f32 to vector<512x1xf32>
    %div3A_528 = arith.divf %broadcast_in_dim3A_525, %div3A_527 : vector<512x1xf32>
    %sub3A_529 = vector.broadcast %div3A_528 : vector<512x1xf32> to vector<512x128xf32>
    %sub3A_530 = arith.subf %add3A_515, %sub3A_529 : vector<512x128xf32>
    %square3A_531 = arith.mulf %sub3A_530, %sub3A_530 : vector<512x128xf32>
    %convert_element_type3A_532 = arith.sitofp %jit3A_522 : i32 to f32
    %sub3A_533 = arith.constant 1.280000e+02 : f32
    %sub3A_534 = arith.subf %sub3A_533, %convert_element_type3A_532 : f32
    %reduce_sum3A_535 = arith.constant dense<0.000000e+00> : vector<512xf32>
    %reduce_sum3A_536 = vector.multi_reduction <add>, %square3A_531, %reduce_sum3A_535 [1] : vector<512x128xf32> to vector<512xf32>
    %broadcast_in_dim3A_537 = vector.shape_cast %reduce_sum3A_536 : vector<512xf32> to vector<512x1xf32>
    %div3A_538 = vector.broadcast %sub3A_534 : f32 to vector<512x1xf32>
    %div3A_539 = arith.divf %broadcast_in_dim3A_537, %div3A_538 : vector<512x1xf32>
    %gt3A_540 = arith.constant 0.000000e+00 : f32
    %gt3A_541 = arith.cmpf ogt, %sub3A_534, %gt3A_540 : f32
    %jit3A_542 = arith.constant 0x7FC00000 : f32
    %broadcast_in_dim3A_543 = vector.broadcast %jit3A_542 : f32 to vector<512x1xf32>
    %select_n3A_544 = arith.select %gt3A_541, %div3A_539, %broadcast_in_dim3A_543 : vector<512x1xf32>
    %sub3A_545 = vector.broadcast %div3A_521 : vector<512x1xf32> to vector<512x128xf32>
    %sub3A_546 = arith.subf %add3A_515, %sub3A_545 : vector<512x128xf32>
    %add3A_547 = arith.constant 9.99999974E-6 : f32
    %add3A_548 = vector.broadcast %add3A_547 : f32 to vector<512x1xf32>
    %add3A_549 = arith.addf %select_n3A_544, %add3A_548 : vector<512x1xf32>
    %sqrt3A_550 = math.sqrt %add3A_549 : vector<512x1xf32>
    %div3A_551 = vector.broadcast %sqrt3A_550 : vector<512x1xf32> to vector<512x128xf32>
    %div3A_552 = arith.divf %sub3A_546, %div3A_551 : vector<512x128xf32>
    %mul3A_553 = vector.broadcast %get3A_292 : vector<1x128xf32> to vector<512x128xf32>
    %mul3A_554 = arith.mulf %div3A_552, %mul3A_553 : vector<512x128xf32>
    %add3A_555 = vector.broadcast %get3A_295 : vector<1x128xf32> to vector<512x128xf32>
    %add3A_556 = arith.addf %mul3A_554, %add3A_555 : vector<512x128xf32>
    %slice3A_557 = vector.extract_strided_slice %dot_general3A_289 {offsets = [0, 768], sizes = [512, 128], strides = [1, 1]} : vector<512x2048xf32> to vector<512x128xf32>
    %add3A_558 = vector.broadcast %get3A_298 : vector<1x128xf32> to vector<512x128xf32>
    %add3A_559 = arith.addf %slice3A_557, %add3A_558 : vector<512x128xf32>
    %reduce_sum3A_560 = arith.constant dense<0.000000e+00> : vector<512xf32>
    %reduce_sum3A_561 = vector.multi_reduction <add>, %add3A_559, %reduce_sum3A_560 [1] : vector<512x128xf32> to vector<512xf32>
    %broadcast_in_dim3A_562 = vector.shape_cast %reduce_sum3A_561 : vector<512xf32> to vector<512x1xf32>
    %div3A_563 = arith.constant 1.280000e+02 : f32
    %div3A_564 = vector.broadcast %div3A_563 : f32 to vector<512x1xf32>
    %div3A_565 = arith.divf %broadcast_in_dim3A_562, %div3A_564 : vector<512x1xf32>
    %jit3A_566 = arith.constant 0 : i32
    %reduce_sum3A_567 = arith.constant dense<0.000000e+00> : vector<512xf32>
    %reduce_sum3A_568 = vector.multi_reduction <add>, %add3A_559, %reduce_sum3A_567 [1] : vector<512x128xf32> to vector<512xf32>
    %broadcast_in_dim3A_569 = vector.shape_cast %reduce_sum3A_568 : vector<512xf32> to vector<512x1xf32>
    %div3A_570 = arith.constant 1.280000e+02 : f32
    %div3A_571 = vector.broadcast %div3A_570 : f32 to vector<512x1xf32>
    %div3A_572 = arith.divf %broadcast_in_dim3A_569, %div3A_571 : vector<512x1xf32>
    %sub3A_573 = vector.broadcast %div3A_572 : vector<512x1xf32> to vector<512x128xf32>
    %sub3A_574 = arith.subf %add3A_559, %sub3A_573 : vector<512x128xf32>
    %square3A_575 = arith.mulf %sub3A_574, %sub3A_574 : vector<512x128xf32>
    %convert_element_type3A_576 = arith.sitofp %jit3A_566 : i32 to f32
    %sub3A_577 = arith.constant 1.280000e+02 : f32
    %sub3A_578 = arith.subf %sub3A_577, %convert_element_type3A_576 : f32
    %reduce_sum3A_579 = arith.constant dense<0.000000e+00> : vector<512xf32>
    %reduce_sum3A_580 = vector.multi_reduction <add>, %square3A_575, %reduce_sum3A_579 [1] : vector<512x128xf32> to vector<512xf32>
    %broadcast_in_dim3A_581 = vector.shape_cast %reduce_sum3A_580 : vector<512xf32> to vector<512x1xf32>
    %div3A_582 = vector.broadcast %sub3A_578 : f32 to vector<512x1xf32>
    %div3A_583 = arith.divf %broadcast_in_dim3A_581, %div3A_582 : vector<512x1xf32>
    %gt3A_584 = arith.constant 0.000000e+00 : f32
    %gt3A_585 = arith.cmpf ogt, %sub3A_578, %gt3A_584 : f32
    %jit3A_586 = arith.constant 0x7FC00000 : f32
    %broadcast_in_dim3A_587 = vector.broadcast %jit3A_586 : f32 to vector<512x1xf32>
    %select_n3A_588 = arith.select %gt3A_585, %div3A_583, %broadcast_in_dim3A_587 : vector<512x1xf32>
    %sub3A_589 = vector.broadcast %div3A_565 : vector<512x1xf32> to vector<512x128xf32>
    %sub3A_590 = arith.subf %add3A_559, %sub3A_589 : vector<512x128xf32>
    %add3A_591 = arith.constant 9.99999974E-6 : f32
    %add3A_592 = vector.broadcast %add3A_591 : f32 to vector<512x1xf32>
    %add3A_593 = arith.addf %select_n3A_588, %add3A_592 : vector<512x1xf32>
    %sqrt3A_594 = math.sqrt %add3A_593 : vector<512x1xf32>
    %div3A_595 = vector.broadcast %sqrt3A_594 : vector<512x1xf32> to vector<512x128xf32>
    %div3A_596 = arith.divf %sub3A_590, %div3A_595 : vector<512x128xf32>
    %mul3A_597 = vector.broadcast %get3A_292 : vector<1x128xf32> to vector<512x128xf32>
    %mul3A_598 = arith.mulf %div3A_596, %mul3A_597 : vector<512x128xf32>
    %add3A_599 = vector.broadcast %get3A_295 : vector<1x128xf32> to vector<512x128xf32>
    %add3A_600 = arith.addf %mul3A_598, %add3A_599 : vector<512x128xf32>
    %slice3A_601 = vector.extract_strided_slice %dot_general3A_289 {offsets = [0, 896], sizes = [512, 128], strides = [1, 1]} : vector<512x2048xf32> to vector<512x128xf32>
    %add3A_602 = vector.broadcast %get3A_298 : vector<1x128xf32> to vector<512x128xf32>
    %add3A_603 = arith.addf %slice3A_601, %add3A_602 : vector<512x128xf32>
    %reduce_sum3A_604 = arith.constant dense<0.000000e+00> : vector<512xf32>
    %reduce_sum3A_605 = vector.multi_reduction <add>, %add3A_603, %reduce_sum3A_604 [1] : vector<512x128xf32> to vector<512xf32>
    %broadcast_in_dim3A_606 = vector.shape_cast %reduce_sum3A_605 : vector<512xf32> to vector<512x1xf32>
    %div3A_607 = arith.constant 1.280000e+02 : f32
    %div3A_608 = vector.broadcast %div3A_607 : f32 to vector<512x1xf32>
    %div3A_609 = arith.divf %broadcast_in_dim3A_606, %div3A_608 : vector<512x1xf32>
    %jit3A_610 = arith.constant 0 : i32
    %reduce_sum3A_611 = arith.constant dense<0.000000e+00> : vector<512xf32>
    %reduce_sum3A_612 = vector.multi_reduction <add>, %add3A_603, %reduce_sum3A_611 [1] : vector<512x128xf32> to vector<512xf32>
    %broadcast_in_dim3A_613 = vector.shape_cast %reduce_sum3A_612 : vector<512xf32> to vector<512x1xf32>
    %div3A_614 = arith.constant 1.280000e+02 : f32
    %div3A_615 = vector.broadcast %div3A_614 : f32 to vector<512x1xf32>
    %div3A_616 = arith.divf %broadcast_in_dim3A_613, %div3A_615 : vector<512x1xf32>
    %sub3A_617 = vector.broadcast %div3A_616 : vector<512x1xf32> to vector<512x128xf32>
    %sub3A_618 = arith.subf %add3A_603, %sub3A_617 : vector<512x128xf32>
    %square3A_619 = arith.mulf %sub3A_618, %sub3A_618 : vector<512x128xf32>
    %convert_element_type3A_620 = arith.sitofp %jit3A_610 : i32 to f32
    %sub3A_621 = arith.constant 1.280000e+02 : f32
    %sub3A_622 = arith.subf %sub3A_621, %convert_element_type3A_620 : f32
    %reduce_sum3A_623 = arith.constant dense<0.000000e+00> : vector<512xf32>
    %reduce_sum3A_624 = vector.multi_reduction <add>, %square3A_619, %reduce_sum3A_623 [1] : vector<512x128xf32> to vector<512xf32>
    %broadcast_in_dim3A_625 = vector.shape_cast %reduce_sum3A_624 : vector<512xf32> to vector<512x1xf32>
    %div3A_626 = vector.broadcast %sub3A_622 : f32 to vector<512x1xf32>
    %div3A_627 = arith.divf %broadcast_in_dim3A_625, %div3A_626 : vector<512x1xf32>
    %gt3A_628 = arith.constant 0.000000e+00 : f32
    %gt3A_629 = arith.cmpf ogt, %sub3A_622, %gt3A_628 : f32
    %jit3A_630 = arith.constant 0x7FC00000 : f32
    %broadcast_in_dim3A_631 = vector.broadcast %jit3A_630 : f32 to vector<512x1xf32>
    %select_n3A_632 = arith.select %gt3A_629, %div3A_627, %broadcast_in_dim3A_631 : vector<512x1xf32>
    %sub3A_633 = vector.broadcast %div3A_609 : vector<512x1xf32> to vector<512x128xf32>
    %sub3A_634 = arith.subf %add3A_603, %sub3A_633 : vector<512x128xf32>
    %add3A_635 = arith.constant 9.99999974E-6 : f32
    %add3A_636 = vector.broadcast %add3A_635 : f32 to vector<512x1xf32>
    %add3A_637 = arith.addf %select_n3A_632, %add3A_636 : vector<512x1xf32>
    %sqrt3A_638 = math.sqrt %add3A_637 : vector<512x1xf32>
    %div3A_639 = vector.broadcast %sqrt3A_638 : vector<512x1xf32> to vector<512x128xf32>
    %div3A_640 = arith.divf %sub3A_634, %div3A_639 : vector<512x128xf32>
    %mul3A_641 = vector.broadcast %get3A_292 : vector<1x128xf32> to vector<512x128xf32>
    %mul3A_642 = arith.mulf %div3A_640, %mul3A_641 : vector<512x128xf32>
    %add3A_643 = vector.broadcast %get3A_295 : vector<1x128xf32> to vector<512x128xf32>
    %add3A_644 = arith.addf %mul3A_642, %add3A_643 : vector<512x128xf32>
    %slice3A_645 = vector.extract_strided_slice %dot_general3A_289 {offsets = [0, 1024], sizes = [512, 128], strides = [1, 1]} : vector<512x2048xf32> to vector<512x128xf32>
    %add3A_646 = vector.broadcast %get3A_298 : vector<1x128xf32> to vector<512x128xf32>
    %add3A_647 = arith.addf %slice3A_645, %add3A_646 : vector<512x128xf32>
    %reduce_sum3A_648 = arith.constant dense<0.000000e+00> : vector<512xf32>
    %reduce_sum3A_649 = vector.multi_reduction <add>, %add3A_647, %reduce_sum3A_648 [1] : vector<512x128xf32> to vector<512xf32>
    %broadcast_in_dim3A_650 = vector.shape_cast %reduce_sum3A_649 : vector<512xf32> to vector<512x1xf32>
    %div3A_651 = arith.constant 1.280000e+02 : f32
    %div3A_652 = vector.broadcast %div3A_651 : f32 to vector<512x1xf32>
    %div3A_653 = arith.divf %broadcast_in_dim3A_650, %div3A_652 : vector<512x1xf32>
    %jit3A_654 = arith.constant 0 : i32
    %reduce_sum3A_655 = arith.constant dense<0.000000e+00> : vector<512xf32>
    %reduce_sum3A_656 = vector.multi_reduction <add>, %add3A_647, %reduce_sum3A_655 [1] : vector<512x128xf32> to vector<512xf32>
    %broadcast_in_dim3A_657 = vector.shape_cast %reduce_sum3A_656 : vector<512xf32> to vector<512x1xf32>
    %div3A_658 = arith.constant 1.280000e+02 : f32
    %div3A_659 = vector.broadcast %div3A_658 : f32 to vector<512x1xf32>
    %div3A_660 = arith.divf %broadcast_in_dim3A_657, %div3A_659 : vector<512x1xf32>
    %sub3A_661 = vector.broadcast %div3A_660 : vector<512x1xf32> to vector<512x128xf32>
    %sub3A_662 = arith.subf %add3A_647, %sub3A_661 : vector<512x128xf32>
    %square3A_663 = arith.mulf %sub3A_662, %sub3A_662 : vector<512x128xf32>
    %convert_element_type3A_664 = arith.sitofp %jit3A_654 : i32 to f32
    %sub3A_665 = arith.constant 1.280000e+02 : f32
    %sub3A_666 = arith.subf %sub3A_665, %convert_element_type3A_664 : f32
    %reduce_sum3A_667 = arith.constant dense<0.000000e+00> : vector<512xf32>
    %reduce_sum3A_668 = vector.multi_reduction <add>, %square3A_663, %reduce_sum3A_667 [1] : vector<512x128xf32> to vector<512xf32>
    %broadcast_in_dim3A_669 = vector.shape_cast %reduce_sum3A_668 : vector<512xf32> to vector<512x1xf32>
    %div3A_670 = vector.broadcast %sub3A_666 : f32 to vector<512x1xf32>
    %div3A_671 = arith.divf %broadcast_in_dim3A_669, %div3A_670 : vector<512x1xf32>
    %gt3A_672 = arith.constant 0.000000e+00 : f32
    %gt3A_673 = arith.cmpf ogt, %sub3A_666, %gt3A_672 : f32
    %jit3A_674 = arith.constant 0x7FC00000 : f32
    %broadcast_in_dim3A_675 = vector.broadcast %jit3A_674 : f32 to vector<512x1xf32>
    %select_n3A_676 = arith.select %gt3A_673, %div3A_671, %broadcast_in_dim3A_675 : vector<512x1xf32>
    %sub3A_677 = vector.broadcast %div3A_653 : vector<512x1xf32> to vector<512x128xf32>
    %sub3A_678 = arith.subf %add3A_647, %sub3A_677 : vector<512x128xf32>
    %add3A_679 = arith.constant 9.99999974E-6 : f32
    %add3A_680 = vector.broadcast %add3A_679 : f32 to vector<512x1xf32>
    %add3A_681 = arith.addf %select_n3A_676, %add3A_680 : vector<512x1xf32>
    %sqrt3A_682 = math.sqrt %add3A_681 : vector<512x1xf32>
    %div3A_683 = vector.broadcast %sqrt3A_682 : vector<512x1xf32> to vector<512x128xf32>
    %div3A_684 = arith.divf %sub3A_678, %div3A_683 : vector<512x128xf32>
    %mul3A_685 = vector.broadcast %get3A_292 : vector<1x128xf32> to vector<512x128xf32>
    %mul3A_686 = arith.mulf %div3A_684, %mul3A_685 : vector<512x128xf32>
    %add3A_687 = vector.broadcast %get3A_295 : vector<1x128xf32> to vector<512x128xf32>
    %add3A_688 = arith.addf %mul3A_686, %add3A_687 : vector<512x128xf32>
    %slice3A_689 = vector.extract_strided_slice %dot_general3A_289 {offsets = [0, 1152], sizes = [512, 128], strides = [1, 1]} : vector<512x2048xf32> to vector<512x128xf32>
    %add3A_690 = vector.broadcast %get3A_298 : vector<1x128xf32> to vector<512x128xf32>
    %add3A_691 = arith.addf %slice3A_689, %add3A_690 : vector<512x128xf32>
    %reduce_sum3A_692 = arith.constant dense<0.000000e+00> : vector<512xf32>
    %reduce_sum3A_693 = vector.multi_reduction <add>, %add3A_691, %reduce_sum3A_692 [1] : vector<512x128xf32> to vector<512xf32>
    %broadcast_in_dim3A_694 = vector.shape_cast %reduce_sum3A_693 : vector<512xf32> to vector<512x1xf32>
    %div3A_695 = arith.constant 1.280000e+02 : f32
    %div3A_696 = vector.broadcast %div3A_695 : f32 to vector<512x1xf32>
    %div3A_697 = arith.divf %broadcast_in_dim3A_694, %div3A_696 : vector<512x1xf32>
    %jit3A_698 = arith.constant 0 : i32
    %reduce_sum3A_699 = arith.constant dense<0.000000e+00> : vector<512xf32>
    %reduce_sum3A_700 = vector.multi_reduction <add>, %add3A_691, %reduce_sum3A_699 [1] : vector<512x128xf32> to vector<512xf32>
    %broadcast_in_dim3A_701 = vector.shape_cast %reduce_sum3A_700 : vector<512xf32> to vector<512x1xf32>
    %div3A_702 = arith.constant 1.280000e+02 : f32
    %div3A_703 = vector.broadcast %div3A_702 : f32 to vector<512x1xf32>
    %div3A_704 = arith.divf %broadcast_in_dim3A_701, %div3A_703 : vector<512x1xf32>
    %sub3A_705 = vector.broadcast %div3A_704 : vector<512x1xf32> to vector<512x128xf32>
    %sub3A_706 = arith.subf %add3A_691, %sub3A_705 : vector<512x128xf32>
    %square3A_707 = arith.mulf %sub3A_706, %sub3A_706 : vector<512x128xf32>
    %convert_element_type3A_708 = arith.sitofp %jit3A_698 : i32 to f32
    %sub3A_709 = arith.constant 1.280000e+02 : f32
    %sub3A_710 = arith.subf %sub3A_709, %convert_element_type3A_708 : f32
    %reduce_sum3A_711 = arith.constant dense<0.000000e+00> : vector<512xf32>
    %reduce_sum3A_712 = vector.multi_reduction <add>, %square3A_707, %reduce_sum3A_711 [1] : vector<512x128xf32> to vector<512xf32>
    %broadcast_in_dim3A_713 = vector.shape_cast %reduce_sum3A_712 : vector<512xf32> to vector<512x1xf32>
    %div3A_714 = vector.broadcast %sub3A_710 : f32 to vector<512x1xf32>
    %div3A_715 = arith.divf %broadcast_in_dim3A_713, %div3A_714 : vector<512x1xf32>
    %gt3A_716 = arith.constant 0.000000e+00 : f32
    %gt3A_717 = arith.cmpf ogt, %sub3A_710, %gt3A_716 : f32
    %jit3A_718 = arith.constant 0x7FC00000 : f32
    %broadcast_in_dim3A_719 = vector.broadcast %jit3A_718 : f32 to vector<512x1xf32>
    %select_n3A_720 = arith.select %gt3A_717, %div3A_715, %broadcast_in_dim3A_719 : vector<512x1xf32>
    %sub3A_721 = vector.broadcast %div3A_697 : vector<512x1xf32> to vector<512x128xf32>
    %sub3A_722 = arith.subf %add3A_691, %sub3A_721 : vector<512x128xf32>
    %add3A_723 = arith.constant 9.99999974E-6 : f32
    %add3A_724 = vector.broadcast %add3A_723 : f32 to vector<512x1xf32>
    %add3A_725 = arith.addf %select_n3A_720, %add3A_724 : vector<512x1xf32>
    %sqrt3A_726 = math.sqrt %add3A_725 : vector<512x1xf32>
    %div3A_727 = vector.broadcast %sqrt3A_726 : vector<512x1xf32> to vector<512x128xf32>
    %div3A_728 = arith.divf %sub3A_722, %div3A_727 : vector<512x128xf32>
    %mul3A_729 = vector.broadcast %get3A_292 : vector<1x128xf32> to vector<512x128xf32>
    %mul3A_730 = arith.mulf %div3A_728, %mul3A_729 : vector<512x128xf32>
    %add3A_731 = vector.broadcast %get3A_295 : vector<1x128xf32> to vector<512x128xf32>
    %add3A_732 = arith.addf %mul3A_730, %add3A_731 : vector<512x128xf32>
    %slice3A_733 = vector.extract_strided_slice %dot_general3A_289 {offsets = [0, 1280], sizes = [512, 128], strides = [1, 1]} : vector<512x2048xf32> to vector<512x128xf32>
    %add3A_734 = vector.broadcast %get3A_298 : vector<1x128xf32> to vector<512x128xf32>
    %add3A_735 = arith.addf %slice3A_733, %add3A_734 : vector<512x128xf32>
    %reduce_sum3A_736 = arith.constant dense<0.000000e+00> : vector<512xf32>
    %reduce_sum3A_737 = vector.multi_reduction <add>, %add3A_735, %reduce_sum3A_736 [1] : vector<512x128xf32> to vector<512xf32>
    %broadcast_in_dim3A_738 = vector.shape_cast %reduce_sum3A_737 : vector<512xf32> to vector<512x1xf32>
    %div3A_739 = arith.constant 1.280000e+02 : f32
    %div3A_740 = vector.broadcast %div3A_739 : f32 to vector<512x1xf32>
    %div3A_741 = arith.divf %broadcast_in_dim3A_738, %div3A_740 : vector<512x1xf32>
    %jit3A_742 = arith.constant 0 : i32
    %reduce_sum3A_743 = arith.constant dense<0.000000e+00> : vector<512xf32>
    %reduce_sum3A_744 = vector.multi_reduction <add>, %add3A_735, %reduce_sum3A_743 [1] : vector<512x128xf32> to vector<512xf32>
    %broadcast_in_dim3A_745 = vector.shape_cast %reduce_sum3A_744 : vector<512xf32> to vector<512x1xf32>
    %div3A_746 = arith.constant 1.280000e+02 : f32
    %div3A_747 = vector.broadcast %div3A_746 : f32 to vector<512x1xf32>
    %div3A_748 = arith.divf %broadcast_in_dim3A_745, %div3A_747 : vector<512x1xf32>
    %sub3A_749 = vector.broadcast %div3A_748 : vector<512x1xf32> to vector<512x128xf32>
    %sub3A_750 = arith.subf %add3A_735, %sub3A_749 : vector<512x128xf32>
    %square3A_751 = arith.mulf %sub3A_750, %sub3A_750 : vector<512x128xf32>
    %convert_element_type3A_752 = arith.sitofp %jit3A_742 : i32 to f32
    %sub3A_753 = arith.constant 1.280000e+02 : f32
    %sub3A_754 = arith.subf %sub3A_753, %convert_element_type3A_752 : f32
    %reduce_sum3A_755 = arith.constant dense<0.000000e+00> : vector<512xf32>
    %reduce_sum3A_756 = vector.multi_reduction <add>, %square3A_751, %reduce_sum3A_755 [1] : vector<512x128xf32> to vector<512xf32>
    %broadcast_in_dim3A_757 = vector.shape_cast %reduce_sum3A_756 : vector<512xf32> to vector<512x1xf32>
    %div3A_758 = vector.broadcast %sub3A_754 : f32 to vector<512x1xf32>
    %div3A_759 = arith.divf %broadcast_in_dim3A_757, %div3A_758 : vector<512x1xf32>
    %gt3A_760 = arith.constant 0.000000e+00 : f32
    %gt3A_761 = arith.cmpf ogt, %sub3A_754, %gt3A_760 : f32
    %jit3A_762 = arith.constant 0x7FC00000 : f32
    %broadcast_in_dim3A_763 = vector.broadcast %jit3A_762 : f32 to vector<512x1xf32>
    %select_n3A_764 = arith.select %gt3A_761, %div3A_759, %broadcast_in_dim3A_763 : vector<512x1xf32>
    %sub3A_765 = vector.broadcast %div3A_741 : vector<512x1xf32> to vector<512x128xf32>
    %sub3A_766 = arith.subf %add3A_735, %sub3A_765 : vector<512x128xf32>
    %add3A_767 = arith.constant 9.99999974E-6 : f32
    %add3A_768 = vector.broadcast %add3A_767 : f32 to vector<512x1xf32>
    %add3A_769 = arith.addf %select_n3A_764, %add3A_768 : vector<512x1xf32>
    %sqrt3A_770 = math.sqrt %add3A_769 : vector<512x1xf32>
    %div3A_771 = vector.broadcast %sqrt3A_770 : vector<512x1xf32> to vector<512x128xf32>
    %div3A_772 = arith.divf %sub3A_766, %div3A_771 : vector<512x128xf32>
    %mul3A_773 = vector.broadcast %get3A_292 : vector<1x128xf32> to vector<512x128xf32>
    %mul3A_774 = arith.mulf %div3A_772, %mul3A_773 : vector<512x128xf32>
    %add3A_775 = vector.broadcast %get3A_295 : vector<1x128xf32> to vector<512x128xf32>
    %add3A_776 = arith.addf %mul3A_774, %add3A_775 : vector<512x128xf32>
    %slice3A_777 = vector.extract_strided_slice %dot_general3A_289 {offsets = [0, 1408], sizes = [512, 128], strides = [1, 1]} : vector<512x2048xf32> to vector<512x128xf32>
    %add3A_778 = vector.broadcast %get3A_298 : vector<1x128xf32> to vector<512x128xf32>
    %add3A_779 = arith.addf %slice3A_777, %add3A_778 : vector<512x128xf32>
    %reduce_sum3A_780 = arith.constant dense<0.000000e+00> : vector<512xf32>
    %reduce_sum3A_781 = vector.multi_reduction <add>, %add3A_779, %reduce_sum3A_780 [1] : vector<512x128xf32> to vector<512xf32>
    %broadcast_in_dim3A_782 = vector.shape_cast %reduce_sum3A_781 : vector<512xf32> to vector<512x1xf32>
    %div3A_783 = arith.constant 1.280000e+02 : f32
    %div3A_784 = vector.broadcast %div3A_783 : f32 to vector<512x1xf32>
    %div3A_785 = arith.divf %broadcast_in_dim3A_782, %div3A_784 : vector<512x1xf32>
    %jit3A_786 = arith.constant 0 : i32
    %reduce_sum3A_787 = arith.constant dense<0.000000e+00> : vector<512xf32>
    %reduce_sum3A_788 = vector.multi_reduction <add>, %add3A_779, %reduce_sum3A_787 [1] : vector<512x128xf32> to vector<512xf32>
    %broadcast_in_dim3A_789 = vector.shape_cast %reduce_sum3A_788 : vector<512xf32> to vector<512x1xf32>
    %div3A_790 = arith.constant 1.280000e+02 : f32
    %div3A_791 = vector.broadcast %div3A_790 : f32 to vector<512x1xf32>
    %div3A_792 = arith.divf %broadcast_in_dim3A_789, %div3A_791 : vector<512x1xf32>
    %sub3A_793 = vector.broadcast %div3A_792 : vector<512x1xf32> to vector<512x128xf32>
    %sub3A_794 = arith.subf %add3A_779, %sub3A_793 : vector<512x128xf32>
    %square3A_795 = arith.mulf %sub3A_794, %sub3A_794 : vector<512x128xf32>
    %convert_element_type3A_796 = arith.sitofp %jit3A_786 : i32 to f32
    %sub3A_797 = arith.constant 1.280000e+02 : f32
    %sub3A_798 = arith.subf %sub3A_797, %convert_element_type3A_796 : f32
    %reduce_sum3A_799 = arith.constant dense<0.000000e+00> : vector<512xf32>
    %reduce_sum3A_800 = vector.multi_reduction <add>, %square3A_795, %reduce_sum3A_799 [1] : vector<512x128xf32> to vector<512xf32>
    %broadcast_in_dim3A_801 = vector.shape_cast %reduce_sum3A_800 : vector<512xf32> to vector<512x1xf32>
    %div3A_802 = vector.broadcast %sub3A_798 : f32 to vector<512x1xf32>
    %div3A_803 = arith.divf %broadcast_in_dim3A_801, %div3A_802 : vector<512x1xf32>
    %gt3A_804 = arith.constant 0.000000e+00 : f32
    %gt3A_805 = arith.cmpf ogt, %sub3A_798, %gt3A_804 : f32
    %jit3A_806 = arith.constant 0x7FC00000 : f32
    %broadcast_in_dim3A_807 = vector.broadcast %jit3A_806 : f32 to vector<512x1xf32>
    %select_n3A_808 = arith.select %gt3A_805, %div3A_803, %broadcast_in_dim3A_807 : vector<512x1xf32>
    %sub3A_809 = vector.broadcast %div3A_785 : vector<512x1xf32> to vector<512x128xf32>
    %sub3A_810 = arith.subf %add3A_779, %sub3A_809 : vector<512x128xf32>
    %add3A_811 = arith.constant 9.99999974E-6 : f32
    %add3A_812 = vector.broadcast %add3A_811 : f32 to vector<512x1xf32>
    %add3A_813 = arith.addf %select_n3A_808, %add3A_812 : vector<512x1xf32>
    %sqrt3A_814 = math.sqrt %add3A_813 : vector<512x1xf32>
    %div3A_815 = vector.broadcast %sqrt3A_814 : vector<512x1xf32> to vector<512x128xf32>
    %div3A_816 = arith.divf %sub3A_810, %div3A_815 : vector<512x128xf32>
    %mul3A_817 = vector.broadcast %get3A_292 : vector<1x128xf32> to vector<512x128xf32>
    %mul3A_818 = arith.mulf %div3A_816, %mul3A_817 : vector<512x128xf32>
    %add3A_819 = vector.broadcast %get3A_295 : vector<1x128xf32> to vector<512x128xf32>
    %add3A_820 = arith.addf %mul3A_818, %add3A_819 : vector<512x128xf32>
    %slice3A_821 = vector.extract_strided_slice %dot_general3A_289 {offsets = [0, 1536], sizes = [512, 128], strides = [1, 1]} : vector<512x2048xf32> to vector<512x128xf32>
    %add3A_822 = vector.broadcast %get3A_298 : vector<1x128xf32> to vector<512x128xf32>
    %add3A_823 = arith.addf %slice3A_821, %add3A_822 : vector<512x128xf32>
    %reduce_sum3A_824 = arith.constant dense<0.000000e+00> : vector<512xf32>
    %reduce_sum3A_825 = vector.multi_reduction <add>, %add3A_823, %reduce_sum3A_824 [1] : vector<512x128xf32> to vector<512xf32>
    %broadcast_in_dim3A_826 = vector.shape_cast %reduce_sum3A_825 : vector<512xf32> to vector<512x1xf32>
    %div3A_827 = arith.constant 1.280000e+02 : f32
    %div3A_828 = vector.broadcast %div3A_827 : f32 to vector<512x1xf32>
    %div3A_829 = arith.divf %broadcast_in_dim3A_826, %div3A_828 : vector<512x1xf32>
    %jit3A_830 = arith.constant 0 : i32
    %reduce_sum3A_831 = arith.constant dense<0.000000e+00> : vector<512xf32>
    %reduce_sum3A_832 = vector.multi_reduction <add>, %add3A_823, %reduce_sum3A_831 [1] : vector<512x128xf32> to vector<512xf32>
    %broadcast_in_dim3A_833 = vector.shape_cast %reduce_sum3A_832 : vector<512xf32> to vector<512x1xf32>
    %div3A_834 = arith.constant 1.280000e+02 : f32
    %div3A_835 = vector.broadcast %div3A_834 : f32 to vector<512x1xf32>
    %div3A_836 = arith.divf %broadcast_in_dim3A_833, %div3A_835 : vector<512x1xf32>
    %sub3A_837 = vector.broadcast %div3A_836 : vector<512x1xf32> to vector<512x128xf32>
    %sub3A_838 = arith.subf %add3A_823, %sub3A_837 : vector<512x128xf32>
    %square3A_839 = arith.mulf %sub3A_838, %sub3A_838 : vector<512x128xf32>
    %convert_element_type3A_840 = arith.sitofp %jit3A_830 : i32 to f32
    %sub3A_841 = arith.constant 1.280000e+02 : f32
    %sub3A_842 = arith.subf %sub3A_841, %convert_element_type3A_840 : f32
    %reduce_sum3A_843 = arith.constant dense<0.000000e+00> : vector<512xf32>
    %reduce_sum3A_844 = vector.multi_reduction <add>, %square3A_839, %reduce_sum3A_843 [1] : vector<512x128xf32> to vector<512xf32>
    %broadcast_in_dim3A_845 = vector.shape_cast %reduce_sum3A_844 : vector<512xf32> to vector<512x1xf32>
    %div3A_846 = vector.broadcast %sub3A_842 : f32 to vector<512x1xf32>
    %div3A_847 = arith.divf %broadcast_in_dim3A_845, %div3A_846 : vector<512x1xf32>
    %gt3A_848 = arith.constant 0.000000e+00 : f32
    %gt3A_849 = arith.cmpf ogt, %sub3A_842, %gt3A_848 : f32
    %jit3A_850 = arith.constant 0x7FC00000 : f32
    %broadcast_in_dim3A_851 = vector.broadcast %jit3A_850 : f32 to vector<512x1xf32>
    %select_n3A_852 = arith.select %gt3A_849, %div3A_847, %broadcast_in_dim3A_851 : vector<512x1xf32>
    %sub3A_853 = vector.broadcast %div3A_829 : vector<512x1xf32> to vector<512x128xf32>
    %sub3A_854 = arith.subf %add3A_823, %sub3A_853 : vector<512x128xf32>
    %add3A_855 = arith.constant 9.99999974E-6 : f32
    %add3A_856 = vector.broadcast %add3A_855 : f32 to vector<512x1xf32>
    %add3A_857 = arith.addf %select_n3A_852, %add3A_856 : vector<512x1xf32>
    %sqrt3A_858 = math.sqrt %add3A_857 : vector<512x1xf32>
    %div3A_859 = vector.broadcast %sqrt3A_858 : vector<512x1xf32> to vector<512x128xf32>
    %div3A_860 = arith.divf %sub3A_854, %div3A_859 : vector<512x128xf32>
    %mul3A_861 = vector.broadcast %get3A_292 : vector<1x128xf32> to vector<512x128xf32>
    %mul3A_862 = arith.mulf %div3A_860, %mul3A_861 : vector<512x128xf32>
    %add3A_863 = vector.broadcast %get3A_295 : vector<1x128xf32> to vector<512x128xf32>
    %add3A_864 = arith.addf %mul3A_862, %add3A_863 : vector<512x128xf32>
    %slice3A_865 = vector.extract_strided_slice %dot_general3A_289 {offsets = [0, 1664], sizes = [512, 128], strides = [1, 1]} : vector<512x2048xf32> to vector<512x128xf32>
    %add3A_866 = vector.broadcast %get3A_298 : vector<1x128xf32> to vector<512x128xf32>
    %add3A_867 = arith.addf %slice3A_865, %add3A_866 : vector<512x128xf32>
    %reduce_sum3A_868 = arith.constant dense<0.000000e+00> : vector<512xf32>
    %reduce_sum3A_869 = vector.multi_reduction <add>, %add3A_867, %reduce_sum3A_868 [1] : vector<512x128xf32> to vector<512xf32>
    %broadcast_in_dim3A_870 = vector.shape_cast %reduce_sum3A_869 : vector<512xf32> to vector<512x1xf32>
    %div3A_871 = arith.constant 1.280000e+02 : f32
    %div3A_872 = vector.broadcast %div3A_871 : f32 to vector<512x1xf32>
    %div3A_873 = arith.divf %broadcast_in_dim3A_870, %div3A_872 : vector<512x1xf32>
    %jit3A_874 = arith.constant 0 : i32
    %reduce_sum3A_875 = arith.constant dense<0.000000e+00> : vector<512xf32>
    %reduce_sum3A_876 = vector.multi_reduction <add>, %add3A_867, %reduce_sum3A_875 [1] : vector<512x128xf32> to vector<512xf32>
    %broadcast_in_dim3A_877 = vector.shape_cast %reduce_sum3A_876 : vector<512xf32> to vector<512x1xf32>
    %div3A_878 = arith.constant 1.280000e+02 : f32
    %div3A_879 = vector.broadcast %div3A_878 : f32 to vector<512x1xf32>
    %div3A_880 = arith.divf %broadcast_in_dim3A_877, %div3A_879 : vector<512x1xf32>
    %sub3A_881 = vector.broadcast %div3A_880 : vector<512x1xf32> to vector<512x128xf32>
    %sub3A_882 = arith.subf %add3A_867, %sub3A_881 : vector<512x128xf32>
    %square3A_883 = arith.mulf %sub3A_882, %sub3A_882 : vector<512x128xf32>
    %convert_element_type3A_884 = arith.sitofp %jit3A_874 : i32 to f32
    %sub3A_885 = arith.constant 1.280000e+02 : f32
    %sub3A_886 = arith.subf %sub3A_885, %convert_element_type3A_884 : f32
    %reduce_sum3A_887 = arith.constant dense<0.000000e+00> : vector<512xf32>
    %reduce_sum3A_888 = vector.multi_reduction <add>, %square3A_883, %reduce_sum3A_887 [1] : vector<512x128xf32> to vector<512xf32>
    %broadcast_in_dim3A_889 = vector.shape_cast %reduce_sum3A_888 : vector<512xf32> to vector<512x1xf32>
    %div3A_890 = vector.broadcast %sub3A_886 : f32 to vector<512x1xf32>
    %div3A_891 = arith.divf %broadcast_in_dim3A_889, %div3A_890 : vector<512x1xf32>
    %gt3A_892 = arith.constant 0.000000e+00 : f32
    %gt3A_893 = arith.cmpf ogt, %sub3A_886, %gt3A_892 : f32
    %jit3A_894 = arith.constant 0x7FC00000 : f32
    %broadcast_in_dim3A_895 = vector.broadcast %jit3A_894 : f32 to vector<512x1xf32>
    %select_n3A_896 = arith.select %gt3A_893, %div3A_891, %broadcast_in_dim3A_895 : vector<512x1xf32>
    %sub3A_897 = vector.broadcast %div3A_873 : vector<512x1xf32> to vector<512x128xf32>
    %sub3A_898 = arith.subf %add3A_867, %sub3A_897 : vector<512x128xf32>
    %add3A_899 = arith.constant 9.99999974E-6 : f32
    %add3A_900 = vector.broadcast %add3A_899 : f32 to vector<512x1xf32>
    %add3A_901 = arith.addf %select_n3A_896, %add3A_900 : vector<512x1xf32>
    %sqrt3A_902 = math.sqrt %add3A_901 : vector<512x1xf32>
    %div3A_903 = vector.broadcast %sqrt3A_902 : vector<512x1xf32> to vector<512x128xf32>
    %div3A_904 = arith.divf %sub3A_898, %div3A_903 : vector<512x128xf32>
    %mul3A_905 = vector.broadcast %get3A_292 : vector<1x128xf32> to vector<512x128xf32>
    %mul3A_906 = arith.mulf %div3A_904, %mul3A_905 : vector<512x128xf32>
    %add3A_907 = vector.broadcast %get3A_295 : vector<1x128xf32> to vector<512x128xf32>
    %add3A_908 = arith.addf %mul3A_906, %add3A_907 : vector<512x128xf32>
    %slice3A_909 = vector.extract_strided_slice %dot_general3A_289 {offsets = [0, 1792], sizes = [512, 128], strides = [1, 1]} : vector<512x2048xf32> to vector<512x128xf32>
    %add3A_910 = vector.broadcast %get3A_298 : vector<1x128xf32> to vector<512x128xf32>
    %add3A_911 = arith.addf %slice3A_909, %add3A_910 : vector<512x128xf32>
    %reduce_sum3A_912 = arith.constant dense<0.000000e+00> : vector<512xf32>
    %reduce_sum3A_913 = vector.multi_reduction <add>, %add3A_911, %reduce_sum3A_912 [1] : vector<512x128xf32> to vector<512xf32>
    %broadcast_in_dim3A_914 = vector.shape_cast %reduce_sum3A_913 : vector<512xf32> to vector<512x1xf32>
    %div3A_915 = arith.constant 1.280000e+02 : f32
    %div3A_916 = vector.broadcast %div3A_915 : f32 to vector<512x1xf32>
    %div3A_917 = arith.divf %broadcast_in_dim3A_914, %div3A_916 : vector<512x1xf32>
    %jit3A_918 = arith.constant 0 : i32
    %reduce_sum3A_919 = arith.constant dense<0.000000e+00> : vector<512xf32>
    %reduce_sum3A_920 = vector.multi_reduction <add>, %add3A_911, %reduce_sum3A_919 [1] : vector<512x128xf32> to vector<512xf32>
    %broadcast_in_dim3A_921 = vector.shape_cast %reduce_sum3A_920 : vector<512xf32> to vector<512x1xf32>
    %div3A_922 = arith.constant 1.280000e+02 : f32
    %div3A_923 = vector.broadcast %div3A_922 : f32 to vector<512x1xf32>
    %div3A_924 = arith.divf %broadcast_in_dim3A_921, %div3A_923 : vector<512x1xf32>
    %sub3A_925 = vector.broadcast %div3A_924 : vector<512x1xf32> to vector<512x128xf32>
    %sub3A_926 = arith.subf %add3A_911, %sub3A_925 : vector<512x128xf32>
    %square3A_927 = arith.mulf %sub3A_926, %sub3A_926 : vector<512x128xf32>
    %convert_element_type3A_928 = arith.sitofp %jit3A_918 : i32 to f32
    %sub3A_929 = arith.constant 1.280000e+02 : f32
    %sub3A_930 = arith.subf %sub3A_929, %convert_element_type3A_928 : f32
    %reduce_sum3A_931 = arith.constant dense<0.000000e+00> : vector<512xf32>
    %reduce_sum3A_932 = vector.multi_reduction <add>, %square3A_927, %reduce_sum3A_931 [1] : vector<512x128xf32> to vector<512xf32>
    %broadcast_in_dim3A_933 = vector.shape_cast %reduce_sum3A_932 : vector<512xf32> to vector<512x1xf32>
    %div3A_934 = vector.broadcast %sub3A_930 : f32 to vector<512x1xf32>
    %div3A_935 = arith.divf %broadcast_in_dim3A_933, %div3A_934 : vector<512x1xf32>
    %gt3A_936 = arith.constant 0.000000e+00 : f32
    %gt3A_937 = arith.cmpf ogt, %sub3A_930, %gt3A_936 : f32
    %jit3A_938 = arith.constant 0x7FC00000 : f32
    %broadcast_in_dim3A_939 = vector.broadcast %jit3A_938 : f32 to vector<512x1xf32>
    %select_n3A_940 = arith.select %gt3A_937, %div3A_935, %broadcast_in_dim3A_939 : vector<512x1xf32>
    %sub3A_941 = vector.broadcast %div3A_917 : vector<512x1xf32> to vector<512x128xf32>
    %sub3A_942 = arith.subf %add3A_911, %sub3A_941 : vector<512x128xf32>
    %add3A_943 = arith.constant 9.99999974E-6 : f32
    %add3A_944 = vector.broadcast %add3A_943 : f32 to vector<512x1xf32>
    %add3A_945 = arith.addf %select_n3A_940, %add3A_944 : vector<512x1xf32>
    %sqrt3A_946 = math.sqrt %add3A_945 : vector<512x1xf32>
    %div3A_947 = vector.broadcast %sqrt3A_946 : vector<512x1xf32> to vector<512x128xf32>
    %div3A_948 = arith.divf %sub3A_942, %div3A_947 : vector<512x128xf32>
    %mul3A_949 = vector.broadcast %get3A_292 : vector<1x128xf32> to vector<512x128xf32>
    %mul3A_950 = arith.mulf %div3A_948, %mul3A_949 : vector<512x128xf32>
    %add3A_951 = vector.broadcast %get3A_295 : vector<1x128xf32> to vector<512x128xf32>
    %add3A_952 = arith.addf %mul3A_950, %add3A_951 : vector<512x128xf32>
    %slice3A_953 = vector.extract_strided_slice %dot_general3A_289 {offsets = [0, 1920], sizes = [512, 128], strides = [1, 1]} : vector<512x2048xf32> to vector<512x128xf32>
    %add3A_954 = vector.broadcast %get3A_298 : vector<1x128xf32> to vector<512x128xf32>
    %add3A_955 = arith.addf %slice3A_953, %add3A_954 : vector<512x128xf32>
    %reduce_sum3A_956 = arith.constant dense<0.000000e+00> : vector<512xf32>
    %reduce_sum3A_957 = vector.multi_reduction <add>, %add3A_955, %reduce_sum3A_956 [1] : vector<512x128xf32> to vector<512xf32>
    %broadcast_in_dim3A_958 = vector.shape_cast %reduce_sum3A_957 : vector<512xf32> to vector<512x1xf32>
    %div3A_959 = arith.constant 1.280000e+02 : f32
    %div3A_960 = vector.broadcast %div3A_959 : f32 to vector<512x1xf32>
    %div3A_961 = arith.divf %broadcast_in_dim3A_958, %div3A_960 : vector<512x1xf32>
    %jit3A_962 = arith.constant 0 : i32
    %reduce_sum3A_963 = arith.constant dense<0.000000e+00> : vector<512xf32>
    %reduce_sum3A_964 = vector.multi_reduction <add>, %add3A_955, %reduce_sum3A_963 [1] : vector<512x128xf32> to vector<512xf32>
    %broadcast_in_dim3A_965 = vector.shape_cast %reduce_sum3A_964 : vector<512xf32> to vector<512x1xf32>
    %div3A_966 = arith.constant 1.280000e+02 : f32
    %div3A_967 = vector.broadcast %div3A_966 : f32 to vector<512x1xf32>
    %div3A_968 = arith.divf %broadcast_in_dim3A_965, %div3A_967 : vector<512x1xf32>
    %sub3A_969 = vector.broadcast %div3A_968 : vector<512x1xf32> to vector<512x128xf32>
    %sub3A_970 = arith.subf %add3A_955, %sub3A_969 : vector<512x128xf32>
    %square3A_971 = arith.mulf %sub3A_970, %sub3A_970 : vector<512x128xf32>
    %convert_element_type3A_972 = arith.sitofp %jit3A_962 : i32 to f32
    %sub3A_973 = arith.constant 1.280000e+02 : f32
    %sub3A_974 = arith.subf %sub3A_973, %convert_element_type3A_972 : f32
    %reduce_sum3A_975 = arith.constant dense<0.000000e+00> : vector<512xf32>
    %reduce_sum3A_976 = vector.multi_reduction <add>, %square3A_971, %reduce_sum3A_975 [1] : vector<512x128xf32> to vector<512xf32>
    %broadcast_in_dim3A_977 = vector.shape_cast %reduce_sum3A_976 : vector<512xf32> to vector<512x1xf32>
    %div3A_978 = vector.broadcast %sub3A_974 : f32 to vector<512x1xf32>
    %div3A_979 = arith.divf %broadcast_in_dim3A_977, %div3A_978 : vector<512x1xf32>
    %gt3A_980 = arith.constant 0.000000e+00 : f32
    %gt3A_981 = arith.cmpf ogt, %sub3A_974, %gt3A_980 : f32
    %jit3A_982 = arith.constant 0x7FC00000 : f32
    %broadcast_in_dim3A_983 = vector.broadcast %jit3A_982 : f32 to vector<512x1xf32>
    %select_n3A_984 = arith.select %gt3A_981, %div3A_979, %broadcast_in_dim3A_983 : vector<512x1xf32>
    %sub3A_985 = vector.broadcast %div3A_961 : vector<512x1xf32> to vector<512x128xf32>
    %sub3A_986 = arith.subf %add3A_955, %sub3A_985 : vector<512x128xf32>
    %add3A_987 = arith.constant 9.99999974E-6 : f32
    %add3A_988 = vector.broadcast %add3A_987 : f32 to vector<512x1xf32>
    %add3A_989 = arith.addf %select_n3A_984, %add3A_988 : vector<512x1xf32>
    %sqrt3A_990 = math.sqrt %add3A_989 : vector<512x1xf32>
    %div3A_991 = vector.broadcast %sqrt3A_990 : vector<512x1xf32> to vector<512x128xf32>
    %div3A_992 = arith.divf %sub3A_986, %div3A_991 : vector<512x128xf32>
    %mul3A_993 = vector.broadcast %get3A_292 : vector<1x128xf32> to vector<512x128xf32>
    %mul3A_994 = arith.mulf %div3A_992, %mul3A_993 : vector<512x128xf32>
    %add3A_995 = vector.broadcast %get3A_295 : vector<1x128xf32> to vector<512x128xf32>
    %add3A_996 = arith.addf %mul3A_994, %add3A_995 : vector<512x128xf32>
    %concatenate3A_997 = tpu.concatenate %add3A_336, %add3A_380, %add3A_424, %add3A_468, %add3A_512, %add3A_556, %add3A_600, %add3A_644, %add3A_688, %add3A_732, %add3A_776, %add3A_820, %add3A_864, %add3A_908, %add3A_952, %add3A_996 in 1 : vector<512x128xf32>, vector<512x128xf32>, vector<512x128xf32>, vector<512x128xf32>, vector<512x128xf32>, vector<512x128xf32>, vector<512x128xf32>, vector<512x128xf32>, vector<512x128xf32>, vector<512x128xf32>, vector<512x128xf32>, vector<512x128xf32>, vector<512x128xf32>, vector<512x128xf32>, vector<512x128xf32>, vector<512x128xf32> -> vector<512x2048xf32>
    %swap3A = arith.constant 0 : index
    %swap3A_998 = arith.constant 0 : index
    %swap3A_999 = vector.load %arg8[%swap3A, %swap3A_998] : memref<512x2048xf32, #tpu.memory_space<vmem>>, vector<512x2048xf32>
    tpu.vector_store %arg8[%swap3A, %swap3A_998], %concatenate3A_997 {strides = array<i32>} : memref<512x2048xf32, #tpu.memory_space<vmem>>, vector<512x2048xf32>,
    return
  }
  func.func @transform_0(%arg0: i32) -> (i32, i32) {
    %c0_i32 = arith.constant 0 : i32
    %c0_i32_0 = arith.constant 0 : i32
    return %arg0, %c0_i32 : i32, i32
  }
  func.func @transform_1(%arg0: i32) -> (i32, i32) {
    %c0_i32 = arith.constant 0 : i32
    %c0_i32_0 = arith.constant 0 : i32
    return %arg0, %c0_i32 : i32, i32
  }
  func.func @transform_2(%arg0: i32) -> (i32, i32) {
    %c0_i32 = arith.constant 0 : i32
    %c0_i32_0 = arith.constant 0 : i32
    %c0_i32_1 = arith.constant 0 : i32
    return %c0_i32, %c0_i32_0 : i32, i32
  }
  func.func @transform_3(%arg0: i32) -> (i32, i32) {
    %c0_i32 = arith.constant 0 : i32
    %c0_i32_0 = arith.constant 0 : i32
    %c0_i32_1 = arith.constant 0 : i32
    return %c0_i32, %c0_i32_0 : i32, i32
  }
  func.func @transform_4(%arg0: i32) -> (i32, i32) {
    %c0_i32 = arith.constant 0 : i32
    %c0_i32_0 = arith.constant 0 : i32
    %c0_i32_1 = arith.constant 0 : i32
    return %c0_i32, %c0_i32_0 : i32, i32
  }
  func.func @transform_5(%arg0: i32) -> (i32, i32) {
    %c0_i32 = arith.constant 0 : i32
    %c0_i32_0 = arith.constant 0 : i32
    %c0_i32_1 = arith.constant 0 : i32
    return %c0_i32, %c0_i32_0 : i32, i32
  }
  func.func @transform_6(%arg0: i32) -> (i32, i32) {
    %c0_i32 = arith.constant 0 : i32
    %c0_i32_0 = arith.constant 0 : i32
    %c0_i32_1 = arith.constant 0 : i32
    return %c0_i32, %c0_i32_0 : i32, i32
  }
  func.func @transform_7(%arg0: i32) -> (i32, i32) {
    %c0_i32 = arith.constant 0 : i32
    %c0_i32_0 = arith.constant 0 : i32
    return %arg0, %c0_i32 : i32, i32
  }
}

module attributes {stable_mosaic.version = 14 : i64} {
  func.func @_node_body(%arg0: i32, %arg1: memref<2048x3xf32, #tpu.memory_space<vmem>>, %arg2: memref<2048x32xf32, #tpu.memory_space<vmem>>, %arg3: memref<2048x1xi32, #tpu.memory_space<vmem>>, %arg4: memref<1x80xf32, #tpu.memory_space<vmem>>, %arg5: memref<120x64xf32, #tpu.memory_space<vmem>>, %arg6: memref<1x64xf32, #tpu.memory_space<vmem>>, %arg7: memref<148x128xf32, #tpu.memory_space<vmem>>, %arg8: memref<1x128xf32, #tpu.memory_space<vmem>>, %arg9: memref<1x128xf32, #tpu.memory_space<vmem>>, %arg10: memref<1x128xf32, #tpu.memory_space<vmem>>, %arg11: memref<120x128xf32, #tpu.memory_space<vmem>>, %arg12: memref<1x128xf32, #tpu.memory_space<vmem>>, %arg13: memref<1x128xf32, #tpu.memory_space<vmem>>, %arg14: memref<1x128xf32, #tpu.memory_space<vmem>>, %arg15: memref<2048x128xf32, #tpu.memory_space<vmem>>, %arg16: memref<2048x128xf32, #tpu.memory_space<vmem>>) attributes {dimension_semantics = [#tpu.dimension_semantics<arbitrary>], iteration_bounds = array<i64: 16>, scalar_prefetch = 0 : i64, scratch_operands = 0 : i64, tpu.core_type = #tpu.core_type<tc>, window_params = [{transform_indices = @transform_0, window_bounds = array<i64: 2048, 3>}, {transform_indices = @transform_1, window_bounds = array<i64: 2048, 32>}, {transform_indices = @transform_2, window_bounds = array<i64: 2048, 1>}, {pipeline_mode = #tpu.pipeline_mode<synchronous>, transform_indices = @transform_3, window_bounds = array<i64: 1, 80>}, {pipeline_mode = #tpu.pipeline_mode<synchronous>, transform_indices = @transform_4, window_bounds = array<i64: 120, 64>}, {pipeline_mode = #tpu.pipeline_mode<synchronous>, transform_indices = @transform_5, window_bounds = array<i64: 1, 64>}, {pipeline_mode = #tpu.pipeline_mode<synchronous>, transform_indices = @transform_6, window_bounds = array<i64: 148, 128>}, {pipeline_mode = #tpu.pipeline_mode<synchronous>, transform_indices = @transform_7, window_bounds = array<i64: 1, 128>}, {pipeline_mode = #tpu.pipeline_mode<synchronous>, transform_indices = @transform_8, window_bounds = array<i64: 1, 128>}, {pipeline_mode = #tpu.pipeline_mode<synchronous>, transform_indices = @transform_9, window_bounds = array<i64: 1, 128>}, {pipeline_mode = #tpu.pipeline_mode<synchronous>, transform_indices = @transform_10, window_bounds = array<i64: 120, 128>}, {pipeline_mode = #tpu.pipeline_mode<synchronous>, transform_indices = @transform_11, window_bounds = array<i64: 1, 128>}, {pipeline_mode = #tpu.pipeline_mode<synchronous>, transform_indices = @transform_12, window_bounds = array<i64: 1, 128>}, {pipeline_mode = #tpu.pipeline_mode<synchronous>, transform_indices = @transform_13, window_bounds = array<i64: 1, 128>}, {transform_indices = @transform_14, window_bounds = array<i64: 2048, 128>}, {transform_indices = @transform_15, window_bounds = array<i64: 2048, 128>}]} {
    %get3A = arith.constant 0 : index
    %get3A_0 = arith.constant 0 : index
    %get3A_1 = vector.load %arg4[%get3A, %get3A_0] : memref<1x80xf32, #tpu.memory_space<vmem>>, vector<1x80xf32>
    %get3A_2 = arith.constant 0 : index
    %get3A_3 = arith.constant 0 : index
    %get3A_4 = vector.load %arg2[%get3A_2, %get3A_3] : memref<2048x32xf32, #tpu.memory_space<vmem>>, vector<2048x32xf32>
    %get3A_5 = arith.constant 0 : index
    %get3A_6 = arith.constant 0 : index
    %get3A_7 = vector.load %arg1[%get3A_5, %get3A_6] : memref<2048x3xf32, #tpu.memory_space<vmem>>, vector<2048x1xf32>
    %get3A_8 = arith.constant 0 : index
    %get3A_9 = arith.constant 1 : index
    %get3A_10 = vector.load %arg1[%get3A_8, %get3A_9] : memref<2048x3xf32, #tpu.memory_space<vmem>>, vector<2048x1xf32>
    %get3A_11 = arith.constant 0 : index
    %get3A_12 = arith.constant 2 : index
    %get3A_13 = vector.load %arg1[%get3A_11, %get3A_12] : memref<2048x3xf32, #tpu.memory_space<vmem>>, vector<2048x1xf32>
    %slice3A = vector.extract_strided_slice %get3A_4 {offsets = [0, 0], sizes = [2048, 1], strides = [1, 1]} : vector<2048x32xf32> to vector<2048x1xf32>
    %slice3A_14 = vector.extract_strided_slice %get3A_4 {offsets = [0, 1], sizes = [2048, 1], strides = [1, 1]} : vector<2048x32xf32> to vector<2048x1xf32>
    %slice3A_15 = vector.extract_strided_slice %get3A_4 {offsets = [0, 2], sizes = [2048, 1], strides = [1, 1]} : vector<2048x32xf32> to vector<2048x1xf32>
    %sub3A = arith.subf %get3A_7, %slice3A : vector<2048x1xf32>
    %integer_pow3A = arith.mulf %sub3A, %sub3A : vector<2048x1xf32>
    %sub3A_16 = arith.subf %get3A_10, %slice3A_14 : vector<2048x1xf32>
    %integer_pow3A_17 = arith.mulf %sub3A_16, %sub3A_16 : vector<2048x1xf32>
    %add3A = arith.addf %integer_pow3A, %integer_pow3A_17 : vector<2048x1xf32>
    %sub3A_18 = arith.subf %get3A_13, %slice3A_15 : vector<2048x1xf32>
    %integer_pow3A_19 = arith.mulf %sub3A_18, %sub3A_18 : vector<2048x1xf32>
    %add3A_20 = arith.addf %add3A, %integer_pow3A_19 : vector<2048x1xf32>
    %add3A_21 = arith.constant 9.99999997E-7 : f32
    %add3A_22 = vector.broadcast %add3A_21 : f32 to vector<2048x1xf32>
    %add3A_23 = arith.addf %add3A_20, %add3A_22 : vector<2048x1xf32>
    %sqrt3A = math.sqrt %add3A_23 : vector<2048x1xf32>
    %slice3A_24 = vector.extract_strided_slice %get3A_4 {offsets = [0, 12], sizes = [2048, 1], strides = [1, 1]} : vector<2048x32xf32> to vector<2048x1xf32>
    %slice3A_25 = vector.extract_strided_slice %get3A_4 {offsets = [0, 13], sizes = [2048, 1], strides = [1, 1]} : vector<2048x32xf32> to vector<2048x1xf32>
    %slice3A_26 = vector.extract_strided_slice %get3A_4 {offsets = [0, 14], sizes = [2048, 1], strides = [1, 1]} : vector<2048x32xf32> to vector<2048x1xf32>
    %sub3A_27 = arith.subf %get3A_7, %slice3A_24 : vector<2048x1xf32>
    %integer_pow3A_28 = arith.mulf %sub3A_27, %sub3A_27 : vector<2048x1xf32>
    %sub3A_29 = arith.subf %get3A_10, %slice3A_25 : vector<2048x1xf32>
    %integer_pow3A_30 = arith.mulf %sub3A_29, %sub3A_29 : vector<2048x1xf32>
    %add3A_31 = arith.addf %integer_pow3A_28, %integer_pow3A_30 : vector<2048x1xf32>
    %sub3A_32 = arith.subf %get3A_13, %slice3A_26 : vector<2048x1xf32>
    %integer_pow3A_33 = arith.mulf %sub3A_32, %sub3A_32 : vector<2048x1xf32>
    %add3A_34 = arith.addf %add3A_31, %integer_pow3A_33 : vector<2048x1xf32>
    %add3A_35 = arith.constant 9.99999997E-7 : f32
    %add3A_36 = vector.broadcast %add3A_35 : f32 to vector<2048x1xf32>
    %add3A_37 = arith.addf %add3A_34, %add3A_36 : vector<2048x1xf32>
    %sqrt3A_38 = math.sqrt %add3A_37 : vector<2048x1xf32>
    %slice3A_39 = vector.extract_strided_slice %get3A_4 {offsets = [0, 3], sizes = [2048, 1], strides = [1, 1]} : vector<2048x32xf32> to vector<2048x1xf32>
    %slice3A_40 = vector.extract_strided_slice %get3A_4 {offsets = [0, 4], sizes = [2048, 1], strides = [1, 1]} : vector<2048x32xf32> to vector<2048x1xf32>
    %slice3A_41 = vector.extract_strided_slice %get3A_4 {offsets = [0, 5], sizes = [2048, 1], strides = [1, 1]} : vector<2048x32xf32> to vector<2048x1xf32>
    %sub3A_42 = arith.subf %get3A_7, %slice3A_39 : vector<2048x1xf32>
    %integer_pow3A_43 = arith.mulf %sub3A_42, %sub3A_42 : vector<2048x1xf32>
    %sub3A_44 = arith.subf %get3A_10, %slice3A_40 : vector<2048x1xf32>
    %integer_pow3A_45 = arith.mulf %sub3A_44, %sub3A_44 : vector<2048x1xf32>
    %add3A_46 = arith.addf %integer_pow3A_43, %integer_pow3A_45 : vector<2048x1xf32>
    %sub3A_47 = arith.subf %get3A_13, %slice3A_41 : vector<2048x1xf32>
    %integer_pow3A_48 = arith.mulf %sub3A_47, %sub3A_47 : vector<2048x1xf32>
    %add3A_49 = arith.addf %add3A_46, %integer_pow3A_48 : vector<2048x1xf32>
    %add3A_50 = arith.constant 9.99999997E-7 : f32
    %add3A_51 = vector.broadcast %add3A_50 : f32 to vector<2048x1xf32>
    %add3A_52 = arith.addf %add3A_49, %add3A_51 : vector<2048x1xf32>
    %sqrt3A_53 = math.sqrt %add3A_52 : vector<2048x1xf32>
    %slice3A_54 = vector.extract_strided_slice %get3A_4 {offsets = [0, 6], sizes = [2048, 1], strides = [1, 1]} : vector<2048x32xf32> to vector<2048x1xf32>
    %slice3A_55 = vector.extract_strided_slice %get3A_4 {offsets = [0, 7], sizes = [2048, 1], strides = [1, 1]} : vector<2048x32xf32> to vector<2048x1xf32>
    %slice3A_56 = vector.extract_strided_slice %get3A_4 {offsets = [0, 8], sizes = [2048, 1], strides = [1, 1]} : vector<2048x32xf32> to vector<2048x1xf32>
    %sub3A_57 = arith.subf %get3A_7, %slice3A_54 : vector<2048x1xf32>
    %integer_pow3A_58 = arith.mulf %sub3A_57, %sub3A_57 : vector<2048x1xf32>
    %sub3A_59 = arith.subf %get3A_10, %slice3A_55 : vector<2048x1xf32>
    %integer_pow3A_60 = arith.mulf %sub3A_59, %sub3A_59 : vector<2048x1xf32>
    %add3A_61 = arith.addf %integer_pow3A_58, %integer_pow3A_60 : vector<2048x1xf32>
    %sub3A_62 = arith.subf %get3A_13, %slice3A_56 : vector<2048x1xf32>
    %integer_pow3A_63 = arith.mulf %sub3A_62, %sub3A_62 : vector<2048x1xf32>
    %add3A_64 = arith.addf %add3A_61, %integer_pow3A_63 : vector<2048x1xf32>
    %add3A_65 = arith.constant 9.99999997E-7 : f32
    %add3A_66 = vector.broadcast %add3A_65 : f32 to vector<2048x1xf32>
    %add3A_67 = arith.addf %add3A_64, %add3A_66 : vector<2048x1xf32>
    %sqrt3A_68 = math.sqrt %add3A_67 : vector<2048x1xf32>
    %slice3A_69 = vector.extract_strided_slice %get3A_4 {offsets = [0, 9], sizes = [2048, 1], strides = [1, 1]} : vector<2048x32xf32> to vector<2048x1xf32>
    %slice3A_70 = vector.extract_strided_slice %get3A_4 {offsets = [0, 10], sizes = [2048, 1], strides = [1, 1]} : vector<2048x32xf32> to vector<2048x1xf32>
    %slice3A_71 = vector.extract_strided_slice %get3A_4 {offsets = [0, 11], sizes = [2048, 1], strides = [1, 1]} : vector<2048x32xf32> to vector<2048x1xf32>
    %sub3A_72 = arith.subf %get3A_7, %slice3A_69 : vector<2048x1xf32>
    %integer_pow3A_73 = arith.mulf %sub3A_72, %sub3A_72 : vector<2048x1xf32>
    %sub3A_74 = arith.subf %get3A_10, %slice3A_70 : vector<2048x1xf32>
    %integer_pow3A_75 = arith.mulf %sub3A_74, %sub3A_74 : vector<2048x1xf32>
    %add3A_76 = arith.addf %integer_pow3A_73, %integer_pow3A_75 : vector<2048x1xf32>
    %sub3A_77 = arith.subf %get3A_13, %slice3A_71 : vector<2048x1xf32>
    %integer_pow3A_78 = arith.mulf %sub3A_77, %sub3A_77 : vector<2048x1xf32>
    %add3A_79 = arith.addf %add3A_76, %integer_pow3A_78 : vector<2048x1xf32>
    %add3A_80 = arith.constant 9.99999997E-7 : f32
    %add3A_81 = vector.broadcast %add3A_80 : f32 to vector<2048x1xf32>
    %add3A_82 = arith.addf %add3A_79, %add3A_81 : vector<2048x1xf32>
    %sqrt3A_83 = math.sqrt %add3A_82 : vector<2048x1xf32>
    %broadcast_in_dim3A = vector.shape_cast %sqrt3A : vector<2048x1xf32> to vector<2048x1xf32>
    %broadcast_in_dim3A_84 = vector.broadcast %broadcast_in_dim3A : vector<2048x1xf32> to vector<2048x16xf32>
    %broadcast_in_dim3A_85 = vector.shape_cast %sqrt3A_38 : vector<2048x1xf32> to vector<2048x1xf32>
    %broadcast_in_dim3A_86 = vector.broadcast %broadcast_in_dim3A_85 : vector<2048x1xf32> to vector<2048x16xf32>
    %broadcast_in_dim3A_87 = vector.shape_cast %sqrt3A_53 : vector<2048x1xf32> to vector<2048x1xf32>
    %broadcast_in_dim3A_88 = vector.broadcast %broadcast_in_dim3A_87 : vector<2048x1xf32> to vector<2048x16xf32>
    %broadcast_in_dim3A_89 = vector.shape_cast %sqrt3A_68 : vector<2048x1xf32> to vector<2048x1xf32>
    %broadcast_in_dim3A_90 = vector.broadcast %broadcast_in_dim3A_89 : vector<2048x1xf32> to vector<2048x16xf32>
    %broadcast_in_dim3A_91 = vector.shape_cast %sqrt3A_83 : vector<2048x1xf32> to vector<2048x1xf32>
    %broadcast_in_dim3A_92 = vector.broadcast %broadcast_in_dim3A_91 : vector<2048x1xf32> to vector<2048x16xf32>
    %concatenate3A = tpu.concatenate %broadcast_in_dim3A_84, %broadcast_in_dim3A_86, %broadcast_in_dim3A_88, %broadcast_in_dim3A_90, %broadcast_in_dim3A_92 in 1 : vector<2048x16xf32>, vector<2048x16xf32>, vector<2048x16xf32>, vector<2048x16xf32>, vector<2048x16xf32> -> vector<2048x80xf32>
    %sub3A_93 = vector.broadcast %get3A_1 : vector<1x80xf32> to vector<2048x80xf32>
    %sub3A_94 = arith.subf %concatenate3A, %sub3A_93 : vector<2048x80xf32>
    %div3A = arith.constant 1.250000e+00 : f32
    %div3A_95 = vector.broadcast %div3A : f32 to vector<2048x80xf32>
    %div3A_96 = arith.divf %sub3A_94, %div3A_95 : vector<2048x80xf32>
    %mul3A = arith.mulf %div3A_96, %div3A_96 : vector<2048x80xf32>
    %neg3A = arith.constant 0.000000e+00 : f32
    %neg3A_97 = vector.broadcast %neg3A : f32 to vector<2048x80xf32>
    %neg3A_98 = arith.subf %neg3A_97, %mul3A : vector<2048x80xf32>
    %exp3A = math.exp %neg3A_98 : vector<2048x80xf32>
    %get3A_99 = arith.constant 0 : index
    %get3A_100 = arith.constant 0 : index
    %get3A_101 = vector.load %arg3[%get3A_99, %get3A_100] : memref<2048x1xi32, #tpu.memory_space<vmem>>, vector<2048x1xi32>
    %iota3A = tpu.iota {dimensions = array<i32: 1>} : vector<2048x120xi32>
    %eq3A = vector.broadcast %get3A_101 : vector<2048x1xi32> to vector<2048x120xi32>
    %eq3A_102 = arith.cmpi eq, %iota3A, %eq3A : vector<2048x120xi32>
    %convert_element_type3A = arith.extui %eq3A_102 : vector<2048x120xi1> to vector<2048x120xi32>
    %convert_element_type3A_103 = arith.sitofp %convert_element_type3A : vector<2048x120xi32> to vector<2048x120xf32>
    %get3A_104 = arith.constant 0 : index
    %get3A_105 = arith.constant 0 : index
    %get3A_106 = vector.load %arg5[%get3A_104, %get3A_105] : memref<120x64xf32, #tpu.memory_space<vmem>>, vector<120x64xf32>
    %dot_general3A = arith.constant dense<0.000000e+00> : vector<2048x64xf32>
    %dot_general3A_107 = tpu.matmul %convert_element_type3A_103, %get3A_106, %dot_general3A {dimension_numbers = #tpu.dot_dimension_numbers<[1], [0], [0], [1], [0, 0, 1, 1], [], []>, precision = #tpu.contract_precision<fp32>, transpose_lhs_hint = false} : vector<2048x120xf32>, vector<120x64xf32>, vector<2048x64xf32> -> vector<2048x64xf32>
    %get3A_108 = arith.constant 0 : index
    %get3A_109 = arith.constant 0 : index
    %get3A_110 = vector.load %arg6[%get3A_108, %get3A_109] : memref<1x64xf32, #tpu.memory_space<vmem>>, vector<1x64xf32>
    %add3A_111 = vector.broadcast %get3A_110 : vector<1x64xf32> to vector<2048x64xf32>
    %add3A_112 = arith.addf %dot_general3A_107, %add3A_111 : vector<2048x64xf32>
    %slice3A_113 = vector.extract_strided_slice %get3A_4 {offsets = [0, 12], sizes = [2048, 1], strides = [1, 1]} : vector<2048x32xf32> to vector<2048x1xf32>
    %sub3A_114 = arith.subf %get3A_7, %slice3A_113 : vector<2048x1xf32>
    %slice3A_115 = vector.extract_strided_slice %get3A_4 {offsets = [0, 13], sizes = [2048, 1], strides = [1, 1]} : vector<2048x32xf32> to vector<2048x1xf32>
    %sub3A_116 = arith.subf %get3A_10, %slice3A_115 : vector<2048x1xf32>
    %slice3A_117 = vector.extract_strided_slice %get3A_4 {offsets = [0, 14], sizes = [2048, 1], strides = [1, 1]} : vector<2048x32xf32> to vector<2048x1xf32>
    %sub3A_118 = arith.subf %get3A_13, %slice3A_117 : vector<2048x1xf32>
    %slice3A_119 = vector.extract_strided_slice %get3A_4 {offsets = [0, 17], sizes = [2048, 1], strides = [1, 1]} : vector<2048x32xf32> to vector<2048x1xf32>
    %mul3A_120 = arith.mulf %sub3A_114, %slice3A_119 : vector<2048x1xf32>
    %slice3A_121 = vector.extract_strided_slice %get3A_4 {offsets = [0, 18], sizes = [2048, 1], strides = [1, 1]} : vector<2048x32xf32> to vector<2048x1xf32>
    %mul3A_122 = arith.mulf %sub3A_116, %slice3A_121 : vector<2048x1xf32>
    %add3A_123 = arith.addf %mul3A_120, %mul3A_122 : vector<2048x1xf32>
    %slice3A_124 = vector.extract_strided_slice %get3A_4 {offsets = [0, 19], sizes = [2048, 1], strides = [1, 1]} : vector<2048x32xf32> to vector<2048x1xf32>
    %mul3A_125 = arith.mulf %sub3A_118, %slice3A_124 : vector<2048x1xf32>
    %add3A_126 = arith.addf %add3A_123, %mul3A_125 : vector<2048x1xf32>
    %slice3A_127 = vector.extract_strided_slice %get3A_4 {offsets = [0, 20], sizes = [2048, 1], strides = [1, 1]} : vector<2048x32xf32> to vector<2048x1xf32>
    %mul3A_128 = arith.mulf %sub3A_114, %slice3A_127 : vector<2048x1xf32>
    %slice3A_129 = vector.extract_strided_slice %get3A_4 {offsets = [0, 21], sizes = [2048, 1], strides = [1, 1]} : vector<2048x32xf32> to vector<2048x1xf32>
    %mul3A_130 = arith.mulf %sub3A_116, %slice3A_129 : vector<2048x1xf32>
    %add3A_131 = arith.addf %mul3A_128, %mul3A_130 : vector<2048x1xf32>
    %slice3A_132 = vector.extract_strided_slice %get3A_4 {offsets = [0, 22], sizes = [2048, 1], strides = [1, 1]} : vector<2048x32xf32> to vector<2048x1xf32>
    %mul3A_133 = arith.mulf %sub3A_118, %slice3A_132 : vector<2048x1xf32>
    %add3A_134 = arith.addf %add3A_131, %mul3A_133 : vector<2048x1xf32>
    %slice3A_135 = vector.extract_strided_slice %get3A_4 {offsets = [0, 23], sizes = [2048, 1], strides = [1, 1]} : vector<2048x32xf32> to vector<2048x1xf32>
    %mul3A_136 = arith.mulf %sub3A_114, %slice3A_135 : vector<2048x1xf32>
    %slice3A_137 = vector.extract_strided_slice %get3A_4 {offsets = [0, 24], sizes = [2048, 1], strides = [1, 1]} : vector<2048x32xf32> to vector<2048x1xf32>
    %mul3A_138 = arith.mulf %sub3A_116, %slice3A_137 : vector<2048x1xf32>
    %add3A_139 = arith.addf %mul3A_136, %mul3A_138 : vector<2048x1xf32>
    %slice3A_140 = vector.extract_strided_slice %get3A_4 {offsets = [0, 25], sizes = [2048, 1], strides = [1, 1]} : vector<2048x32xf32> to vector<2048x1xf32>
    %mul3A_141 = arith.mulf %sub3A_118, %slice3A_140 : vector<2048x1xf32>
    %add3A_142 = arith.addf %add3A_139, %mul3A_141 : vector<2048x1xf32>
    %mul3A_143 = arith.mulf %add3A_126, %add3A_126 : vector<2048x1xf32>
    %mul3A_144 = arith.mulf %add3A_134, %add3A_134 : vector<2048x1xf32>
    %add3A_145 = arith.addf %mul3A_143, %mul3A_144 : vector<2048x1xf32>
    %add3A_146 = arith.constant 9.99999993E-9 : f32
    %add3A_147 = vector.broadcast %add3A_146 : f32 to vector<2048x1xf32>
    %add3A_148 = arith.addf %add3A_145, %add3A_147 : vector<2048x1xf32>
    %sqrt3A_149 = math.sqrt %add3A_148 : vector<2048x1xf32>
    %div3A_150 = arith.divf %add3A_126, %sqrt3A_149 : vector<2048x1xf32>
    %div3A_151 = arith.divf %add3A_134, %sqrt3A_149 : vector<2048x1xf32>
    %mul3A_152 = arith.mulf %add3A_126, %add3A_126 : vector<2048x1xf32>
    %mul3A_153 = arith.mulf %add3A_134, %add3A_134 : vector<2048x1xf32>
    %add3A_154 = arith.addf %mul3A_152, %mul3A_153 : vector<2048x1xf32>
    %mul3A_155 = arith.mulf %add3A_142, %add3A_142 : vector<2048x1xf32>
    %add3A_156 = arith.addf %add3A_154, %mul3A_155 : vector<2048x1xf32>
    %sqrt3A_157 = math.sqrt %add3A_156 : vector<2048x1xf32>
    %add3A_158 = arith.constant 9.99999993E-9 : f32
    %add3A_159 = vector.broadcast %add3A_158 : f32 to vector<2048x1xf32>
    %add3A_160 = arith.addf %sqrt3A_157, %add3A_159 : vector<2048x1xf32>
    %div3A_161 = arith.divf %sqrt3A_149, %add3A_160 : vector<2048x1xf32>
    %div3A_162 = arith.divf %add3A_142, %add3A_160 : vector<2048x1xf32>
    %concatenate3A_163 = tpu.concatenate %exp3A, %add3A_112, %div3A_150, %div3A_151, %div3A_161, %div3A_162 in 1 : vector<2048x80xf32>, vector<2048x64xf32>, vector<2048x1xf32>, vector<2048x1xf32>, vector<2048x1xf32>, vector<2048x1xf32> -> vector<2048x148xf32>
    %get3A_164 = arith.constant 0 : index
    %get3A_165 = arith.constant 0 : index
    %get3A_166 = vector.load %arg7[%get3A_164, %get3A_165] : memref<148x128xf32, #tpu.memory_space<vmem>>, vector<148x128xf32>
    %dot_general3A_167 = arith.constant dense<0.000000e+00> : vector<2048x128xf32>
    %dot_general3A_168 = tpu.matmul %concatenate3A_163, %get3A_166, %dot_general3A_167 {dimension_numbers = #tpu.dot_dimension_numbers<[1], [0], [0], [1], [0, 0, 1, 1], [], []>, transpose_lhs_hint = false} : vector<2048x148xf32>, vector<148x128xf32>, vector<2048x128xf32> -> vector<2048x128xf32>
    %get3A_169 = arith.constant 0 : index
    %get3A_170 = arith.constant 0 : index
    %get3A_171 = vector.load %arg8[%get3A_169, %get3A_170] : memref<1x128xf32, #tpu.memory_space<vmem>>, vector<1x128xf32>
    %add3A_172 = vector.broadcast %get3A_171 : vector<1x128xf32> to vector<2048x128xf32>
    %add3A_173 = arith.addf %dot_general3A_168, %add3A_172 : vector<2048x128xf32>
    %get3A_174 = arith.constant 0 : index
    %get3A_175 = arith.constant 0 : index
    %get3A_176 = vector.load %arg9[%get3A_174, %get3A_175] : memref<1x128xf32, #tpu.memory_space<vmem>>, vector<1x128xf32>
    %get3A_177 = arith.constant 0 : index
    %get3A_178 = arith.constant 0 : index
    %get3A_179 = vector.load %arg10[%get3A_177, %get3A_178] : memref<1x128xf32, #tpu.memory_space<vmem>>, vector<1x128xf32>
    %reduce_sum3A = arith.constant dense<0.000000e+00> : vector<2048xf32>
    %reduce_sum3A_180 = vector.multi_reduction <add>, %add3A_173, %reduce_sum3A [1] : vector<2048x128xf32> to vector<2048xf32>
    %broadcast_in_dim3A_181 = vector.shape_cast %reduce_sum3A_180 : vector<2048xf32> to vector<2048x1xf32>
    %div3A_182 = arith.constant 1.280000e+02 : f32
    %div3A_183 = vector.broadcast %div3A_182 : f32 to vector<2048x1xf32>
    %div3A_184 = arith.divf %broadcast_in_dim3A_181, %div3A_183 : vector<2048x1xf32>
    %jit3A = arith.constant 0 : i32
    %reduce_sum3A_185 = arith.constant dense<0.000000e+00> : vector<2048xf32>
    %reduce_sum3A_186 = vector.multi_reduction <add>, %add3A_173, %reduce_sum3A_185 [1] : vector<2048x128xf32> to vector<2048xf32>
    %broadcast_in_dim3A_187 = vector.shape_cast %reduce_sum3A_186 : vector<2048xf32> to vector<2048x1xf32>
    %div3A_188 = arith.constant 1.280000e+02 : f32
    %div3A_189 = vector.broadcast %div3A_188 : f32 to vector<2048x1xf32>
    %div3A_190 = arith.divf %broadcast_in_dim3A_187, %div3A_189 : vector<2048x1xf32>
    %sub3A_191 = vector.broadcast %div3A_190 : vector<2048x1xf32> to vector<2048x128xf32>
    %sub3A_192 = arith.subf %add3A_173, %sub3A_191 : vector<2048x128xf32>
    %square3A = arith.mulf %sub3A_192, %sub3A_192 : vector<2048x128xf32>
    %convert_element_type3A_193 = arith.sitofp %jit3A : i32 to f32
    %sub3A_194 = arith.constant 1.280000e+02 : f32
    %sub3A_195 = arith.subf %sub3A_194, %convert_element_type3A_193 : f32
    %reduce_sum3A_196 = arith.constant dense<0.000000e+00> : vector<2048xf32>
    %reduce_sum3A_197 = vector.multi_reduction <add>, %square3A, %reduce_sum3A_196 [1] : vector<2048x128xf32> to vector<2048xf32>
    %broadcast_in_dim3A_198 = vector.shape_cast %reduce_sum3A_197 : vector<2048xf32> to vector<2048x1xf32>
    %div3A_199 = vector.broadcast %sub3A_195 : f32 to vector<2048x1xf32>
    %div3A_200 = arith.divf %broadcast_in_dim3A_198, %div3A_199 : vector<2048x1xf32>
    %gt3A = arith.constant 0.000000e+00 : f32
    %gt3A_201 = arith.cmpf ogt, %sub3A_195, %gt3A : f32
    %jit3A_202 = arith.constant 0x7FC00000 : f32
    %broadcast_in_dim3A_203 = vector.broadcast %jit3A_202 : f32 to vector<2048x1xf32>
    %select_n3A = arith.select %gt3A_201, %div3A_200, %broadcast_in_dim3A_203 : vector<2048x1xf32>
    %sub3A_204 = vector.broadcast %div3A_184 : vector<2048x1xf32> to vector<2048x128xf32>
    %sub3A_205 = arith.subf %add3A_173, %sub3A_204 : vector<2048x128xf32>
    %add3A_206 = arith.constant 9.99999974E-6 : f32
    %add3A_207 = vector.broadcast %add3A_206 : f32 to vector<2048x1xf32>
    %add3A_208 = arith.addf %select_n3A, %add3A_207 : vector<2048x1xf32>
    %sqrt3A_209 = math.sqrt %add3A_208 : vector<2048x1xf32>
    %div3A_210 = vector.broadcast %sqrt3A_209 : vector<2048x1xf32> to vector<2048x128xf32>
    %div3A_211 = arith.divf %sub3A_205, %div3A_210 : vector<2048x128xf32>
    %mul3A_212 = vector.broadcast %get3A_176 : vector<1x128xf32> to vector<2048x128xf32>
    %mul3A_213 = arith.mulf %div3A_211, %mul3A_212 : vector<2048x128xf32>
    %add3A_214 = vector.broadcast %get3A_179 : vector<1x128xf32> to vector<2048x128xf32>
    %add3A_215 = arith.addf %mul3A_213, %add3A_214 : vector<2048x128xf32>
    %swap3A = arith.constant 0 : index
    %swap3A_216 = arith.constant 0 : index
    %swap3A_217 = vector.load %arg15[%swap3A, %swap3A_216] : memref<2048x128xf32, #tpu.memory_space<vmem>>, vector<2048x128xf32>
    tpu.vector_store %arg15[%swap3A, %swap3A_216], %add3A_215 {strides = array<i32>} : memref<2048x128xf32, #tpu.memory_space<vmem>>, vector<2048x128xf32>,
    %get3A_218 = arith.constant 0 : index
    %get3A_219 = arith.constant 0 : index
    %get3A_220 = vector.load %arg11[%get3A_218, %get3A_219] : memref<120x128xf32, #tpu.memory_space<vmem>>, vector<120x128xf32>
    %dot_general3A_221 = arith.constant dense<0.000000e+00> : vector<2048x128xf32>
    %dot_general3A_222 = tpu.matmul %convert_element_type3A_103, %get3A_220, %dot_general3A_221 {dimension_numbers = #tpu.dot_dimension_numbers<[1], [0], [0], [1], [0, 0, 1, 1], [], []>, transpose_lhs_hint = false} : vector<2048x120xf32>, vector<120x128xf32>, vector<2048x128xf32> -> vector<2048x128xf32>
    %get3A_223 = arith.constant 0 : index
    %get3A_224 = arith.constant 0 : index
    %get3A_225 = vector.load %arg12[%get3A_223, %get3A_224] : memref<1x128xf32, #tpu.memory_space<vmem>>, vector<1x128xf32>
    %add3A_226 = vector.broadcast %get3A_225 : vector<1x128xf32> to vector<2048x128xf32>
    %add3A_227 = arith.addf %dot_general3A_222, %add3A_226 : vector<2048x128xf32>
    %get3A_228 = arith.constant 0 : index
    %get3A_229 = arith.constant 0 : index
    %get3A_230 = vector.load %arg13[%get3A_228, %get3A_229] : memref<1x128xf32, #tpu.memory_space<vmem>>, vector<1x128xf32>
    %get3A_231 = arith.constant 0 : index
    %get3A_232 = arith.constant 0 : index
    %get3A_233 = vector.load %arg14[%get3A_231, %get3A_232] : memref<1x128xf32, #tpu.memory_space<vmem>>, vector<1x128xf32>
    %reduce_sum3A_234 = arith.constant dense<0.000000e+00> : vector<2048xf32>
    %reduce_sum3A_235 = vector.multi_reduction <add>, %add3A_227, %reduce_sum3A_234 [1] : vector<2048x128xf32> to vector<2048xf32>
    %broadcast_in_dim3A_236 = vector.shape_cast %reduce_sum3A_235 : vector<2048xf32> to vector<2048x1xf32>
    %div3A_237 = arith.constant 1.280000e+02 : f32
    %div3A_238 = vector.broadcast %div3A_237 : f32 to vector<2048x1xf32>
    %div3A_239 = arith.divf %broadcast_in_dim3A_236, %div3A_238 : vector<2048x1xf32>
    %jit3A_240 = arith.constant 0 : i32
    %reduce_sum3A_241 = arith.constant dense<0.000000e+00> : vector<2048xf32>
    %reduce_sum3A_242 = vector.multi_reduction <add>, %add3A_227, %reduce_sum3A_241 [1] : vector<2048x128xf32> to vector<2048xf32>
    %broadcast_in_dim3A_243 = vector.shape_cast %reduce_sum3A_242 : vector<2048xf32> to vector<2048x1xf32>
    %div3A_244 = arith.constant 1.280000e+02 : f32
    %div3A_245 = vector.broadcast %div3A_244 : f32 to vector<2048x1xf32>
    %div3A_246 = arith.divf %broadcast_in_dim3A_243, %div3A_245 : vector<2048x1xf32>
    %sub3A_247 = vector.broadcast %div3A_246 : vector<2048x1xf32> to vector<2048x128xf32>
    %sub3A_248 = arith.subf %add3A_227, %sub3A_247 : vector<2048x128xf32>
    %square3A_249 = arith.mulf %sub3A_248, %sub3A_248 : vector<2048x128xf32>
    %convert_element_type3A_250 = arith.sitofp %jit3A_240 : i32 to f32
    %sub3A_251 = arith.constant 1.280000e+02 : f32
    %sub3A_252 = arith.subf %sub3A_251, %convert_element_type3A_250 : f32
    %reduce_sum3A_253 = arith.constant dense<0.000000e+00> : vector<2048xf32>
    %reduce_sum3A_254 = vector.multi_reduction <add>, %square3A_249, %reduce_sum3A_253 [1] : vector<2048x128xf32> to vector<2048xf32>
    %broadcast_in_dim3A_255 = vector.shape_cast %reduce_sum3A_254 : vector<2048xf32> to vector<2048x1xf32>
    %div3A_256 = vector.broadcast %sub3A_252 : f32 to vector<2048x1xf32>
    %div3A_257 = arith.divf %broadcast_in_dim3A_255, %div3A_256 : vector<2048x1xf32>
    %gt3A_258 = arith.constant 0.000000e+00 : f32
    %gt3A_259 = arith.cmpf ogt, %sub3A_252, %gt3A_258 : f32
    %jit3A_260 = arith.constant 0x7FC00000 : f32
    %broadcast_in_dim3A_261 = vector.broadcast %jit3A_260 : f32 to vector<2048x1xf32>
    %select_n3A_262 = arith.select %gt3A_259, %div3A_257, %broadcast_in_dim3A_261 : vector<2048x1xf32>
    %sub3A_263 = vector.broadcast %div3A_239 : vector<2048x1xf32> to vector<2048x128xf32>
    %sub3A_264 = arith.subf %add3A_227, %sub3A_263 : vector<2048x128xf32>
    %add3A_265 = arith.constant 9.99999974E-6 : f32
    %add3A_266 = vector.broadcast %add3A_265 : f32 to vector<2048x1xf32>
    %add3A_267 = arith.addf %select_n3A_262, %add3A_266 : vector<2048x1xf32>
    %sqrt3A_268 = math.sqrt %add3A_267 : vector<2048x1xf32>
    %div3A_269 = vector.broadcast %sqrt3A_268 : vector<2048x1xf32> to vector<2048x128xf32>
    %div3A_270 = arith.divf %sub3A_264, %div3A_269 : vector<2048x128xf32>
    %mul3A_271 = vector.broadcast %get3A_230 : vector<1x128xf32> to vector<2048x128xf32>
    %mul3A_272 = arith.mulf %div3A_270, %mul3A_271 : vector<2048x128xf32>
    %add3A_273 = vector.broadcast %get3A_233 : vector<1x128xf32> to vector<2048x128xf32>
    %add3A_274 = arith.addf %mul3A_272, %add3A_273 : vector<2048x128xf32>
    %swap3A_275 = arith.constant 0 : index
    %swap3A_276 = arith.constant 0 : index
    %swap3A_277 = vector.load %arg16[%swap3A_275, %swap3A_276] : memref<2048x128xf32, #tpu.memory_space<vmem>>, vector<2048x128xf32>
    tpu.vector_store %arg16[%swap3A_275, %swap3A_276], %add3A_274 {strides = array<i32>} : memref<2048x128xf32, #tpu.memory_space<vmem>>, vector<2048x128xf32>,
    return
  }
  func.func @transform_0(%arg0: i32) -> (i32, i32) {
    %c0_i32 = arith.constant 0 : i32
    %c0_i32_0 = arith.constant 0 : i32
    return %arg0, %c0_i32 : i32, i32
  }
  func.func @transform_1(%arg0: i32) -> (i32, i32) {
    %c0_i32 = arith.constant 0 : i32
    %c0_i32_0 = arith.constant 0 : i32
    return %arg0, %c0_i32 : i32, i32
  }
  func.func @transform_2(%arg0: i32) -> (i32, i32) {
    %c0_i32 = arith.constant 0 : i32
    %c0_i32_0 = arith.constant 0 : i32
    return %arg0, %c0_i32 : i32, i32
  }
  func.func @transform_3(%arg0: i32) -> (i32, i32) {
    %c0_i32 = arith.constant 0 : i32
    %c0_i32_0 = arith.constant 0 : i32
    %c0_i32_1 = arith.constant 0 : i32
    return %c0_i32, %c0_i32_0 : i32, i32
  }
  func.func @transform_4(%arg0: i32) -> (i32, i32) {
    %c0_i32 = arith.constant 0 : i32
    %c0_i32_0 = arith.constant 0 : i32
    %c0_i32_1 = arith.constant 0 : i32
    return %c0_i32, %c0_i32_0 : i32, i32
  }
  func.func @transform_5(%arg0: i32) -> (i32, i32) {
    %c0_i32 = arith.constant 0 : i32
    %c0_i32_0 = arith.constant 0 : i32
    %c0_i32_1 = arith.constant 0 : i32
    return %c0_i32, %c0_i32_0 : i32, i32
  }
  func.func @transform_6(%arg0: i32) -> (i32, i32) {
    %c0_i32 = arith.constant 0 : i32
    %c0_i32_0 = arith.constant 0 : i32
    %c0_i32_1 = arith.constant 0 : i32
    return %c0_i32, %c0_i32_0 : i32, i32
  }
  func.func @transform_7(%arg0: i32) -> (i32, i32) {
    %c0_i32 = arith.constant 0 : i32
    %c0_i32_0 = arith.constant 0 : i32
    %c0_i32_1 = arith.constant 0 : i32
    return %c0_i32, %c0_i32_0 : i32, i32
  }
  func.func @transform_8(%arg0: i32) -> (i32, i32) {
    %c0_i32 = arith.constant 0 : i32
    %c0_i32_0 = arith.constant 0 : i32
    %c0_i32_1 = arith.constant 0 : i32
    return %c0_i32, %c0_i32_0 : i32, i32
  }
  func.func @transform_9(%arg0: i32) -> (i32, i32) {
    %c0_i32 = arith.constant 0 : i32
    %c0_i32_0 = arith.constant 0 : i32
    %c0_i32_1 = arith.constant 0 : i32
    return %c0_i32, %c0_i32_0 : i32, i32
  }
  func.func @transform_10(%arg0: i32) -> (i32, i32) {
    %c0_i32 = arith.constant 0 : i32
    %c0_i32_0 = arith.constant 0 : i32
    %c0_i32_1 = arith.constant 0 : i32
    return %c0_i32, %c0_i32_0 : i32, i32
  }
  func.func @transform_11(%arg0: i32) -> (i32, i32) {
    %c0_i32 = arith.constant 0 : i32
    %c0_i32_0 = arith.constant 0 : i32
    %c0_i32_1 = arith.constant 0 : i32
    return %c0_i32, %c0_i32_0 : i32, i32
  }
  func.func @transform_12(%arg0: i32) -> (i32, i32) {
    %c0_i32 = arith.constant 0 : i32
    %c0_i32_0 = arith.constant 0 : i32
    %c0_i32_1 = arith.constant 0 : i32
    return %c0_i32, %c0_i32_0 : i32, i32
  }
  func.func @transform_13(%arg0: i32) -> (i32, i32) {
    %c0_i32 = arith.constant 0 : i32
    %c0_i32_0 = arith.constant 0 : i32
    %c0_i32_1 = arith.constant 0 : i32
    return %c0_i32, %c0_i32_0 : i32, i32
  }
  func.func @transform_14(%arg0: i32) -> (i32, i32) {
    %c0_i32 = arith.constant 0 : i32
    %c0_i32_0 = arith.constant 0 : i32
    return %arg0, %c0_i32 : i32, i32
  }
  func.func @transform_15(%arg0: i32) -> (i32, i32) {
    %c0_i32 = arith.constant 0 : i32
    %c0_i32_0 = arith.constant 0 : i32
    return %arg0, %c0_i32 : i32, i32
  }
}

module attributes {stable_mosaic.version = 14 : i64} {
  func.func @_edge_body(%arg0: i32, %arg1: memref<960x32xf32, #tpu.memory_space<vmem>>, %arg2: memref<960x1xf32, #tpu.memory_space<vmem>>, %arg3: memref<960x32xf32, #tpu.memory_space<vmem>>, %arg4: memref<1x400xf32, #tpu.memory_space<vmem>>, %arg5: memref<66x16xf32, #tpu.memory_space<vmem>>, %arg6: memref<1x16xf32, #tpu.memory_space<vmem>>, %arg7: memref<416x128xf32, #tpu.memory_space<vmem>>, %arg8: memref<1x128xf32, #tpu.memory_space<vmem>>, %arg9: memref<1x128xf32, #tpu.memory_space<vmem>>, %arg10: memref<1x128xf32, #tpu.memory_space<vmem>>, %arg11: memref<960x128xf32, #tpu.memory_space<vmem>>) attributes {dimension_semantics = [#tpu.dimension_semantics<arbitrary>], iteration_bounds = array<i64: 64>, scalar_prefetch = 0 : i64, scratch_operands = 0 : i64, tpu.core_type = #tpu.core_type<tc>, window_params = [{transform_indices = @transform_0, window_bounds = array<i64: 960, 32>}, {transform_indices = @transform_1, window_bounds = array<i64: 960, 1>}, {transform_indices = @transform_2, window_bounds = array<i64: 960, 32>}, {pipeline_mode = #tpu.pipeline_mode<synchronous>, transform_indices = @transform_3, window_bounds = array<i64: 1, 400>}, {pipeline_mode = #tpu.pipeline_mode<synchronous>, transform_indices = @transform_4, window_bounds = array<i64: 66, 16>}, {pipeline_mode = #tpu.pipeline_mode<synchronous>, transform_indices = @transform_5, window_bounds = array<i64: 1, 16>}, {pipeline_mode = #tpu.pipeline_mode<synchronous>, transform_indices = @transform_6, window_bounds = array<i64: 416, 128>}, {pipeline_mode = #tpu.pipeline_mode<synchronous>, transform_indices = @transform_7, window_bounds = array<i64: 1, 128>}, {pipeline_mode = #tpu.pipeline_mode<synchronous>, transform_indices = @transform_8, window_bounds = array<i64: 1, 128>}, {pipeline_mode = #tpu.pipeline_mode<synchronous>, transform_indices = @transform_9, window_bounds = array<i64: 1, 128>}, {transform_indices = @transform_10, window_bounds = array<i64: 960, 128>}]} {
    %get3A = arith.constant 0 : index
    %get3A_0 = arith.constant 0 : index
    %get3A_1 = vector.load %arg4[%get3A, %get3A_0] : memref<1x400xf32, #tpu.memory_space<vmem>>, vector<1x400xf32>
    %get3A_2 = arith.constant 0 : index
    %get3A_3 = arith.constant 0 : index
    %get3A_4 = vector.load %arg1[%get3A_2, %get3A_3] : memref<960x32xf32, #tpu.memory_space<vmem>>, vector<960x32xf32>
    %get3A_5 = arith.constant 0 : index
    %get3A_6 = arith.constant 0 : index
    %get3A_7 = vector.load %arg3[%get3A_5, %get3A_6] : memref<960x32xf32, #tpu.memory_space<vmem>>, vector<960x32xf32>
    %slice3A = vector.extract_strided_slice %get3A_7 {offsets = [0, 15], sizes = [960, 1], strides = [1, 1]} : vector<960x32xf32> to vector<960x1xf32>
    %slice3A_8 = vector.extract_strided_slice %get3A_4 {offsets = [0, 15], sizes = [960, 1], strides = [1, 1]} : vector<960x32xf32> to vector<960x1xf32>
    %sub3A = arith.subf %slice3A, %slice3A_8 : vector<960x1xf32>
    %slice3A_9 = vector.extract_strided_slice %get3A_7 {offsets = [0, 16], sizes = [960, 1], strides = [1, 1]} : vector<960x32xf32> to vector<960x1xf32>
    %slice3A_10 = vector.extract_strided_slice %get3A_4 {offsets = [0, 16], sizes = [960, 1], strides = [1, 1]} : vector<960x32xf32> to vector<960x1xf32>
    %eq3A = arith.cmpf oeq, %slice3A_9, %slice3A_10 : vector<960x1xf32>
    %add3A = arith.constant 3.200000e+01 : f32
    %add3A_11 = vector.broadcast %add3A : f32 to vector<960x1xf32>
    %add3A_12 = arith.addf %sub3A, %add3A_11 : vector<960x1xf32>
    %jit3A = arith.constant 0.000000e+00 : f32
    %jit3A_13 = arith.constant 6.400000e+01 : f32
    %max3A = vector.broadcast %jit3A : f32 to vector<960x1xf32>
    %max3A_14 = arith.maximumf %max3A, %add3A_12 : vector<960x1xf32>
    %min3A = vector.broadcast %jit3A_13 : f32 to vector<960x1xf32>
    %min3A_15 = arith.minimumf %min3A, %max3A_14 : vector<960x1xf32>
    %jit3A_16 = arith.constant 6.500000e+01 : f32
    %broadcast_in_dim3A = vector.broadcast %jit3A_16 : f32 to vector<960x1xf32>
    %select_n3A = arith.select %eq3A, %min3A_15, %broadcast_in_dim3A : vector<960x1xi1>, vector<960x1xf32>
    %convert_element_type3A = arith.fptosi %select_n3A : vector<960x1xf32> to vector<960x1xi32>
    %iota3A = tpu.iota {dimensions = array<i32: 1>} : vector<960x66xi32>
    %eq3A_17 = vector.broadcast %convert_element_type3A : vector<960x1xi32> to vector<960x66xi32>
    %eq3A_18 = arith.cmpi eq, %iota3A, %eq3A_17 : vector<960x66xi32>
    %convert_element_type3A_19 = arith.extui %eq3A_18 : vector<960x66xi1> to vector<960x66xi32>
    %convert_element_type3A_20 = arith.sitofp %convert_element_type3A_19 : vector<960x66xi32> to vector<960x66xf32>
    %get3A_21 = arith.constant 0 : index
    %get3A_22 = arith.constant 0 : index
    %get3A_23 = vector.load %arg5[%get3A_21, %get3A_22] : memref<66x16xf32, #tpu.memory_space<vmem>>, vector<66x16xf32>
    %dot_general3A = arith.constant dense<0.000000e+00> : vector<960x16xf32>
    %dot_general3A_24 = tpu.matmul %convert_element_type3A_20, %get3A_23, %dot_general3A {dimension_numbers = #tpu.dot_dimension_numbers<[1], [0], [0], [1], [0, 0, 1, 1], [], []>, transpose_lhs_hint = false} : vector<960x66xf32>, vector<66x16xf32>, vector<960x16xf32> -> vector<960x16xf32>
    %get3A_25 = arith.constant 0 : index
    %get3A_26 = arith.constant 0 : index
    %get3A_27 = vector.load %arg6[%get3A_25, %get3A_26] : memref<1x16xf32, #tpu.memory_space<vmem>>, vector<1x16xf32>
    %add3A_28 = vector.broadcast %get3A_27 : vector<1x16xf32> to vector<960x16xf32>
    %add3A_29 = arith.addf %dot_general3A_24, %add3A_28 : vector<960x16xf32>
    %get3A_30 = arith.constant 0 : index
    %get3A_31 = arith.constant 0 : index
    %get3A_32 = vector.load %arg2[%get3A_30, %get3A_31] : memref<960x1xf32, #tpu.memory_space<vmem>>, vector<960x1xf32>
    %slice3A_33 = vector.extract_strided_slice %get3A_7 {offsets = [0, 0], sizes = [960, 1], strides = [1, 1]} : vector<960x32xf32> to vector<960x1xf32>
    %slice3A_34 = vector.extract_strided_slice %get3A_7 {offsets = [0, 1], sizes = [960, 1], strides = [1, 1]} : vector<960x32xf32> to vector<960x1xf32>
    %slice3A_35 = vector.extract_strided_slice %get3A_7 {offsets = [0, 2], sizes = [960, 1], strides = [1, 1]} : vector<960x32xf32> to vector<960x1xf32>
    %slice3A_36 = vector.extract_strided_slice %get3A_4 {offsets = [0, 0], sizes = [960, 1], strides = [1, 1]} : vector<960x32xf32> to vector<960x1xf32>
    %slice3A_37 = vector.extract_strided_slice %get3A_4 {offsets = [0, 1], sizes = [960, 1], strides = [1, 1]} : vector<960x32xf32> to vector<960x1xf32>
    %slice3A_38 = vector.extract_strided_slice %get3A_4 {offsets = [0, 2], sizes = [960, 1], strides = [1, 1]} : vector<960x32xf32> to vector<960x1xf32>
    %sub3A_39 = arith.subf %slice3A_36, %slice3A_33 : vector<960x1xf32>
    %integer_pow3A = arith.mulf %sub3A_39, %sub3A_39 : vector<960x1xf32>
    %sub3A_40 = arith.subf %slice3A_37, %slice3A_34 : vector<960x1xf32>
    %integer_pow3A_41 = arith.mulf %sub3A_40, %sub3A_40 : vector<960x1xf32>
    %add3A_42 = arith.addf %integer_pow3A, %integer_pow3A_41 : vector<960x1xf32>
    %sub3A_43 = arith.subf %slice3A_38, %slice3A_35 : vector<960x1xf32>
    %integer_pow3A_44 = arith.mulf %sub3A_43, %sub3A_43 : vector<960x1xf32>
    %add3A_45 = arith.addf %add3A_42, %integer_pow3A_44 : vector<960x1xf32>
    %add3A_46 = arith.constant 9.99999997E-7 : f32
    %add3A_47 = vector.broadcast %add3A_46 : f32 to vector<960x1xf32>
    %add3A_48 = arith.addf %add3A_45, %add3A_47 : vector<960x1xf32>
    %sqrt3A = math.sqrt %add3A_48 : vector<960x1xf32>
    %slice3A_49 = vector.extract_strided_slice %get3A_7 {offsets = [0, 3], sizes = [960, 1], strides = [1, 1]} : vector<960x32xf32> to vector<960x1xf32>
    %slice3A_50 = vector.extract_strided_slice %get3A_7 {offsets = [0, 4], sizes = [960, 1], strides = [1, 1]} : vector<960x32xf32> to vector<960x1xf32>
    %slice3A_51 = vector.extract_strided_slice %get3A_7 {offsets = [0, 5], sizes = [960, 1], strides = [1, 1]} : vector<960x32xf32> to vector<960x1xf32>
    %slice3A_52 = vector.extract_strided_slice %get3A_4 {offsets = [0, 3], sizes = [960, 1], strides = [1, 1]} : vector<960x32xf32> to vector<960x1xf32>
    %slice3A_53 = vector.extract_strided_slice %get3A_4 {offsets = [0, 4], sizes = [960, 1], strides = [1, 1]} : vector<960x32xf32> to vector<960x1xf32>
    %slice3A_54 = vector.extract_strided_slice %get3A_4 {offsets = [0, 5], sizes = [960, 1], strides = [1, 1]} : vector<960x32xf32> to vector<960x1xf32>
    %sub3A_55 = arith.subf %slice3A_52, %slice3A_49 : vector<960x1xf32>
    %integer_pow3A_56 = arith.mulf %sub3A_55, %sub3A_55 : vector<960x1xf32>
    %sub3A_57 = arith.subf %slice3A_53, %slice3A_50 : vector<960x1xf32>
    %integer_pow3A_58 = arith.mulf %sub3A_57, %sub3A_57 : vector<960x1xf32>
    %add3A_59 = arith.addf %integer_pow3A_56, %integer_pow3A_58 : vector<960x1xf32>
    %sub3A_60 = arith.subf %slice3A_54, %slice3A_51 : vector<960x1xf32>
    %integer_pow3A_61 = arith.mulf %sub3A_60, %sub3A_60 : vector<960x1xf32>
    %add3A_62 = arith.addf %add3A_59, %integer_pow3A_61 : vector<960x1xf32>
    %add3A_63 = arith.constant 9.99999997E-7 : f32
    %add3A_64 = vector.broadcast %add3A_63 : f32 to vector<960x1xf32>
    %add3A_65 = arith.addf %add3A_62, %add3A_64 : vector<960x1xf32>
    %sqrt3A_66 = math.sqrt %add3A_65 : vector<960x1xf32>
    %slice3A_67 = vector.extract_strided_slice %get3A_7 {offsets = [0, 6], sizes = [960, 1], strides = [1, 1]} : vector<960x32xf32> to vector<960x1xf32>
    %slice3A_68 = vector.extract_strided_slice %get3A_7 {offsets = [0, 7], sizes = [960, 1], strides = [1, 1]} : vector<960x32xf32> to vector<960x1xf32>
    %slice3A_69 = vector.extract_strided_slice %get3A_7 {offsets = [0, 8], sizes = [960, 1], strides = [1, 1]} : vector<960x32xf32> to vector<960x1xf32>
    %slice3A_70 = vector.extract_strided_slice %get3A_4 {offsets = [0, 6], sizes = [960, 1], strides = [1, 1]} : vector<960x32xf32> to vector<960x1xf32>
    %slice3A_71 = vector.extract_strided_slice %get3A_4 {offsets = [0, 7], sizes = [960, 1], strides = [1, 1]} : vector<960x32xf32> to vector<960x1xf32>
    %slice3A_72 = vector.extract_strided_slice %get3A_4 {offsets = [0, 8], sizes = [960, 1], strides = [1, 1]} : vector<960x32xf32> to vector<960x1xf32>
    %sub3A_73 = arith.subf %slice3A_70, %slice3A_67 : vector<960x1xf32>
    %integer_pow3A_74 = arith.mulf %sub3A_73, %sub3A_73 : vector<960x1xf32>
    %sub3A_75 = arith.subf %slice3A_71, %slice3A_68 : vector<960x1xf32>
    %integer_pow3A_76 = arith.mulf %sub3A_75, %sub3A_75 : vector<960x1xf32>
    %add3A_77 = arith.addf %integer_pow3A_74, %integer_pow3A_76 : vector<960x1xf32>
    %sub3A_78 = arith.subf %slice3A_72, %slice3A_69 : vector<960x1xf32>
    %integer_pow3A_79 = arith.mulf %sub3A_78, %sub3A_78 : vector<960x1xf32>
    %add3A_80 = arith.addf %add3A_77, %integer_pow3A_79 : vector<960x1xf32>
    %add3A_81 = arith.constant 9.99999997E-7 : f32
    %add3A_82 = vector.broadcast %add3A_81 : f32 to vector<960x1xf32>
    %add3A_83 = arith.addf %add3A_80, %add3A_82 : vector<960x1xf32>
    %sqrt3A_84 = math.sqrt %add3A_83 : vector<960x1xf32>
    %slice3A_85 = vector.extract_strided_slice %get3A_7 {offsets = [0, 9], sizes = [960, 1], strides = [1, 1]} : vector<960x32xf32> to vector<960x1xf32>
    %slice3A_86 = vector.extract_strided_slice %get3A_7 {offsets = [0, 10], sizes = [960, 1], strides = [1, 1]} : vector<960x32xf32> to vector<960x1xf32>
    %slice3A_87 = vector.extract_strided_slice %get3A_7 {offsets = [0, 11], sizes = [960, 1], strides = [1, 1]} : vector<960x32xf32> to vector<960x1xf32>
    %slice3A_88 = vector.extract_strided_slice %get3A_4 {offsets = [0, 9], sizes = [960, 1], strides = [1, 1]} : vector<960x32xf32> to vector<960x1xf32>
    %slice3A_89 = vector.extract_strided_slice %get3A_4 {offsets = [0, 10], sizes = [960, 1], strides = [1, 1]} : vector<960x32xf32> to vector<960x1xf32>
    %slice3A_90 = vector.extract_strided_slice %get3A_4 {offsets = [0, 11], sizes = [960, 1], strides = [1, 1]} : vector<960x32xf32> to vector<960x1xf32>
    %sub3A_91 = arith.subf %slice3A_88, %slice3A_85 : vector<960x1xf32>
    %integer_pow3A_92 = arith.mulf %sub3A_91, %sub3A_91 : vector<960x1xf32>
    %sub3A_93 = arith.subf %slice3A_89, %slice3A_86 : vector<960x1xf32>
    %integer_pow3A_94 = arith.mulf %sub3A_93, %sub3A_93 : vector<960x1xf32>
    %add3A_95 = arith.addf %integer_pow3A_92, %integer_pow3A_94 : vector<960x1xf32>
    %sub3A_96 = arith.subf %slice3A_90, %slice3A_87 : vector<960x1xf32>
    %integer_pow3A_97 = arith.mulf %sub3A_96, %sub3A_96 : vector<960x1xf32>
    %add3A_98 = arith.addf %add3A_95, %integer_pow3A_97 : vector<960x1xf32>
    %add3A_99 = arith.constant 9.99999997E-7 : f32
    %add3A_100 = vector.broadcast %add3A_99 : f32 to vector<960x1xf32>
    %add3A_101 = arith.addf %add3A_98, %add3A_100 : vector<960x1xf32>
    %sqrt3A_102 = math.sqrt %add3A_101 : vector<960x1xf32>
    %slice3A_103 = vector.extract_strided_slice %get3A_7 {offsets = [0, 12], sizes = [960, 1], strides = [1, 1]} : vector<960x32xf32> to vector<960x1xf32>
    %slice3A_104 = vector.extract_strided_slice %get3A_7 {offsets = [0, 13], sizes = [960, 1], strides = [1, 1]} : vector<960x32xf32> to vector<960x1xf32>
    %slice3A_105 = vector.extract_strided_slice %get3A_7 {offsets = [0, 14], sizes = [960, 1], strides = [1, 1]} : vector<960x32xf32> to vector<960x1xf32>
    %slice3A_106 = vector.extract_strided_slice %get3A_4 {offsets = [0, 0], sizes = [960, 1], strides = [1, 1]} : vector<960x32xf32> to vector<960x1xf32>
    %slice3A_107 = vector.extract_strided_slice %get3A_4 {offsets = [0, 1], sizes = [960, 1], strides = [1, 1]} : vector<960x32xf32> to vector<960x1xf32>
    %slice3A_108 = vector.extract_strided_slice %get3A_4 {offsets = [0, 2], sizes = [960, 1], strides = [1, 1]} : vector<960x32xf32> to vector<960x1xf32>
    %sub3A_109 = arith.subf %slice3A_106, %slice3A_103 : vector<960x1xf32>
    %integer_pow3A_110 = arith.mulf %sub3A_109, %sub3A_109 : vector<960x1xf32>
    %sub3A_111 = arith.subf %slice3A_107, %slice3A_104 : vector<960x1xf32>
    %integer_pow3A_112 = arith.mulf %sub3A_111, %sub3A_111 : vector<960x1xf32>
    %add3A_113 = arith.addf %integer_pow3A_110, %integer_pow3A_112 : vector<960x1xf32>
    %sub3A_114 = arith.subf %slice3A_108, %slice3A_105 : vector<960x1xf32>
    %integer_pow3A_115 = arith.mulf %sub3A_114, %sub3A_114 : vector<960x1xf32>
    %add3A_116 = arith.addf %add3A_113, %integer_pow3A_115 : vector<960x1xf32>
    %add3A_117 = arith.constant 9.99999997E-7 : f32
    %add3A_118 = vector.broadcast %add3A_117 : f32 to vector<960x1xf32>
    %add3A_119 = arith.addf %add3A_116, %add3A_118 : vector<960x1xf32>
    %sqrt3A_120 = math.sqrt %add3A_119 : vector<960x1xf32>
    %slice3A_121 = vector.extract_strided_slice %get3A_7 {offsets = [0, 12], sizes = [960, 1], strides = [1, 1]} : vector<960x32xf32> to vector<960x1xf32>
    %slice3A_122 = vector.extract_strided_slice %get3A_7 {offsets = [0, 13], sizes = [960, 1], strides = [1, 1]} : vector<960x32xf32> to vector<960x1xf32>
    %slice3A_123 = vector.extract_strided_slice %get3A_7 {offsets = [0, 14], sizes = [960, 1], strides = [1, 1]} : vector<960x32xf32> to vector<960x1xf32>
    %slice3A_124 = vector.extract_strided_slice %get3A_4 {offsets = [0, 3], sizes = [960, 1], strides = [1, 1]} : vector<960x32xf32> to vector<960x1xf32>
    %slice3A_125 = vector.extract_strided_slice %get3A_4 {offsets = [0, 4], sizes = [960, 1], strides = [1, 1]} : vector<960x32xf32> to vector<960x1xf32>
    %slice3A_126 = vector.extract_strided_slice %get3A_4 {offsets = [0, 5], sizes = [960, 1], strides = [1, 1]} : vector<960x32xf32> to vector<960x1xf32>
    %sub3A_127 = arith.subf %slice3A_124, %slice3A_121 : vector<960x1xf32>
    %integer_pow3A_128 = arith.mulf %sub3A_127, %sub3A_127 : vector<960x1xf32>
    %sub3A_129 = arith.subf %slice3A_125, %slice3A_122 : vector<960x1xf32>
    %integer_pow3A_130 = arith.mulf %sub3A_129, %sub3A_129 : vector<960x1xf32>
    %add3A_131 = arith.addf %integer_pow3A_128, %integer_pow3A_130 : vector<960x1xf32>
    %sub3A_132 = arith.subf %slice3A_126, %slice3A_123 : vector<960x1xf32>
    %integer_pow3A_133 = arith.mulf %sub3A_132, %sub3A_132 : vector<960x1xf32>
    %add3A_134 = arith.addf %add3A_131, %integer_pow3A_133 : vector<960x1xf32>
    %add3A_135 = arith.constant 9.99999997E-7 : f32
    %add3A_136 = vector.broadcast %add3A_135 : f32 to vector<960x1xf32>
    %add3A_137 = arith.addf %add3A_134, %add3A_136 : vector<960x1xf32>
    %sqrt3A_138 = math.sqrt %add3A_137 : vector<960x1xf32>
    %slice3A_139 = vector.extract_strided_slice %get3A_7 {offsets = [0, 12], sizes = [960, 1], strides = [1, 1]} : vector<960x32xf32> to vector<960x1xf32>
    %slice3A_140 = vector.extract_strided_slice %get3A_7 {offsets = [0, 13], sizes = [960, 1], strides = [1, 1]} : vector<960x32xf32> to vector<960x1xf32>
    %slice3A_141 = vector.extract_strided_slice %get3A_7 {offsets = [0, 14], sizes = [960, 1], strides = [1, 1]} : vector<960x32xf32> to vector<960x1xf32>
    %slice3A_142 = vector.extract_strided_slice %get3A_4 {offsets = [0, 6], sizes = [960, 1], strides = [1, 1]} : vector<960x32xf32> to vector<960x1xf32>
    %slice3A_143 = vector.extract_strided_slice %get3A_4 {offsets = [0, 7], sizes = [960, 1], strides = [1, 1]} : vector<960x32xf32> to vector<960x1xf32>
    %slice3A_144 = vector.extract_strided_slice %get3A_4 {offsets = [0, 8], sizes = [960, 1], strides = [1, 1]} : vector<960x32xf32> to vector<960x1xf32>
    %sub3A_145 = arith.subf %slice3A_142, %slice3A_139 : vector<960x1xf32>
    %integer_pow3A_146 = arith.mulf %sub3A_145, %sub3A_145 : vector<960x1xf32>
    %sub3A_147 = arith.subf %slice3A_143, %slice3A_140 : vector<960x1xf32>
    %integer_pow3A_148 = arith.mulf %sub3A_147, %sub3A_147 : vector<960x1xf32>
    %add3A_149 = arith.addf %integer_pow3A_146, %integer_pow3A_148 : vector<960x1xf32>
    %sub3A_150 = arith.subf %slice3A_144, %slice3A_141 : vector<960x1xf32>
    %integer_pow3A_151 = arith.mulf %sub3A_150, %sub3A_150 : vector<960x1xf32>
    %add3A_152 = arith.addf %add3A_149, %integer_pow3A_151 : vector<960x1xf32>
    %add3A_153 = arith.constant 9.99999997E-7 : f32
    %add3A_154 = vector.broadcast %add3A_153 : f32 to vector<960x1xf32>
    %add3A_155 = arith.addf %add3A_152, %add3A_154 : vector<960x1xf32>
    %sqrt3A_156 = math.sqrt %add3A_155 : vector<960x1xf32>
    %slice3A_157 = vector.extract_strided_slice %get3A_7 {offsets = [0, 12], sizes = [960, 1], strides = [1, 1]} : vector<960x32xf32> to vector<960x1xf32>
    %slice3A_158 = vector.extract_strided_slice %get3A_7 {offsets = [0, 13], sizes = [960, 1], strides = [1, 1]} : vector<960x32xf32> to vector<960x1xf32>
    %slice3A_159 = vector.extract_strided_slice %get3A_7 {offsets = [0, 14], sizes = [960, 1], strides = [1, 1]} : vector<960x32xf32> to vector<960x1xf32>
    %slice3A_160 = vector.extract_strided_slice %get3A_4 {offsets = [0, 9], sizes = [960, 1], strides = [1, 1]} : vector<960x32xf32> to vector<960x1xf32>
    %slice3A_161 = vector.extract_strided_slice %get3A_4 {offsets = [0, 10], sizes = [960, 1], strides = [1, 1]} : vector<960x32xf32> to vector<960x1xf32>
    %slice3A_162 = vector.extract_strided_slice %get3A_4 {offsets = [0, 11], sizes = [960, 1], strides = [1, 1]} : vector<960x32xf32> to vector<960x1xf32>
    %sub3A_163 = arith.subf %slice3A_160, %slice3A_157 : vector<960x1xf32>
    %integer_pow3A_164 = arith.mulf %sub3A_163, %sub3A_163 : vector<960x1xf32>
    %sub3A_165 = arith.subf %slice3A_161, %slice3A_158 : vector<960x1xf32>
    %integer_pow3A_166 = arith.mulf %sub3A_165, %sub3A_165 : vector<960x1xf32>
    %add3A_167 = arith.addf %integer_pow3A_164, %integer_pow3A_166 : vector<960x1xf32>
    %sub3A_168 = arith.subf %slice3A_162, %slice3A_159 : vector<960x1xf32>
    %integer_pow3A_169 = arith.mulf %sub3A_168, %sub3A_168 : vector<960x1xf32>
    %add3A_170 = arith.addf %add3A_167, %integer_pow3A_169 : vector<960x1xf32>
    %add3A_171 = arith.constant 9.99999997E-7 : f32
    %add3A_172 = vector.broadcast %add3A_171 : f32 to vector<960x1xf32>
    %add3A_173 = arith.addf %add3A_170, %add3A_172 : vector<960x1xf32>
    %sqrt3A_174 = math.sqrt %add3A_173 : vector<960x1xf32>
    %slice3A_175 = vector.extract_strided_slice %get3A_7 {offsets = [0, 0], sizes = [960, 1], strides = [1, 1]} : vector<960x32xf32> to vector<960x1xf32>
    %slice3A_176 = vector.extract_strided_slice %get3A_7 {offsets = [0, 1], sizes = [960, 1], strides = [1, 1]} : vector<960x32xf32> to vector<960x1xf32>
    %slice3A_177 = vector.extract_strided_slice %get3A_7 {offsets = [0, 2], sizes = [960, 1], strides = [1, 1]} : vector<960x32xf32> to vector<960x1xf32>
    %slice3A_178 = vector.extract_strided_slice %get3A_4 {offsets = [0, 3], sizes = [960, 1], strides = [1, 1]} : vector<960x32xf32> to vector<960x1xf32>
    %slice3A_179 = vector.extract_strided_slice %get3A_4 {offsets = [0, 4], sizes = [960, 1], strides = [1, 1]} : vector<960x32xf32> to vector<960x1xf32>
    %slice3A_180 = vector.extract_strided_slice %get3A_4 {offsets = [0, 5], sizes = [960, 1], strides = [1, 1]} : vector<960x32xf32> to vector<960x1xf32>
    %sub3A_181 = arith.subf %slice3A_178, %slice3A_175 : vector<960x1xf32>
    %integer_pow3A_182 = arith.mulf %sub3A_181, %sub3A_181 : vector<960x1xf32>
    %sub3A_183 = arith.subf %slice3A_179, %slice3A_176 : vector<960x1xf32>
    %integer_pow3A_184 = arith.mulf %sub3A_183, %sub3A_183 : vector<960x1xf32>
    %add3A_185 = arith.addf %integer_pow3A_182, %integer_pow3A_184 : vector<960x1xf32>
    %sub3A_186 = arith.subf %slice3A_180, %slice3A_177 : vector<960x1xf32>
    %integer_pow3A_187 = arith.mulf %sub3A_186, %sub3A_186 : vector<960x1xf32>
    %add3A_188 = arith.addf %add3A_185, %integer_pow3A_187 : vector<960x1xf32>
    %add3A_189 = arith.constant 9.99999997E-7 : f32
    %add3A_190 = vector.broadcast %add3A_189 : f32 to vector<960x1xf32>
    %add3A_191 = arith.addf %add3A_188, %add3A_190 : vector<960x1xf32>
    %sqrt3A_192 = math.sqrt %add3A_191 : vector<960x1xf32>
    %slice3A_193 = vector.extract_strided_slice %get3A_7 {offsets = [0, 0], sizes = [960, 1], strides = [1, 1]} : vector<960x32xf32> to vector<960x1xf32>
    %slice3A_194 = vector.extract_strided_slice %get3A_7 {offsets = [0, 1], sizes = [960, 1], strides = [1, 1]} : vector<960x32xf32> to vector<960x1xf32>
    %slice3A_195 = vector.extract_strided_slice %get3A_7 {offsets = [0, 2], sizes = [960, 1], strides = [1, 1]} : vector<960x32xf32> to vector<960x1xf32>
    %slice3A_196 = vector.extract_strided_slice %get3A_4 {offsets = [0, 6], sizes = [960, 1], strides = [1, 1]} : vector<960x32xf32> to vector<960x1xf32>
    %slice3A_197 = vector.extract_strided_slice %get3A_4 {offsets = [0, 7], sizes = [960, 1], strides = [1, 1]} : vector<960x32xf32> to vector<960x1xf32>
    %slice3A_198 = vector.extract_strided_slice %get3A_4 {offsets = [0, 8], sizes = [960, 1], strides = [1, 1]} : vector<960x32xf32> to vector<960x1xf32>
    %sub3A_199 = arith.subf %slice3A_196, %slice3A_193 : vector<960x1xf32>
    %integer_pow3A_200 = arith.mulf %sub3A_199, %sub3A_199 : vector<960x1xf32>
    %sub3A_201 = arith.subf %slice3A_197, %slice3A_194 : vector<960x1xf32>
    %integer_pow3A_202 = arith.mulf %sub3A_201, %sub3A_201 : vector<960x1xf32>
    %add3A_203 = arith.addf %integer_pow3A_200, %integer_pow3A_202 : vector<960x1xf32>
    %sub3A_204 = arith.subf %slice3A_198, %slice3A_195 : vector<960x1xf32>
    %integer_pow3A_205 = arith.mulf %sub3A_204, %sub3A_204 : vector<960x1xf32>
    %add3A_206 = arith.addf %add3A_203, %integer_pow3A_205 : vector<960x1xf32>
    %add3A_207 = arith.constant 9.99999997E-7 : f32
    %add3A_208 = vector.broadcast %add3A_207 : f32 to vector<960x1xf32>
    %add3A_209 = arith.addf %add3A_206, %add3A_208 : vector<960x1xf32>
    %sqrt3A_210 = math.sqrt %add3A_209 : vector<960x1xf32>
    %slice3A_211 = vector.extract_strided_slice %get3A_7 {offsets = [0, 0], sizes = [960, 1], strides = [1, 1]} : vector<960x32xf32> to vector<960x1xf32>
    %slice3A_212 = vector.extract_strided_slice %get3A_7 {offsets = [0, 1], sizes = [960, 1], strides = [1, 1]} : vector<960x32xf32> to vector<960x1xf32>
    %slice3A_213 = vector.extract_strided_slice %get3A_7 {offsets = [0, 2], sizes = [960, 1], strides = [1, 1]} : vector<960x32xf32> to vector<960x1xf32>
    %slice3A_214 = vector.extract_strided_slice %get3A_4 {offsets = [0, 9], sizes = [960, 1], strides = [1, 1]} : vector<960x32xf32> to vector<960x1xf32>
    %slice3A_215 = vector.extract_strided_slice %get3A_4 {offsets = [0, 10], sizes = [960, 1], strides = [1, 1]} : vector<960x32xf32> to vector<960x1xf32>
    %slice3A_216 = vector.extract_strided_slice %get3A_4 {offsets = [0, 11], sizes = [960, 1], strides = [1, 1]} : vector<960x32xf32> to vector<960x1xf32>
    %sub3A_217 = arith.subf %slice3A_214, %slice3A_211 : vector<960x1xf32>
    %integer_pow3A_218 = arith.mulf %sub3A_217, %sub3A_217 : vector<960x1xf32>
    %sub3A_219 = arith.subf %slice3A_215, %slice3A_212 : vector<960x1xf32>
    %integer_pow3A_220 = arith.mulf %sub3A_219, %sub3A_219 : vector<960x1xf32>
    %add3A_221 = arith.addf %integer_pow3A_218, %integer_pow3A_220 : vector<960x1xf32>
    %sub3A_222 = arith.subf %slice3A_216, %slice3A_213 : vector<960x1xf32>
    %integer_pow3A_223 = arith.mulf %sub3A_222, %sub3A_222 : vector<960x1xf32>
    %add3A_224 = arith.addf %add3A_221, %integer_pow3A_223 : vector<960x1xf32>
    %add3A_225 = arith.constant 9.99999997E-7 : f32
    %add3A_226 = vector.broadcast %add3A_225 : f32 to vector<960x1xf32>
    %add3A_227 = arith.addf %add3A_224, %add3A_226 : vector<960x1xf32>
    %sqrt3A_228 = math.sqrt %add3A_227 : vector<960x1xf32>
    %slice3A_229 = vector.extract_strided_slice %get3A_7 {offsets = [0, 9], sizes = [960, 1], strides = [1, 1]} : vector<960x32xf32> to vector<960x1xf32>
    %slice3A_230 = vector.extract_strided_slice %get3A_7 {offsets = [0, 10], sizes = [960, 1], strides = [1, 1]} : vector<960x32xf32> to vector<960x1xf32>
    %slice3A_231 = vector.extract_strided_slice %get3A_7 {offsets = [0, 11], sizes = [960, 1], strides = [1, 1]} : vector<960x32xf32> to vector<960x1xf32>
    %slice3A_232 = vector.extract_strided_slice %get3A_4 {offsets = [0, 3], sizes = [960, 1], strides = [1, 1]} : vector<960x32xf32> to vector<960x1xf32>
    %slice3A_233 = vector.extract_strided_slice %get3A_4 {offsets = [0, 4], sizes = [960, 1], strides = [1, 1]} : vector<960x32xf32> to vector<960x1xf32>
    %slice3A_234 = vector.extract_strided_slice %get3A_4 {offsets = [0, 5], sizes = [960, 1], strides = [1, 1]} : vector<960x32xf32> to vector<960x1xf32>
    %sub3A_235 = arith.subf %slice3A_232, %slice3A_229 : vector<960x1xf32>
    %integer_pow3A_236 = arith.mulf %sub3A_235, %sub3A_235 : vector<960x1xf32>
    %sub3A_237 = arith.subf %slice3A_233, %slice3A_230 : vector<960x1xf32>
    %integer_pow3A_238 = arith.mulf %sub3A_237, %sub3A_237 : vector<960x1xf32>
    %add3A_239 = arith.addf %integer_pow3A_236, %integer_pow3A_238 : vector<960x1xf32>
    %sub3A_240 = arith.subf %slice3A_234, %slice3A_231 : vector<960x1xf32>
    %integer_pow3A_241 = arith.mulf %sub3A_240, %sub3A_240 : vector<960x1xf32>
    %add3A_242 = arith.addf %add3A_239, %integer_pow3A_241 : vector<960x1xf32>
    %add3A_243 = arith.constant 9.99999997E-7 : f32
    %add3A_244 = vector.broadcast %add3A_243 : f32 to vector<960x1xf32>
    %add3A_245 = arith.addf %add3A_242, %add3A_244 : vector<960x1xf32>
    %sqrt3A_246 = math.sqrt %add3A_245 : vector<960x1xf32>
    %slice3A_247 = vector.extract_strided_slice %get3A_7 {offsets = [0, 9], sizes = [960, 1], strides = [1, 1]} : vector<960x32xf32> to vector<960x1xf32>
    %slice3A_248 = vector.extract_strided_slice %get3A_7 {offsets = [0, 10], sizes = [960, 1], strides = [1, 1]} : vector<960x32xf32> to vector<960x1xf32>
    %slice3A_249 = vector.extract_strided_slice %get3A_7 {offsets = [0, 11], sizes = [960, 1], strides = [1, 1]} : vector<960x32xf32> to vector<960x1xf32>
    %slice3A_250 = vector.extract_strided_slice %get3A_4 {offsets = [0, 6], sizes = [960, 1], strides = [1, 1]} : vector<960x32xf32> to vector<960x1xf32>
    %slice3A_251 = vector.extract_strided_slice %get3A_4 {offsets = [0, 7], sizes = [960, 1], strides = [1, 1]} : vector<960x32xf32> to vector<960x1xf32>
    %slice3A_252 = vector.extract_strided_slice %get3A_4 {offsets = [0, 8], sizes = [960, 1], strides = [1, 1]} : vector<960x32xf32> to vector<960x1xf32>
    %sub3A_253 = arith.subf %slice3A_250, %slice3A_247 : vector<960x1xf32>
    %integer_pow3A_254 = arith.mulf %sub3A_253, %sub3A_253 : vector<960x1xf32>
    %sub3A_255 = arith.subf %slice3A_251, %slice3A_248 : vector<960x1xf32>
    %integer_pow3A_256 = arith.mulf %sub3A_255, %sub3A_255 : vector<960x1xf32>
    %add3A_257 = arith.addf %integer_pow3A_254, %integer_pow3A_256 : vector<960x1xf32>
    %sub3A_258 = arith.subf %slice3A_252, %slice3A_249 : vector<960x1xf32>
    %integer_pow3A_259 = arith.mulf %sub3A_258, %sub3A_258 : vector<960x1xf32>
    %add3A_260 = arith.addf %add3A_257, %integer_pow3A_259 : vector<960x1xf32>
    %add3A_261 = arith.constant 9.99999997E-7 : f32
    %add3A_262 = vector.broadcast %add3A_261 : f32 to vector<960x1xf32>
    %add3A_263 = arith.addf %add3A_260, %add3A_262 : vector<960x1xf32>
    %sqrt3A_264 = math.sqrt %add3A_263 : vector<960x1xf32>
    %slice3A_265 = vector.extract_strided_slice %get3A_7 {offsets = [0, 6], sizes = [960, 1], strides = [1, 1]} : vector<960x32xf32> to vector<960x1xf32>
    %slice3A_266 = vector.extract_strided_slice %get3A_7 {offsets = [0, 7], sizes = [960, 1], strides = [1, 1]} : vector<960x32xf32> to vector<960x1xf32>
    %slice3A_267 = vector.extract_strided_slice %get3A_7 {offsets = [0, 8], sizes = [960, 1], strides = [1, 1]} : vector<960x32xf32> to vector<960x1xf32>
    %slice3A_268 = vector.extract_strided_slice %get3A_4 {offsets = [0, 3], sizes = [960, 1], strides = [1, 1]} : vector<960x32xf32> to vector<960x1xf32>
    %slice3A_269 = vector.extract_strided_slice %get3A_4 {offsets = [0, 4], sizes = [960, 1], strides = [1, 1]} : vector<960x32xf32> to vector<960x1xf32>
    %slice3A_270 = vector.extract_strided_slice %get3A_4 {offsets = [0, 5], sizes = [960, 1], strides = [1, 1]} : vector<960x32xf32> to vector<960x1xf32>
    %sub3A_271 = arith.subf %slice3A_268, %slice3A_265 : vector<960x1xf32>
    %integer_pow3A_272 = arith.mulf %sub3A_271, %sub3A_271 : vector<960x1xf32>
    %sub3A_273 = arith.subf %slice3A_269, %slice3A_266 : vector<960x1xf32>
    %integer_pow3A_274 = arith.mulf %sub3A_273, %sub3A_273 : vector<960x1xf32>
    %add3A_275 = arith.addf %integer_pow3A_272, %integer_pow3A_274 : vector<960x1xf32>
    %sub3A_276 = arith.subf %slice3A_270, %slice3A_267 : vector<960x1xf32>
    %integer_pow3A_277 = arith.mulf %sub3A_276, %sub3A_276 : vector<960x1xf32>
    %add3A_278 = arith.addf %add3A_275, %integer_pow3A_277 : vector<960x1xf32>
    %add3A_279 = arith.constant 9.99999997E-7 : f32
    %add3A_280 = vector.broadcast %add3A_279 : f32 to vector<960x1xf32>
    %add3A_281 = arith.addf %add3A_278, %add3A_280 : vector<960x1xf32>
    %sqrt3A_282 = math.sqrt %add3A_281 : vector<960x1xf32>
    %slice3A_283 = vector.extract_strided_slice %get3A_7 {offsets = [0, 0], sizes = [960, 1], strides = [1, 1]} : vector<960x32xf32> to vector<960x1xf32>
    %slice3A_284 = vector.extract_strided_slice %get3A_7 {offsets = [0, 1], sizes = [960, 1], strides = [1, 1]} : vector<960x32xf32> to vector<960x1xf32>
    %slice3A_285 = vector.extract_strided_slice %get3A_7 {offsets = [0, 2], sizes = [960, 1], strides = [1, 1]} : vector<960x32xf32> to vector<960x1xf32>
    %slice3A_286 = vector.extract_strided_slice %get3A_4 {offsets = [0, 12], sizes = [960, 1], strides = [1, 1]} : vector<960x32xf32> to vector<960x1xf32>
    %slice3A_287 = vector.extract_strided_slice %get3A_4 {offsets = [0, 13], sizes = [960, 1], strides = [1, 1]} : vector<960x32xf32> to vector<960x1xf32>
    %slice3A_288 = vector.extract_strided_slice %get3A_4 {offsets = [0, 14], sizes = [960, 1], strides = [1, 1]} : vector<960x32xf32> to vector<960x1xf32>
    %sub3A_289 = arith.subf %slice3A_286, %slice3A_283 : vector<960x1xf32>
    %integer_pow3A_290 = arith.mulf %sub3A_289, %sub3A_289 : vector<960x1xf32>
    %sub3A_291 = arith.subf %slice3A_287, %slice3A_284 : vector<960x1xf32>
    %integer_pow3A_292 = arith.mulf %sub3A_291, %sub3A_291 : vector<960x1xf32>
    %add3A_293 = arith.addf %integer_pow3A_290, %integer_pow3A_292 : vector<960x1xf32>
    %sub3A_294 = arith.subf %slice3A_288, %slice3A_285 : vector<960x1xf32>
    %integer_pow3A_295 = arith.mulf %sub3A_294, %sub3A_294 : vector<960x1xf32>
    %add3A_296 = arith.addf %add3A_293, %integer_pow3A_295 : vector<960x1xf32>
    %add3A_297 = arith.constant 9.99999997E-7 : f32
    %add3A_298 = vector.broadcast %add3A_297 : f32 to vector<960x1xf32>
    %add3A_299 = arith.addf %add3A_296, %add3A_298 : vector<960x1xf32>
    %sqrt3A_300 = math.sqrt %add3A_299 : vector<960x1xf32>
    %slice3A_301 = vector.extract_strided_slice %get3A_7 {offsets = [0, 3], sizes = [960, 1], strides = [1, 1]} : vector<960x32xf32> to vector<960x1xf32>
    %slice3A_302 = vector.extract_strided_slice %get3A_7 {offsets = [0, 4], sizes = [960, 1], strides = [1, 1]} : vector<960x32xf32> to vector<960x1xf32>
    %slice3A_303 = vector.extract_strided_slice %get3A_7 {offsets = [0, 5], sizes = [960, 1], strides = [1, 1]} : vector<960x32xf32> to vector<960x1xf32>
    %slice3A_304 = vector.extract_strided_slice %get3A_4 {offsets = [0, 12], sizes = [960, 1], strides = [1, 1]} : vector<960x32xf32> to vector<960x1xf32>
    %slice3A_305 = vector.extract_strided_slice %get3A_4 {offsets = [0, 13], sizes = [960, 1], strides = [1, 1]} : vector<960x32xf32> to vector<960x1xf32>
    %slice3A_306 = vector.extract_strided_slice %get3A_4 {offsets = [0, 14], sizes = [960, 1], strides = [1, 1]} : vector<960x32xf32> to vector<960x1xf32>
    %sub3A_307 = arith.subf %slice3A_304, %slice3A_301 : vector<960x1xf32>
    %integer_pow3A_308 = arith.mulf %sub3A_307, %sub3A_307 : vector<960x1xf32>
    %sub3A_309 = arith.subf %slice3A_305, %slice3A_302 : vector<960x1xf32>
    %integer_pow3A_310 = arith.mulf %sub3A_309, %sub3A_309 : vector<960x1xf32>
    %add3A_311 = arith.addf %integer_pow3A_308, %integer_pow3A_310 : vector<960x1xf32>
    %sub3A_312 = arith.subf %slice3A_306, %slice3A_303 : vector<960x1xf32>
    %integer_pow3A_313 = arith.mulf %sub3A_312, %sub3A_312 : vector<960x1xf32>
    %add3A_314 = arith.addf %add3A_311, %integer_pow3A_313 : vector<960x1xf32>
    %add3A_315 = arith.constant 9.99999997E-7 : f32
    %add3A_316 = vector.broadcast %add3A_315 : f32 to vector<960x1xf32>
    %add3A_317 = arith.addf %add3A_314, %add3A_316 : vector<960x1xf32>
    %sqrt3A_318 = math.sqrt %add3A_317 : vector<960x1xf32>
    %slice3A_319 = vector.extract_strided_slice %get3A_7 {offsets = [0, 6], sizes = [960, 1], strides = [1, 1]} : vector<960x32xf32> to vector<960x1xf32>
    %slice3A_320 = vector.extract_strided_slice %get3A_7 {offsets = [0, 7], sizes = [960, 1], strides = [1, 1]} : vector<960x32xf32> to vector<960x1xf32>
    %slice3A_321 = vector.extract_strided_slice %get3A_7 {offsets = [0, 8], sizes = [960, 1], strides = [1, 1]} : vector<960x32xf32> to vector<960x1xf32>
    %slice3A_322 = vector.extract_strided_slice %get3A_4 {offsets = [0, 12], sizes = [960, 1], strides = [1, 1]} : vector<960x32xf32> to vector<960x1xf32>
    %slice3A_323 = vector.extract_strided_slice %get3A_4 {offsets = [0, 13], sizes = [960, 1], strides = [1, 1]} : vector<960x32xf32> to vector<960x1xf32>
    %slice3A_324 = vector.extract_strided_slice %get3A_4 {offsets = [0, 14], sizes = [960, 1], strides = [1, 1]} : vector<960x32xf32> to vector<960x1xf32>
    %sub3A_325 = arith.subf %slice3A_322, %slice3A_319 : vector<960x1xf32>
    %integer_pow3A_326 = arith.mulf %sub3A_325, %sub3A_325 : vector<960x1xf32>
    %sub3A_327 = arith.subf %slice3A_323, %slice3A_320 : vector<960x1xf32>
    %integer_pow3A_328 = arith.mulf %sub3A_327, %sub3A_327 : vector<960x1xf32>
    %add3A_329 = arith.addf %integer_pow3A_326, %integer_pow3A_328 : vector<960x1xf32>
    %sub3A_330 = arith.subf %slice3A_324, %slice3A_321 : vector<960x1xf32>
    %integer_pow3A_331 = arith.mulf %sub3A_330, %sub3A_330 : vector<960x1xf32>
    %add3A_332 = arith.addf %add3A_329, %integer_pow3A_331 : vector<960x1xf32>
    %add3A_333 = arith.constant 9.99999997E-7 : f32
    %add3A_334 = vector.broadcast %add3A_333 : f32 to vector<960x1xf32>
    %add3A_335 = arith.addf %add3A_332, %add3A_334 : vector<960x1xf32>
    %sqrt3A_336 = math.sqrt %add3A_335 : vector<960x1xf32>
    %slice3A_337 = vector.extract_strided_slice %get3A_7 {offsets = [0, 9], sizes = [960, 1], strides = [1, 1]} : vector<960x32xf32> to vector<960x1xf32>
    %slice3A_338 = vector.extract_strided_slice %get3A_7 {offsets = [0, 10], sizes = [960, 1], strides = [1, 1]} : vector<960x32xf32> to vector<960x1xf32>
    %slice3A_339 = vector.extract_strided_slice %get3A_7 {offsets = [0, 11], sizes = [960, 1], strides = [1, 1]} : vector<960x32xf32> to vector<960x1xf32>
    %slice3A_340 = vector.extract_strided_slice %get3A_4 {offsets = [0, 12], sizes = [960, 1], strides = [1, 1]} : vector<960x32xf32> to vector<960x1xf32>
    %slice3A_341 = vector.extract_strided_slice %get3A_4 {offsets = [0, 13], sizes = [960, 1], strides = [1, 1]} : vector<960x32xf32> to vector<960x1xf32>
    %slice3A_342 = vector.extract_strided_slice %get3A_4 {offsets = [0, 14], sizes = [960, 1], strides = [1, 1]} : vector<960x32xf32> to vector<960x1xf32>
    %sub3A_343 = arith.subf %slice3A_340, %slice3A_337 : vector<960x1xf32>
    %integer_pow3A_344 = arith.mulf %sub3A_343, %sub3A_343 : vector<960x1xf32>
    %sub3A_345 = arith.subf %slice3A_341, %slice3A_338 : vector<960x1xf32>
    %integer_pow3A_346 = arith.mulf %sub3A_345, %sub3A_345 : vector<960x1xf32>
    %add3A_347 = arith.addf %integer_pow3A_344, %integer_pow3A_346 : vector<960x1xf32>
    %sub3A_348 = arith.subf %slice3A_342, %slice3A_339 : vector<960x1xf32>
    %integer_pow3A_349 = arith.mulf %sub3A_348, %sub3A_348 : vector<960x1xf32>
    %add3A_350 = arith.addf %add3A_347, %integer_pow3A_349 : vector<960x1xf32>
    %add3A_351 = arith.constant 9.99999997E-7 : f32
    %add3A_352 = vector.broadcast %add3A_351 : f32 to vector<960x1xf32>
    %add3A_353 = arith.addf %add3A_350, %add3A_352 : vector<960x1xf32>
    %sqrt3A_354 = math.sqrt %add3A_353 : vector<960x1xf32>
    %slice3A_355 = vector.extract_strided_slice %get3A_7 {offsets = [0, 3], sizes = [960, 1], strides = [1, 1]} : vector<960x32xf32> to vector<960x1xf32>
    %slice3A_356 = vector.extract_strided_slice %get3A_7 {offsets = [0, 4], sizes = [960, 1], strides = [1, 1]} : vector<960x32xf32> to vector<960x1xf32>
    %slice3A_357 = vector.extract_strided_slice %get3A_7 {offsets = [0, 5], sizes = [960, 1], strides = [1, 1]} : vector<960x32xf32> to vector<960x1xf32>
    %slice3A_358 = vector.extract_strided_slice %get3A_4 {offsets = [0, 0], sizes = [960, 1], strides = [1, 1]} : vector<960x32xf32> to vector<960x1xf32>
    %slice3A_359 = vector.extract_strided_slice %get3A_4 {offsets = [0, 1], sizes = [960, 1], strides = [1, 1]} : vector<960x32xf32> to vector<960x1xf32>
    %slice3A_360 = vector.extract_strided_slice %get3A_4 {offsets = [0, 2], sizes = [960, 1], strides = [1, 1]} : vector<960x32xf32> to vector<960x1xf32>
    %sub3A_361 = arith.subf %slice3A_358, %slice3A_355 : vector<960x1xf32>
    %integer_pow3A_362 = arith.mulf %sub3A_361, %sub3A_361 : vector<960x1xf32>
    %sub3A_363 = arith.subf %slice3A_359, %slice3A_356 : vector<960x1xf32>
    %integer_pow3A_364 = arith.mulf %sub3A_363, %sub3A_363 : vector<960x1xf32>
    %add3A_365 = arith.addf %integer_pow3A_362, %integer_pow3A_364 : vector<960x1xf32>
    %sub3A_366 = arith.subf %slice3A_360, %slice3A_357 : vector<960x1xf32>
    %integer_pow3A_367 = arith.mulf %sub3A_366, %sub3A_366 : vector<960x1xf32>
    %add3A_368 = arith.addf %add3A_365, %integer_pow3A_367 : vector<960x1xf32>
    %add3A_369 = arith.constant 9.99999997E-7 : f32
    %add3A_370 = vector.broadcast %add3A_369 : f32 to vector<960x1xf32>
    %add3A_371 = arith.addf %add3A_368, %add3A_370 : vector<960x1xf32>
    %sqrt3A_372 = math.sqrt %add3A_371 : vector<960x1xf32>
    %slice3A_373 = vector.extract_strided_slice %get3A_7 {offsets = [0, 6], sizes = [960, 1], strides = [1, 1]} : vector<960x32xf32> to vector<960x1xf32>
    %slice3A_374 = vector.extract_strided_slice %get3A_7 {offsets = [0, 7], sizes = [960, 1], strides = [1, 1]} : vector<960x32xf32> to vector<960x1xf32>
    %slice3A_375 = vector.extract_strided_slice %get3A_7 {offsets = [0, 8], sizes = [960, 1], strides = [1, 1]} : vector<960x32xf32> to vector<960x1xf32>
    %slice3A_376 = vector.extract_strided_slice %get3A_4 {offsets = [0, 0], sizes = [960, 1], strides = [1, 1]} : vector<960x32xf32> to vector<960x1xf32>
    %slice3A_377 = vector.extract_strided_slice %get3A_4 {offsets = [0, 1], sizes = [960, 1], strides = [1, 1]} : vector<960x32xf32> to vector<960x1xf32>
    %slice3A_378 = vector.extract_strided_slice %get3A_4 {offsets = [0, 2], sizes = [960, 1], strides = [1, 1]} : vector<960x32xf32> to vector<960x1xf32>
    %sub3A_379 = arith.subf %slice3A_376, %slice3A_373 : vector<960x1xf32>
    %integer_pow3A_380 = arith.mulf %sub3A_379, %sub3A_379 : vector<960x1xf32>
    %sub3A_381 = arith.subf %slice3A_377, %slice3A_374 : vector<960x1xf32>
    %integer_pow3A_382 = arith.mulf %sub3A_381, %sub3A_381 : vector<960x1xf32>
    %add3A_383 = arith.addf %integer_pow3A_380, %integer_pow3A_382 : vector<960x1xf32>
    %sub3A_384 = arith.subf %slice3A_378, %slice3A_375 : vector<960x1xf32>
    %integer_pow3A_385 = arith.mulf %sub3A_384, %sub3A_384 : vector<960x1xf32>
    %add3A_386 = arith.addf %add3A_383, %integer_pow3A_385 : vector<960x1xf32>
    %add3A_387 = arith.constant 9.99999997E-7 : f32
    %add3A_388 = vector.broadcast %add3A_387 : f32 to vector<960x1xf32>
    %add3A_389 = arith.addf %add3A_386, %add3A_388 : vector<960x1xf32>
    %sqrt3A_390 = math.sqrt %add3A_389 : vector<960x1xf32>
    %slice3A_391 = vector.extract_strided_slice %get3A_7 {offsets = [0, 9], sizes = [960, 1], strides = [1, 1]} : vector<960x32xf32> to vector<960x1xf32>
    %slice3A_392 = vector.extract_strided_slice %get3A_7 {offsets = [0, 10], sizes = [960, 1], strides = [1, 1]} : vector<960x32xf32> to vector<960x1xf32>
    %slice3A_393 = vector.extract_strided_slice %get3A_7 {offsets = [0, 11], sizes = [960, 1], strides = [1, 1]} : vector<960x32xf32> to vector<960x1xf32>
    %slice3A_394 = vector.extract_strided_slice %get3A_4 {offsets = [0, 0], sizes = [960, 1], strides = [1, 1]} : vector<960x32xf32> to vector<960x1xf32>
    %slice3A_395 = vector.extract_strided_slice %get3A_4 {offsets = [0, 1], sizes = [960, 1], strides = [1, 1]} : vector<960x32xf32> to vector<960x1xf32>
    %slice3A_396 = vector.extract_strided_slice %get3A_4 {offsets = [0, 2], sizes = [960, 1], strides = [1, 1]} : vector<960x32xf32> to vector<960x1xf32>
    %sub3A_397 = arith.subf %slice3A_394, %slice3A_391 : vector<960x1xf32>
    %integer_pow3A_398 = arith.mulf %sub3A_397, %sub3A_397 : vector<960x1xf32>
    %sub3A_399 = arith.subf %slice3A_395, %slice3A_392 : vector<960x1xf32>
    %integer_pow3A_400 = arith.mulf %sub3A_399, %sub3A_399 : vector<960x1xf32>
    %add3A_401 = arith.addf %integer_pow3A_398, %integer_pow3A_400 : vector<960x1xf32>
    %sub3A_402 = arith.subf %slice3A_396, %slice3A_393 : vector<960x1xf32>
    %integer_pow3A_403 = arith.mulf %sub3A_402, %sub3A_402 : vector<960x1xf32>
    %add3A_404 = arith.addf %add3A_401, %integer_pow3A_403 : vector<960x1xf32>
    %add3A_405 = arith.constant 9.99999997E-7 : f32
    %add3A_406 = vector.broadcast %add3A_405 : f32 to vector<960x1xf32>
    %add3A_407 = arith.addf %add3A_404, %add3A_406 : vector<960x1xf32>
    %sqrt3A_408 = math.sqrt %add3A_407 : vector<960x1xf32>
    %slice3A_409 = vector.extract_strided_slice %get3A_7 {offsets = [0, 3], sizes = [960, 1], strides = [1, 1]} : vector<960x32xf32> to vector<960x1xf32>
    %slice3A_410 = vector.extract_strided_slice %get3A_7 {offsets = [0, 4], sizes = [960, 1], strides = [1, 1]} : vector<960x32xf32> to vector<960x1xf32>
    %slice3A_411 = vector.extract_strided_slice %get3A_7 {offsets = [0, 5], sizes = [960, 1], strides = [1, 1]} : vector<960x32xf32> to vector<960x1xf32>
    %slice3A_412 = vector.extract_strided_slice %get3A_4 {offsets = [0, 9], sizes = [960, 1], strides = [1, 1]} : vector<960x32xf32> to vector<960x1xf32>
    %slice3A_413 = vector.extract_strided_slice %get3A_4 {offsets = [0, 10], sizes = [960, 1], strides = [1, 1]} : vector<960x32xf32> to vector<960x1xf32>
    %slice3A_414 = vector.extract_strided_slice %get3A_4 {offsets = [0, 11], sizes = [960, 1], strides = [1, 1]} : vector<960x32xf32> to vector<960x1xf32>
    %sub3A_415 = arith.subf %slice3A_412, %slice3A_409 : vector<960x1xf32>
    %integer_pow3A_416 = arith.mulf %sub3A_415, %sub3A_415 : vector<960x1xf32>
    %sub3A_417 = arith.subf %slice3A_413, %slice3A_410 : vector<960x1xf32>
    %integer_pow3A_418 = arith.mulf %sub3A_417, %sub3A_417 : vector<960x1xf32>
    %add3A_419 = arith.addf %integer_pow3A_416, %integer_pow3A_418 : vector<960x1xf32>
    %sub3A_420 = arith.subf %slice3A_414, %slice3A_411 : vector<960x1xf32>
    %integer_pow3A_421 = arith.mulf %sub3A_420, %sub3A_420 : vector<960x1xf32>
    %add3A_422 = arith.addf %add3A_419, %integer_pow3A_421 : vector<960x1xf32>
    %add3A_423 = arith.constant 9.99999997E-7 : f32
    %add3A_424 = vector.broadcast %add3A_423 : f32 to vector<960x1xf32>
    %add3A_425 = arith.addf %add3A_422, %add3A_424 : vector<960x1xf32>
    %sqrt3A_426 = math.sqrt %add3A_425 : vector<960x1xf32>
    %slice3A_427 = vector.extract_strided_slice %get3A_7 {offsets = [0, 6], sizes = [960, 1], strides = [1, 1]} : vector<960x32xf32> to vector<960x1xf32>
    %slice3A_428 = vector.extract_strided_slice %get3A_7 {offsets = [0, 7], sizes = [960, 1], strides = [1, 1]} : vector<960x32xf32> to vector<960x1xf32>
    %slice3A_429 = vector.extract_strided_slice %get3A_7 {offsets = [0, 8], sizes = [960, 1], strides = [1, 1]} : vector<960x32xf32> to vector<960x1xf32>
    %slice3A_430 = vector.extract_strided_slice %get3A_4 {offsets = [0, 9], sizes = [960, 1], strides = [1, 1]} : vector<960x32xf32> to vector<960x1xf32>
    %slice3A_431 = vector.extract_strided_slice %get3A_4 {offsets = [0, 10], sizes = [960, 1], strides = [1, 1]} : vector<960x32xf32> to vector<960x1xf32>
    %slice3A_432 = vector.extract_strided_slice %get3A_4 {offsets = [0, 11], sizes = [960, 1], strides = [1, 1]} : vector<960x32xf32> to vector<960x1xf32>
    %sub3A_433 = arith.subf %slice3A_430, %slice3A_427 : vector<960x1xf32>
    %integer_pow3A_434 = arith.mulf %sub3A_433, %sub3A_433 : vector<960x1xf32>
    %sub3A_435 = arith.subf %slice3A_431, %slice3A_428 : vector<960x1xf32>
    %integer_pow3A_436 = arith.mulf %sub3A_435, %sub3A_435 : vector<960x1xf32>
    %add3A_437 = arith.addf %integer_pow3A_434, %integer_pow3A_436 : vector<960x1xf32>
    %sub3A_438 = arith.subf %slice3A_432, %slice3A_429 : vector<960x1xf32>
    %integer_pow3A_439 = arith.mulf %sub3A_438, %sub3A_438 : vector<960x1xf32>
    %add3A_440 = arith.addf %add3A_437, %integer_pow3A_439 : vector<960x1xf32>
    %add3A_441 = arith.constant 9.99999997E-7 : f32
    %add3A_442 = vector.broadcast %add3A_441 : f32 to vector<960x1xf32>
    %add3A_443 = arith.addf %add3A_440, %add3A_442 : vector<960x1xf32>
    %sqrt3A_444 = math.sqrt %add3A_443 : vector<960x1xf32>
    %slice3A_445 = vector.extract_strided_slice %get3A_7 {offsets = [0, 3], sizes = [960, 1], strides = [1, 1]} : vector<960x32xf32> to vector<960x1xf32>
    %slice3A_446 = vector.extract_strided_slice %get3A_7 {offsets = [0, 4], sizes = [960, 1], strides = [1, 1]} : vector<960x32xf32> to vector<960x1xf32>
    %slice3A_447 = vector.extract_strided_slice %get3A_7 {offsets = [0, 5], sizes = [960, 1], strides = [1, 1]} : vector<960x32xf32> to vector<960x1xf32>
    %slice3A_448 = vector.extract_strided_slice %get3A_4 {offsets = [0, 6], sizes = [960, 1], strides = [1, 1]} : vector<960x32xf32> to vector<960x1xf32>
    %slice3A_449 = vector.extract_strided_slice %get3A_4 {offsets = [0, 7], sizes = [960, 1], strides = [1, 1]} : vector<960x32xf32> to vector<960x1xf32>
    %slice3A_450 = vector.extract_strided_slice %get3A_4 {offsets = [0, 8], sizes = [960, 1], strides = [1, 1]} : vector<960x32xf32> to vector<960x1xf32>
    %sub3A_451 = arith.subf %slice3A_448, %slice3A_445 : vector<960x1xf32>
    %integer_pow3A_452 = arith.mulf %sub3A_451, %sub3A_451 : vector<960x1xf32>
    %sub3A_453 = arith.subf %slice3A_449, %slice3A_446 : vector<960x1xf32>
    %integer_pow3A_454 = arith.mulf %sub3A_453, %sub3A_453 : vector<960x1xf32>
    %add3A_455 = arith.addf %integer_pow3A_452, %integer_pow3A_454 : vector<960x1xf32>
    %sub3A_456 = arith.subf %slice3A_450, %slice3A_447 : vector<960x1xf32>
    %integer_pow3A_457 = arith.mulf %sub3A_456, %sub3A_456 : vector<960x1xf32>
    %add3A_458 = arith.addf %add3A_455, %integer_pow3A_457 : vector<960x1xf32>
    %add3A_459 = arith.constant 9.99999997E-7 : f32
    %add3A_460 = vector.broadcast %add3A_459 : f32 to vector<960x1xf32>
    %add3A_461 = arith.addf %add3A_458, %add3A_460 : vector<960x1xf32>
    %sqrt3A_462 = math.sqrt %add3A_461 : vector<960x1xf32>
    %broadcast_in_dim3A_463 = vector.shape_cast %get3A_32 : vector<960x1xf32> to vector<960x1xf32>
    %broadcast_in_dim3A_464 = vector.broadcast %broadcast_in_dim3A_463 : vector<960x1xf32> to vector<960x16xf32>
    %broadcast_in_dim3A_465 = vector.shape_cast %sqrt3A : vector<960x1xf32> to vector<960x1xf32>
    %broadcast_in_dim3A_466 = vector.broadcast %broadcast_in_dim3A_465 : vector<960x1xf32> to vector<960x16xf32>
    %broadcast_in_dim3A_467 = vector.shape_cast %sqrt3A_66 : vector<960x1xf32> to vector<960x1xf32>
    %broadcast_in_dim3A_468 = vector.broadcast %broadcast_in_dim3A_467 : vector<960x1xf32> to vector<960x16xf32>
    %broadcast_in_dim3A_469 = vector.shape_cast %sqrt3A_84 : vector<960x1xf32> to vector<960x1xf32>
    %broadcast_in_dim3A_470 = vector.broadcast %broadcast_in_dim3A_469 : vector<960x1xf32> to vector<960x16xf32>
    %broadcast_in_dim3A_471 = vector.shape_cast %sqrt3A_102 : vector<960x1xf32> to vector<960x1xf32>
    %broadcast_in_dim3A_472 = vector.broadcast %broadcast_in_dim3A_471 : vector<960x1xf32> to vector<960x16xf32>
    %broadcast_in_dim3A_473 = vector.shape_cast %sqrt3A_120 : vector<960x1xf32> to vector<960x1xf32>
    %broadcast_in_dim3A_474 = vector.broadcast %broadcast_in_dim3A_473 : vector<960x1xf32> to vector<960x16xf32>
    %broadcast_in_dim3A_475 = vector.shape_cast %sqrt3A_138 : vector<960x1xf32> to vector<960x1xf32>
    %broadcast_in_dim3A_476 = vector.broadcast %broadcast_in_dim3A_475 : vector<960x1xf32> to vector<960x16xf32>
    %broadcast_in_dim3A_477 = vector.shape_cast %sqrt3A_156 : vector<960x1xf32> to vector<960x1xf32>
    %broadcast_in_dim3A_478 = vector.broadcast %broadcast_in_dim3A_477 : vector<960x1xf32> to vector<960x16xf32>
    %broadcast_in_dim3A_479 = vector.shape_cast %sqrt3A_174 : vector<960x1xf32> to vector<960x1xf32>
    %broadcast_in_dim3A_480 = vector.broadcast %broadcast_in_dim3A_479 : vector<960x1xf32> to vector<960x16xf32>
    %broadcast_in_dim3A_481 = vector.shape_cast %sqrt3A_192 : vector<960x1xf32> to vector<960x1xf32>
    %broadcast_in_dim3A_482 = vector.broadcast %broadcast_in_dim3A_481 : vector<960x1xf32> to vector<960x16xf32>
    %broadcast_in_dim3A_483 = vector.shape_cast %sqrt3A_210 : vector<960x1xf32> to vector<960x1xf32>
    %broadcast_in_dim3A_484 = vector.broadcast %broadcast_in_dim3A_483 : vector<960x1xf32> to vector<960x16xf32>
    %broadcast_in_dim3A_485 = vector.shape_cast %sqrt3A_228 : vector<960x1xf32> to vector<960x1xf32>
    %broadcast_in_dim3A_486 = vector.broadcast %broadcast_in_dim3A_485 : vector<960x1xf32> to vector<960x16xf32>
    %broadcast_in_dim3A_487 = vector.shape_cast %sqrt3A_246 : vector<960x1xf32> to vector<960x1xf32>
    %broadcast_in_dim3A_488 = vector.broadcast %broadcast_in_dim3A_487 : vector<960x1xf32> to vector<960x16xf32>
    %broadcast_in_dim3A_489 = vector.shape_cast %sqrt3A_264 : vector<960x1xf32> to vector<960x1xf32>
    %broadcast_in_dim3A_490 = vector.broadcast %broadcast_in_dim3A_489 : vector<960x1xf32> to vector<960x16xf32>
    %broadcast_in_dim3A_491 = vector.shape_cast %sqrt3A_282 : vector<960x1xf32> to vector<960x1xf32>
    %broadcast_in_dim3A_492 = vector.broadcast %broadcast_in_dim3A_491 : vector<960x1xf32> to vector<960x16xf32>
    %broadcast_in_dim3A_493 = vector.shape_cast %sqrt3A_300 : vector<960x1xf32> to vector<960x1xf32>
    %broadcast_in_dim3A_494 = vector.broadcast %broadcast_in_dim3A_493 : vector<960x1xf32> to vector<960x16xf32>
    %broadcast_in_dim3A_495 = vector.shape_cast %sqrt3A_318 : vector<960x1xf32> to vector<960x1xf32>
    %broadcast_in_dim3A_496 = vector.broadcast %broadcast_in_dim3A_495 : vector<960x1xf32> to vector<960x16xf32>
    %broadcast_in_dim3A_497 = vector.shape_cast %sqrt3A_336 : vector<960x1xf32> to vector<960x1xf32>
    %broadcast_in_dim3A_498 = vector.broadcast %broadcast_in_dim3A_497 : vector<960x1xf32> to vector<960x16xf32>
    %broadcast_in_dim3A_499 = vector.shape_cast %sqrt3A_354 : vector<960x1xf32> to vector<960x1xf32>
    %broadcast_in_dim3A_500 = vector.broadcast %broadcast_in_dim3A_499 : vector<960x1xf32> to vector<960x16xf32>
    %broadcast_in_dim3A_501 = vector.shape_cast %sqrt3A_372 : vector<960x1xf32> to vector<960x1xf32>
    %broadcast_in_dim3A_502 = vector.broadcast %broadcast_in_dim3A_501 : vector<960x1xf32> to vector<960x16xf32>
    %broadcast_in_dim3A_503 = vector.shape_cast %sqrt3A_390 : vector<960x1xf32> to vector<960x1xf32>
    %broadcast_in_dim3A_504 = vector.broadcast %broadcast_in_dim3A_503 : vector<960x1xf32> to vector<960x16xf32>
    %broadcast_in_dim3A_505 = vector.shape_cast %sqrt3A_408 : vector<960x1xf32> to vector<960x1xf32>
    %broadcast_in_dim3A_506 = vector.broadcast %broadcast_in_dim3A_505 : vector<960x1xf32> to vector<960x16xf32>
    %broadcast_in_dim3A_507 = vector.shape_cast %sqrt3A_426 : vector<960x1xf32> to vector<960x1xf32>
    %broadcast_in_dim3A_508 = vector.broadcast %broadcast_in_dim3A_507 : vector<960x1xf32> to vector<960x16xf32>
    %broadcast_in_dim3A_509 = vector.shape_cast %sqrt3A_444 : vector<960x1xf32> to vector<960x1xf32>
    %broadcast_in_dim3A_510 = vector.broadcast %broadcast_in_dim3A_509 : vector<960x1xf32> to vector<960x16xf32>
    %broadcast_in_dim3A_511 = vector.shape_cast %sqrt3A_462 : vector<960x1xf32> to vector<960x1xf32>
    %broadcast_in_dim3A_512 = vector.broadcast %broadcast_in_dim3A_511 : vector<960x1xf32> to vector<960x16xf32>
    %concatenate3A = tpu.concatenate %broadcast_in_dim3A_464, %broadcast_in_dim3A_466, %broadcast_in_dim3A_468, %broadcast_in_dim3A_470, %broadcast_in_dim3A_472, %broadcast_in_dim3A_474, %broadcast_in_dim3A_476, %broadcast_in_dim3A_478, %broadcast_in_dim3A_480, %broadcast_in_dim3A_482, %broadcast_in_dim3A_484, %broadcast_in_dim3A_486, %broadcast_in_dim3A_488, %broadcast_in_dim3A_490, %broadcast_in_dim3A_492, %broadcast_in_dim3A_494, %broadcast_in_dim3A_496, %broadcast_in_dim3A_498, %broadcast_in_dim3A_500, %broadcast_in_dim3A_502, %broadcast_in_dim3A_504, %broadcast_in_dim3A_506, %broadcast_in_dim3A_508, %broadcast_in_dim3A_510, %broadcast_in_dim3A_512 in 1 : vector<960x16xf32>, vector<960x16xf32>, vector<960x16xf32>, vector<960x16xf32>, vector<960x16xf32>, vector<960x16xf32>, vector<960x16xf32>, vector<960x16xf32>, vector<960x16xf32>, vector<960x16xf32>, vector<960x16xf32>, vector<960x16xf32>, vector<960x16xf32>, vector<960x16xf32>, vector<960x16xf32>, vector<960x16xf32>, vector<960x16xf32>, vector<960x16xf32>, vector<960x16xf32>, vector<960x16xf32>, vector<960x16xf32>, vector<960x16xf32>, vector<960x16xf32>, vector<960x16xf32>, vector<960x16xf32> -> vector<960x400xf32>
    %sub3A_513 = vector.broadcast %get3A_1 : vector<1x400xf32> to vector<960x400xf32>
    %sub3A_514 = arith.subf %concatenate3A, %sub3A_513 : vector<960x400xf32>
    %div3A = arith.constant 1.250000e+00 : f32
    %div3A_515 = vector.broadcast %div3A : f32 to vector<960x400xf32>
    %div3A_516 = arith.divf %sub3A_514, %div3A_515 : vector<960x400xf32>
    %mul3A = arith.mulf %div3A_516, %div3A_516 : vector<960x400xf32>
    %neg3A = arith.constant 0.000000e+00 : f32
    %neg3A_517 = vector.broadcast %neg3A : f32 to vector<960x400xf32>
    %neg3A_518 = arith.subf %neg3A_517, %mul3A : vector<960x400xf32>
    %exp3A = math.exp %neg3A_518 : vector<960x400xf32>
    %concatenate3A_519 = tpu.concatenate %add3A_29, %exp3A in 1 : vector<960x16xf32>, vector<960x400xf32> -> vector<960x416xf32>
    %get3A_520 = arith.constant 0 : index
    %get3A_521 = arith.constant 0 : index
    %get3A_522 = vector.load %arg7[%get3A_520, %get3A_521] : memref<416x128xf32, #tpu.memory_space<vmem>>, vector<416x128xf32>
    %dot_general3A_523 = arith.constant dense<0.000000e+00> : vector<960x128xf32>
    %dot_general3A_524 = tpu.matmul %concatenate3A_519, %get3A_522, %dot_general3A_523 {dimension_numbers = #tpu.dot_dimension_numbers<[1], [0], [0], [1], [0, 0, 1, 1], [], []>, transpose_lhs_hint = false} : vector<960x416xf32>, vector<416x128xf32>, vector<960x128xf32> -> vector<960x128xf32>
    %get3A_525 = arith.constant 0 : index
    %get3A_526 = arith.constant 0 : index
    %get3A_527 = vector.load %arg8[%get3A_525, %get3A_526] : memref<1x128xf32, #tpu.memory_space<vmem>>, vector<1x128xf32>
    %add3A_528 = vector.broadcast %get3A_527 : vector<1x128xf32> to vector<960x128xf32>
    %add3A_529 = arith.addf %dot_general3A_524, %add3A_528 : vector<960x128xf32>
    %get3A_530 = arith.constant 0 : index
    %get3A_531 = arith.constant 0 : index
    %get3A_532 = vector.load %arg9[%get3A_530, %get3A_531] : memref<1x128xf32, #tpu.memory_space<vmem>>, vector<1x128xf32>
    %get3A_533 = arith.constant 0 : index
    %get3A_534 = arith.constant 0 : index
    %get3A_535 = vector.load %arg10[%get3A_533, %get3A_534] : memref<1x128xf32, #tpu.memory_space<vmem>>, vector<1x128xf32>
    %reduce_sum3A = arith.constant dense<0.000000e+00> : vector<960xf32>
    %reduce_sum3A_536 = vector.multi_reduction <add>, %add3A_529, %reduce_sum3A [1] : vector<960x128xf32> to vector<960xf32>
    %broadcast_in_dim3A_537 = vector.shape_cast %reduce_sum3A_536 : vector<960xf32> to vector<960x1xf32>
    %div3A_538 = arith.constant 1.280000e+02 : f32
    %div3A_539 = vector.broadcast %div3A_538 : f32 to vector<960x1xf32>
    %div3A_540 = arith.divf %broadcast_in_dim3A_537, %div3A_539 : vector<960x1xf32>
    %jit3A_541 = arith.constant 0 : i32
    %reduce_sum3A_542 = arith.constant dense<0.000000e+00> : vector<960xf32>
    %reduce_sum3A_543 = vector.multi_reduction <add>, %add3A_529, %reduce_sum3A_542 [1] : vector<960x128xf32> to vector<960xf32>
    %broadcast_in_dim3A_544 = vector.shape_cast %reduce_sum3A_543 : vector<960xf32> to vector<960x1xf32>
    %div3A_545 = arith.constant 1.280000e+02 : f32
    %div3A_546 = vector.broadcast %div3A_545 : f32 to vector<960x1xf32>
    %div3A_547 = arith.divf %broadcast_in_dim3A_544, %div3A_546 : vector<960x1xf32>
    %sub3A_548 = vector.broadcast %div3A_547 : vector<960x1xf32> to vector<960x128xf32>
    %sub3A_549 = arith.subf %add3A_529, %sub3A_548 : vector<960x128xf32>
    %square3A = arith.mulf %sub3A_549, %sub3A_549 : vector<960x128xf32>
    %convert_element_type3A_550 = arith.sitofp %jit3A_541 : i32 to f32
    %sub3A_551 = arith.constant 1.280000e+02 : f32
    %sub3A_552 = arith.subf %sub3A_551, %convert_element_type3A_550 : f32
    %reduce_sum3A_553 = arith.constant dense<0.000000e+00> : vector<960xf32>
    %reduce_sum3A_554 = vector.multi_reduction <add>, %square3A, %reduce_sum3A_553 [1] : vector<960x128xf32> to vector<960xf32>
    %broadcast_in_dim3A_555 = vector.shape_cast %reduce_sum3A_554 : vector<960xf32> to vector<960x1xf32>
    %div3A_556 = vector.broadcast %sub3A_552 : f32 to vector<960x1xf32>
    %div3A_557 = arith.divf %broadcast_in_dim3A_555, %div3A_556 : vector<960x1xf32>
    %gt3A = arith.constant 0.000000e+00 : f32
    %gt3A_558 = arith.cmpf ogt, %sub3A_552, %gt3A : f32
    %jit3A_559 = arith.constant 0x7FC00000 : f32
    %broadcast_in_dim3A_560 = vector.broadcast %jit3A_559 : f32 to vector<960x1xf32>
    %select_n3A_561 = arith.select %gt3A_558, %div3A_557, %broadcast_in_dim3A_560 : vector<960x1xf32>
    %sub3A_562 = vector.broadcast %div3A_540 : vector<960x1xf32> to vector<960x128xf32>
    %sub3A_563 = arith.subf %add3A_529, %sub3A_562 : vector<960x128xf32>
    %add3A_564 = arith.constant 9.99999974E-6 : f32
    %add3A_565 = vector.broadcast %add3A_564 : f32 to vector<960x1xf32>
    %add3A_566 = arith.addf %select_n3A_561, %add3A_565 : vector<960x1xf32>
    %sqrt3A_567 = math.sqrt %add3A_566 : vector<960x1xf32>
    %div3A_568 = vector.broadcast %sqrt3A_567 : vector<960x1xf32> to vector<960x128xf32>
    %div3A_569 = arith.divf %sub3A_563, %div3A_568 : vector<960x128xf32>
    %mul3A_570 = vector.broadcast %get3A_532 : vector<1x128xf32> to vector<960x128xf32>
    %mul3A_571 = arith.mulf %div3A_569, %mul3A_570 : vector<960x128xf32>
    %add3A_572 = vector.broadcast %get3A_535 : vector<1x128xf32> to vector<960x128xf32>
    %add3A_573 = arith.addf %mul3A_571, %add3A_572 : vector<960x128xf32>
    %swap3A = arith.constant 0 : index
    %swap3A_574 = arith.constant 0 : index
    %swap3A_575 = vector.load %arg11[%swap3A, %swap3A_574] : memref<960x128xf32, #tpu.memory_space<vmem>>, vector<960x128xf32>
    tpu.vector_store %arg11[%swap3A, %swap3A_574], %add3A_573 {strides = array<i32>} : memref<960x128xf32, #tpu.memory_space<vmem>>, vector<960x128xf32>,
    return
  }
  func.func @transform_0(%arg0: i32) -> (i32, i32) {
    %c0_i32 = arith.constant 0 : i32
    %c0_i32_0 = arith.constant 0 : i32
    return %arg0, %c0_i32 : i32, i32
  }
  func.func @transform_1(%arg0: i32) -> (i32, i32) {
    %c0_i32 = arith.constant 0 : i32
    %c0_i32_0 = arith.constant 0 : i32
    return %arg0, %c0_i32 : i32, i32
  }
  func.func @transform_2(%arg0: i32) -> (i32, i32) {
    %c0_i32 = arith.constant 0 : i32
    %c0_i32_0 = arith.constant 0 : i32
    return %arg0, %c0_i32 : i32, i32
  }
  func.func @transform_3(%arg0: i32) -> (i32, i32) {
    %c0_i32 = arith.constant 0 : i32
    %c0_i32_0 = arith.constant 0 : i32
    %c0_i32_1 = arith.constant 0 : i32
    return %c0_i32, %c0_i32_0 : i32, i32
  }
  func.func @transform_4(%arg0: i32) -> (i32, i32) {
    %c0_i32 = arith.constant 0 : i32
    %c0_i32_0 = arith.constant 0 : i32
    %c0_i32_1 = arith.constant 0 : i32
    return %c0_i32, %c0_i32_0 : i32, i32
  }
  func.func @transform_5(%arg0: i32) -> (i32, i32) {
    %c0_i32 = arith.constant 0 : i32
    %c0_i32_0 = arith.constant 0 : i32
    %c0_i32_1 = arith.constant 0 : i32
    return %c0_i32, %c0_i32_0 : i32, i32
  }
  func.func @transform_6(%arg0: i32) -> (i32, i32) {
    %c0_i32 = arith.constant 0 : i32
    %c0_i32_0 = arith.constant 0 : i32
    %c0_i32_1 = arith.constant 0 : i32
    return %c0_i32, %c0_i32_0 : i32, i32
  }
  func.func @transform_7(%arg0: i32) -> (i32, i32) {
    %c0_i32 = arith.constant 0 : i32
    %c0_i32_0 = arith.constant 0 : i32
    %c0_i32_1 = arith.constant 0 : i32
    return %c0_i32, %c0_i32_0 : i32, i32
  }
  func.func @transform_8(%arg0: i32) -> (i32, i32) {
    %c0_i32 = arith.constant 0 : i32
    %c0_i32_0 = arith.constant 0 : i32
    %c0_i32_1 = arith.constant 0 : i32
    return %c0_i32, %c0_i32_0 : i32, i32
  }
  func.func @transform_9(%arg0: i32) -> (i32, i32) {
    %c0_i32 = arith.constant 0 : i32
    %c0_i32_0 = arith.constant 0 : i32
    %c0_i32_1 = arith.constant 0 : i32
    return %c0_i32, %c0_i32_0 : i32, i32
  }
  func.func @transform_10(%arg0: i32) -> (i32, i32) {
    %c0_i32 = arith.constant 0 : i32
    %c0_i32_0 = arith.constant 0 : i32
    return %arg0, %c0_i32 : i32, i32
  }
}

</mosaic_0001>

<sc_bundles>
// kernel: kernel.7.cloned.1.call-start
scs
__scs_entry_jumppad:
0x0: {  	(pc) =	sbr.rel $0x88, $3  }
0x1: {  	(tag) =	ssettag $0x0;
	lr =	simm.s32 $0x1  }
0x2: {  	[smem:$0x3F87] =	sst lr;
	_ =	strace $0xD0000000  }
0x3: {  	_ = 	snop  }
0x4: {  	_ = 	snop  }
0x5: {  	_ = 	snop  }
0x6: {  	_ = 	snop  }
0x7: {  	_ = 	snop  }
__scs_overlays_trampoline_lowered:
0x8: {  	[smem:$0x3F96] =	sst s0  }
0x9: {  	[smem:$0x3F97] =	sst s1  }
0xa: {  	[smem:$0x3F98] =	sst s2  }
0xb: {  	[smem:$0x3F99] =	sst s3  }
0xc: {  	[smem:$0x3F9A] =	sst s4  }
0xd: {  	[smem:$0x3F9B] =	sst s5  }
0xe: {  	[smem:$0x3F9C] =	sst s6  }
0xf: {  	[smem:$0x3F9D] =	sst s7  }
0x10: {  	[smem:$0x3F9E] =	sst s8  }
0x11: {  	[smem:$0x3F9F] =	sst s9;
	s0 =	simm.s32 @!p0 $0x0  }
0x12: {  	s1 =	sld [smem:$0x3F85];
	s0 =	simm.s32 @p0 $0x1  }
0x13: {  	[smem:$0x3FA0] =	sst s0;
	s0 =	simm.s32 @!p1 $0x0  }
0x14: {  	s2 =	sld [smem:$0x3F84];
	s0 =	simm.s32 @p1 $0x1  }
0x15: {  	[smem:$0x3FA1] =	sst s0;
	s0 =	simm.s32 @!p2 $0x0  }
0x16: {  	s3 =	sld [smem:$0x3FDB];
	s0 =	simm.s32 @p2 $0x1  }
0x17: {  	s4 =	simm.s32 $0x1BF5;
	[smem:$0x3FA3] =	sst s0  }
0x18: {  	s0 =	sld [smem:$0x3F86];
	_ =	swait.ge [sflag:s4], $0x0  }
0x19: {  	s7 =	sld [smem:$0x3F87]  }
0x1a: {  	s8 =	sadd.s32 $0xFFFFE003, lr  }
0x1b: {  	s9 =	sadd.s32 $0xFFFFFEF7, lr;
	s5 =	simm.s32 $0xFFFFFFFF;
	p2 =	slt.u32 s8, $0xFFFFF086  }
0x1c: {  	p1 =	slt.u32 s9, $0xF7A;
	s5 =	simm.s32 @!p2 $0x0  }
0x1d: {  	s5 =	simm.s32 @p1 $0x1;
	p0 =	seq.s32 s7, s2  }
0x1e: {  	s7 =	smul.u32 @!p0 $0xF7A, s2;
	p2 =	seq.s32 @!p0 s5, $0x0  }
0x1f: {  	s9 =	smul.u32 $0xF7A, s1;
	s8 =	simm.s32 @!p0 $0x1BF5;
	p2 =	por !p2, p0  }
0x20: {  	[sflag:s8] =	ssyncset.s32 @!p0 $0xFFFFF086;
	s6 =	sadd.s32 @!p0 s3, s7;
	s7 =	simm.s32 @!p0 $0x108  }
0x21: {  	s3 =	sadd.s32 s3, s9;
	s6 =	sadd.s32 @!p0 $0x88, s6;
	s7 =	simm.s32 @p2 $0x1082  }
0x22: {  	[simem:s7], [sflag:s8] =	dma.local @!p0 [hbm:s6], $0xF7A  }
0x23: {  	s9 =	sor.u32 $0xD0000000, s2;
	s6 =	simm.s32 $0x108;
	_ =	swait.ge @!p0 [sflag:s8], $0x0  }
0x24: {  	s3 =	sadd.s32 $0x88, s3;
	s6 =	simm.s32 @!p1 $0x1082;
	[sflag:s4] =	ssyncset.s32 $0xFFFFF086  }
0x25: {  	[simem:s6], [sflag:s4] =	dma.local [hbm:s3], $0xF7A  }
0x26: {  	[smem:$0x3F87] =	sst s1;
	(tag) =	ssettag s2;
	_ =	strace s9  }
0x27: {  	s1 =	sld [smem:$0x3F97]  }
0x28: {  	s2 =	sld [smem:$0x3F98]  }
0x29: {  	s4 =	sld [smem:$0x3F9A]  }
0x2a: {  	p0 =	seq.s32 s5, $0x0;
	s5 =	sld [smem:$0x3F9B]  }
0x2b: {  	s6 =	sld [smem:$0x3F9C]  }
0x2c: {  	s7 =	sld [smem:$0x3F9D]  }
0x2d: {  	s3 =	simm.s32 $0x108;
	s8 =	sld [smem:$0x3F9E]  }
0x2e: {  	s3 =	simm.s32 @!p0 $0x1082;
	s9 =	sld [smem:$0x3F9F]  }
0x2f: {  	lr =	sadd.s32 s0, s3;
	s0 =	sld [smem:$0x3F96]  }
0x30: {  	s3 =	sld [smem:$0x3F99]  }
0x31: {  	[smem:$0x3FA2] =	sst s10  }
0x32: {  	s10 =	sld [smem:$0x3FA0];
	_ =	sdelay $0x3  }
0x33: {  	p0 =	seq.s32 s10, $0x1;
	s10 =	sld [smem:$0x3FA2];
	_ =	sdelay $0x3  }
0x34: {  	[smem:$0x3FA2] =	sst s10  }
0x35: {  	s10 =	sld [smem:$0x3FA1];
	_ =	sdelay $0x3  }
0x36: {  	p1 =	seq.s32 s10, $0x1;
	s10 =	sld [smem:$0x3FA2];
	_ =	sdelay $0x3  }
0x37: {  	[smem:$0x3FA2] =	sst s10  }
0x38: {  	s10 =	sld [smem:$0x3FA3]  }
0x39: {  	_ = 	snop;
	(pc) =	sbr.ind lr, $3  }
0x3a: {  	_ = 	snop  }
0x3b: {  	_ = 	snop  }
0x3c: {  	p2 =	seq.s32 s10, $0x1;
	s10 =	sld [smem:$0x3FA2]  }
0x3d: {  	_ =	shalt  }
0x3e: {  	_ =	shalt  }
0x3f: {  	_ =	shalt  }
0x40: {  	_ =	shalt  }
0x41: {  	_ =	shalt  }
0x42: {  	_ =	shalt  }
0x43: {  	_ =	shalt  }
0x44: {  	_ =	shalt  }
0x45: {  	_ =	shalt  }
0x46: {  	_ =	shalt  }
0x47: {  	_ =	shalt  }
0x48: {  	_ =	shalt  }
0x49: {  	_ =	shalt  }
0x4a: {  	_ =	shalt  }
0x4b: {  	_ =	shalt  }
0x4c: {  	_ =	shalt  }
0x4d: {  	_ =	shalt  }
0x4e: {  	_ =	shalt  }
0x4f: {  	_ =	shalt  }
0x50: {  	_ =	shalt  }
0x51: {  	_ =	shalt  }
0x52: {  	_ =	shalt  }
0x53: {  	_ =	shalt  }
0x54: {  	_ =	shalt  }
0x55: {  	_ =	shalt  }
0x56: {  	_ =	shalt  }
0x57: {  	_ =	shalt  }
0x58: {  	_ =	shalt  }
0x59: {  	_ =	shalt  }
0x5a: {  	_ =	shalt  }
0x5b: {  	_ =	shalt  }
0x5c: {  	_ =	shalt  }
0x5d: {  	_ =	shalt  }
0x5e: {  	_ =	shalt  }
0x5f: {  	_ =	shalt  }
0x60: {  	_ =	shalt  }
0x61: {  	_ =	shalt  }
0x62: {  	_ =	shalt  }
0x63: {  	_ =	shalt  }
0x64: {  	_ =	shalt  }
0x65: {  	_ =	shalt  }
0x66: {  	_ =	shalt  }
0x67: {  	_ =	shalt  }
0x68: {  	_ =	shalt  }
0x69: {  	_ =	shalt  }
0x6a: {  	_ =	shalt  }
0x6b: {  	_ =	shalt  }
0x6c: {  	_ =	shalt  }
0x6d: {  	_ =	shalt  }
0x6e: {  	_ =	shalt  }
0x6f: {  	_ =	shalt  }
0x70: {  	_ =	shalt  }
0x71: {  	_ =	shalt  }
0x72: {  	_ =	shalt  }
0x73: {  	_ =	shalt  }
0x74: {  	_ =	shalt  }
0x75: {  	_ =	shalt  }
0x76: {  	_ =	shalt  }
0x77: {  	_ =	shalt  }
0x78: {  	_ =	shalt  }
0x79: {  	_ =	shalt  }
0x7a: {  	_ =	shalt  }
0x7b: {  	_ =	shalt  }
0x7c: {  	_ =	shalt  }
0x7d: {  	_ =	shalt  }
0x7e: {  	_ =	shalt  }
0x7f: {  	_ =	shalt  }
0x80: {  	_ =	shalt  }
0x81: {  	_ =	shalt  }
0x82: {  	_ =	shalt  }
0x83: {  	_ =	shalt  }
0x84: {  	_ =	shalt  }
0x85: {  	_ =	shalt  }
0x86: {  	_ =	shalt  }
0x87: {  	_ =	shalt  }
.Lfunc_end0:
.L_simem_size_0:
called_computation.1_lowered:
.L_overlay_start_0:
0x88: {  	s2 =	sld [smem:$0x3FD9]  }
0x89: {  	s3 =	sld [smem:$0x3FFE];
	_ =	sdelay $0x1  }
0x8a: {  	s1 =	srdreg.scid  }
0x8b: {  	s0 =	sand.u32 $0x1, s1  }
0x8c: {  	s16 =	sshll.u32 s0, $0xA;
	s2 =	sadd.s32 s3, s2  }
0x8d: {  	s2 =	sadd.s32 s2, s16  }
0x8e: {  	[smem:$0x3FAE] =	sst s2  }
0x8f: {  	_ = 	snop  }
0x90: {  	(tm) =	ssettm $0x1  }
0x91: {  	s17 =	sld [smem:$0x3FFB];
	_ =	sdelay $0x3  }
0x92: {  	_ =	strace s17  }
0x93: {  	s2 =	sld [smem:$0x3FFC];
	_ =	sdelay $0x3  }
0x94: {  	_ =	strace s2  }
0x95: {  	s2 =	sld [smem:$0x3FFD];
	_ =	sdelay $0x3  }
0x96: {  	_ =	strace s2  }
0x97: {  	_ =	strace $0x8FFFFFFF  }
0x98: {  	s18 =	sld [smem:$0x3FDB];
	_ =	sdelay $0x1  }
0x99: {  	s19 =	simm.s32 $_scs_section_size  }
0x9a: {  	s4 =	simm.s32 $_size__tile_overlayer_lowered;
	s5 =	simm.s32 $_tile_overlayer_lowered  }
0x9b: {  	s22 =	simm.s32 $0x1BFF;
	s21 =	sshll.u32 s5, $0x1;
	s2 =	sadd.s32 s19, s18  }
0x9c: {  	s6 =	simm.s32 $0x0;
	s20 =	sshll.u32 s4, $0x1;
	s4 =	sadd.s32 s21, s2  }
0x9d: {  	[timem:s6], [sflag:s22] =	dma.local [hbm:s4], s20  }
0x9e: {  	_ =	swait.ge [sflag:s22], s20  }
0x9f: {  	s3 =	ssub.s32 $0x0, s20;
	[sflag:s22] =	ssyncset.done $0x0  }
0xa0: {  	[sflag:s22] =	ssyncadd.s32 s3;
	_ =	sdelay $0x1  }
0xa1: {  	s23 =	simm.s32 $0x1B8B  }
0xa2: {  	_ =	swait.ge [sflag:s23], $0x1  }
0xa3: {  	[sflag:s23] =	ssyncset.done $0x0  }
0xa4: {  	s25 =	simm.s32 $0x1B8E;
	s24 =	sld [smem:$0x3FFE];
	[sflag:s23] =	ssyncadd.s32 $0xFFFFFFFF  }
0xa5: {  	s26 =	simm.s32 $execute0_lowered;
	[smem:$0x3FD2] =	sst s25  }
0xa6: {  	s4 =	sshll.u32 s26, $0x1;
	_ =	strace $0x80000046;
	[dreg:$0x1] =	wrdreg $0xFFFFFFFF  }
0xa7: {  	s28 =	simm.s32 $_size_execute0_lowered;
	s2 =	sadd.s32 s2, s4;
	[dreg:$0x0] =	wrdreg $0x0  }
0xa8: {  	s4 =	sshll.u32 s28, $0x1;
	[dreg:$0x2] =	wrdreg s2  }
0xa9: {  	[dreg:$0x3] =	wrdreg s4  }
0xaa: {  	[dreg:$0x4] =	wrdreg $0xC0  }
0xab: {  	_ =	task [dreg:s6], $0x5FFFF  }
0xac: {  	[dreg:$0x1] =	wrdreg $0xFFFFFFFF  }
0xad: {  	[dreg:$0x0] =	wrdreg $0x60  }
0xae: {  	[dreg:$0x2] =	wrdreg s24  }
0xaf: {  	[dreg:$0x3] =	wrdreg $0xA  }
0xb0: {  	_ =	task.clear_ibuf [dreg:s6], $0x4FFFF;
	_ =	strace $0x90000046  }
0xb1: {  	s29 =	simm.s32 $0xA;
	_ =	strace $0x80000048  }
0xb2: {  	_ =	swait.ge [sflag:s29], $0x1  }
0xb3: {  	[sflag:s29] =	ssyncadd.s32 $0xFFFFFFFF  }
0xb4: {  	_ =	strace $0x90000048  }
0xb5: {  	_ =	sfence  }
0xb6: {  	s30 =	sld [smem:$0x0];
	_ =	sdelay $0x2  }
0xb7: {  	s31 =	sshll.u32 s1, $0xD;
	s1 =	sshrl.u32 s1, $0x2  }
0xb8: {  	s3 =	sand.u32 $0x4000, s31;
	s1 =	sadd.s32 s1, s30  }
0xb9: {  	s0 =	sor.u32 s3, s0;
	s1 =	sshll.u32 s1, $0x11  }
0xba: {  	s0 =	sor.u32 s1, s0  }
0xbb: {  	s0 =	sadd.s32 $0x8F2B, s0  }
0xbc: {  	[sflag:s0] =	ssyncadd.remote.s32 $0x1  }
0xbd: {  	_ =	sfence.sel $0xFFFF  }
0xbe: {  	[dreg:$0x0] =	wrdreg $0xFFFFFFFF;
	(pc) =	sbr.abs _section_cstart, $3  }
0xbf: {  	[dreg:$0x1] =	wrdreg $0xFFFFFFFF  }
0xc0: {  	_ =	task.clear_ibuf [dreg:s6], $0x2FFFF;
	_ =	strace $0x9FFFFFFF  }
0xc1: {  	(tm) =	ssettm $0x7FFFFFFF  }
tec
execute0_lowered:
.L_overlay_start_1:
0x0: {  	(tag) =	ssettag $0x1  }
0x1: {  	s1 =	srdreg.scid;
	s0 =	stileid.u32  }
0x2: {  	s6 =	sand.u32 $0x1, s1;
	s30 =	sshll.u32 s0, $0x1  }
0x3: {  	s8 =	rddreg [dreg:$0x0];
	s7 =	sor.u32 s6, s30  }
0x4: {  	s2 =	simm.s32 $0x0;
	s1 =	rddreg [dreg:$0x1];
	s3 =	smul.u32 $0xF0, s7  }
0x5: {  	[smem:$0x7FF] =	sst s2;
	s5 =	sadd.s32 $0x16000, s8  }
0x6: {  	_ =	strace $0x80000047;
	s10 =	ssub.s32 $0x2, s6;
	s3 =	sadd.s32 s3, s8  }
0x7: {  	s6 =	simm.s32 $0x780;
	s4 =	sadd.s32 $0x18000, s3;
	s3 =	simm.s32 $0x2  }
0x8: {  	[tilespmem:s2], [sflag:$0x2] =	stream.linear.gather [hbm4b:s4+s2], $0x780, $0x38;
	[tilespmem:$0xF780] =	vst v63  }
0x9: {  	s9 =	smul.u32 $0x1E00, s7;
	s11 =	sshrl.u32 s10, $0x1;
	_ =	swait.ge [sflag:s3], $0x780  }
0xa: {  	s7 =	simm.s32 $0x1;
	s31 =	ssub.s32 s10, s11;
	[sflag:s3] =	ssyncset.done $0x0  }
0xb: {  	s8 =	sadd.s32 s9, s8;
	s9 =	smax.u32 s31, $0x1;
	[sflag:s3] =	ssyncadd.s32 $0xFFFFF880  }
0xc: {  	[tilespmem:s6], [sflag:$0x1] =	stream.indirect.gather [hbm4b:s5+s6], $0x20, s2, s6, $0xb8;
	[tilespmem:$0xF780] =	vst v63  }
0xd: {  	p0 =	sne.s32 s9, $0x1;
	_ =	swait.ge [sflag:s7], $0xF000  }
.Ltmp0:
0xe: {  	[sflag:s7] =	ssyncset.done $0x0;
	(pc) =	sbr.rel @!p0 .LBB2_2-.Ltmp0, $4  }
0xf: {  	s8 =	sadd.s32 $0x19E00, s8;
	[sflag:s7] =	ssyncadd.s32 $0xFFFF1000  }
0x10: {  	[hbm4b:s8+s2] =	stream.linear.scatter [tilespmem:s6], [sflag:$0x2], $0xF000, $0x38;
	[tilespmem:$0xF780] =	vst v63  }
0x11: {  	_ =	swait.ge [sflag:s3], $0xF000  }
0x12: {  	s9 =	sadd.s32 $0xFFFFFFFF, s9;
	[sflag:s3] =	ssyncset.done $0x0  }
.LBB2_1:
0x13: {  	p0 =	sne.s32 s9, $0x1;
	s9 =	sadd.s32 $0xFFFFFFFF, s9;
	[sflag:s3] =	ssyncadd.s32 $0xFFFF1000  }
0x14: {  	[tilespmem:s2], [sflag:$0x2] =	stream.linear.gather [hbm4b:s4+s2], $0x780, $0x38;
	[tilespmem:$0xF780] =	vst v63  }
0x15: {  	_ =	swait.ge [sflag:s3], $0x780  }
0x16: {  	[sflag:s3] =	ssyncset.done $0x0  }
0x17: {  	[sflag:s3] =	ssyncadd.s32 $0xFFFFF880  }
0x18: {  	[tilespmem:s6], [sflag:$0x1] =	stream.indirect.gather [hbm4b:s5+s6], $0x20, s2, s6, $0xb8;
	[tilespmem:$0xF780] =	vst v63  }
0x19: {  	_ =	swait.ge [sflag:s7], $0xF000  }
.Ltmp1:
0x1a: {  	[sflag:s7] =	ssyncset.done $0x0;
	(pc) =	sbr.rel @p0 .LBB2_1-.Ltmp1, $4  }
0x1b: {  	[sflag:s7] =	ssyncadd.s32 $0xFFFF1000  }
0x1c: {  	[hbm4b:s8+s2] =	stream.linear.scatter [tilespmem:s6], [sflag:$0x2], $0xF000, $0x38;
	[tilespmem:$0xF780] =	vst v63  }
0x1d: {  	_ =	swait.ge [sflag:s3], $0xF000  }
0x1e: {  	[sflag:s3] =	ssyncset.done $0x0  }
.LBB2_2:
0x1f: {  	[sflag:s3] =	ssyncadd.s32 $0xFFFF1000  }
0x20: {  	_ =	sfence.sel $0x180000  }
0x21: {  	[bflag:$0x0] =	sbarrier.arrive $0xFFFF  }
0x22: {  	p0 =	sne.s32 s0, $0x0;
	_ =	strace $0x90000047  }
0x23: {  	s0 =	sadd.s32 @!p0 $0x100000, s1;
	[bflag:$0x2] =	sbarrier.arrive $0xFFFF  }
0x24: {  	[sflag:s0] =	ssyncadd.tile.s32 @!p0 $0x1;
	_ =	shalt  }
.Lfunc_end2:
_tile_overlayer_lowered:
.L_overlay_start_2:
0x25: {  	(tag) =	ssettag $0x2  }
0x26: {  	s0 =	rddreg [dreg:$0x0];
	s2 =	stileid.u32  }
0x27: {  	s1 =	rddreg [dreg:$0x1];
	p0 =	sne.s32 s2, $0x0  }
0x28: {  	s3 =	rddreg [dreg:$0x2];
	[bflag:$0x3] =	sbarrier.arrive $0xFFFF;
	s2 =	simm.s32 @!p0 $0x1C02  }
0x29: {  	[timem:s3], [sflag:s2] =	dma.local @!p0 [hbm:s0], s1  }
0x2a: {  	s0 =	simm.s32 @!p0 $0x2  }
0x2b: {  	_ =	swait.ge @!p0 [sflag:s0], s1  }
0x2c: {  	s1 =	ssub.s32 @!p0 $0x0, s1;
	[sflag:s0] =	ssyncset.done @!p0 $0x0  }
0x2d: {  	[sflag:s0] =	ssyncadd.s32 @!p0 s1  }
0x2e: {  	[bflag:$0x3] =	sbarrier.arrive $0xFFFF  }
0x2f: {  	_ =	shalt  }

// kernel: sparse-core-data-format-call.cloned.1.call-start
scs
called_computation_lowered:
.L_overlay_start_0:
0x0: {  	s2 =	sld [smem:$0x3FD9]  }
0x1: {  	s3 =	sld [smem:$0x3FFE];
	_ =	sdelay $0x1  }
0x2: {  	s1 =	srdreg.scid  }
0x3: {  	s0 =	sand.u32 $0x1, s1  }
0x4: {  	s16 =	sshll.u32 s0, $0xA;
	s2 =	sadd.s32 s3, s2  }
0x5: {  	s2 =	sadd.s32 s2, s16  }
0x6: {  	[smem:$0x3FAE] =	sst s2  }
0x7: {  	_ = 	snop  }
0x8: {  	s2 =	sld [smem:$0x3FD0];
	_ =	sdelay $0x2  }
0x9: {  	s17 =	simm.s32 $0xB;
	s4 =	simm.s32 $0x10  }
0xa: {  	[smem:s4], [sflag:s17] =	dma.local [hbm:s2], $0x1  }
0xb: {  	_ =	swait.eq [sflag:s17], $0x1  }
0xc: {  	[sflag:s17] =	ssyncset.done $0x0  }
0xd: {  	[sflag:s17] =	ssyncadd.s32 $0xFFFFFFFF  }
0xe: {  	s18 =	sld [smem:$0x14];
	(tm) =	ssettm $0x1  }
0xf: {  	s19 =	sld [smem:$0x3FFB];
	_ =	sdelay $0x3  }
0x10: {  	_ =	strace s19  }
0x11: {  	s2 =	sld [smem:$0x3FFC];
	_ =	sdelay $0x3  }
0x12: {  	_ =	strace s2  }
0x13: {  	s2 =	sld [smem:$0x3FFD];
	_ =	sdelay $0x3  }
0x14: {  	_ =	strace s2  }
0x15: {  	_ =	strace $0x8FFFFFFF  }
0x16: {  	s20 =	sld [smem:$0x3FDB];
	_ =	sdelay $0x1  }
0x17: {  	s21 =	simm.s32 $_scs_section_size  }
0x18: {  	s5 =	simm.s32 $_size__tile_overlayer_lowered;
	s6 =	simm.s32 $_tile_overlayer_lowered  }
0x19: {  	s7 =	simm.s32 $0x1BFF;
	s22 =	sshll.u32 s6, $0x1;
	s4 =	sadd.s32 s21, s20  }
0x1a: {  	s23 =	simm.s32 $0x0;
	s5 =	sshll.u32 s5, $0x1;
	s6 =	sadd.s32 s22, s4  }
0x1b: {  	[timem:s23], [sflag:s7] =	dma.local [hbm:s6], s5  }
0x1c: {  	_ =	swait.ge [sflag:s7], s5  }
0x1d: {  	s5 =	ssub.s32 $0x0, s5;
	[sflag:s7] =	ssyncset.done $0x0  }
0x1e: {  	[sflag:s7] =	ssyncadd.s32 s5;
	_ =	sdelay $0x1  }
0x1f: {  	s24 =	simm.s32 $0x1B8B  }
0x20: {  	_ =	swait.ge [sflag:s24], $0x1  }
0x21: {  	[sflag:s24] =	ssyncset.done $0x0  }
0x22: {  	[sflag:s24] =	ssyncadd.s32 $0xFFFFFFFF  }
0x23: {  	s5 =	sld [smem:$0x0]  }
0x24: {  	s6 =	sand.u32 $0xFFFFFFFE, s1  }
0x25: {  	p0 =	sne.s32 s1, s6  }
0x26: {  	s6 =	sshll.u32 @p0 s6, $0xE  }
0x27: {  	s6 =	sadd.s32 @p0 $0x11B8D, s6;
	s7 =	sshll.u32 @p0 s5, $0x11  }
0x28: {  	s6 =	sor.u32 @p0 s7, s6  }
0x29: {  	[sflag:s6] =	ssyncadd.remote.s32 @p0 $0x1;
	_ =	sdelay $0x1  }
0x2a: {  	s6 =	simm.s32 @p0 $0x1B8D  }
0x2b: {  	_ =	swait.eq @p0 [sflag:s6], $0x1  }
0x2c: {  	[sflag:s6] =	ssyncadd.s32 @p0 $0xFFFFFFFF  }
0x2d: {  	s7 =	sshll.u32 @!p0 s1, $0xE  }
0x2e: {  	s7 =	sor.u32 @!p0 $0x4000, s7;
	s6 =	simm.s32 @!p0 $0x1B8D  }
0x2f: {  	s5 =	sshll.u32 @!p0 s5, $0x11;
	s7 =	sadd.s32 @!p0 $0x11B8D, s7;
	_ =	swait.eq @!p0 [sflag:s6], $0x1  }
0x30: {  	s5 =	sor.u32 @!p0 s5, s7;
	[sflag:s6] =	ssyncadd.s32 @!p0 $0xFFFFFFFF  }
0x31: {  	s26 =	simm.s32 $0x1B8E;
	s25 =	sld [smem:$0x3FFE];
	[sflag:s5] =	ssyncadd.remote.s32 @!p0 $0x1  }
0x32: {  	s27 =	simm.s32 $execute0_lowered;
	[smem:$0x3FD2] =	sst s26  }
0x33: {  	s6 =	sshll.u32 s27, $0x1;
	_ =	strace $0x80000049;
	[dreg:$0x1] =	wrdreg $0xFFFFFFFF  }
0x34: {  	s28 =	simm.s32 $_size_execute0_lowered;
	s4 =	sadd.s32 s4, s6;
	[dreg:$0x0] =	wrdreg $0x0  }
0x35: {  	s6 =	sshll.u32 s28, $0x1;
	[dreg:$0x2] =	wrdreg s4  }
0x36: {  	[dreg:$0x3] =	wrdreg s6  }
0x37: {  	[dreg:$0x4] =	wrdreg $0xC0  }
0x38: {  	_ =	task [dreg:s23], $0x5FFFF  }
0x39: {  	[dreg:$0x1] =	wrdreg $0xFFFFFFFF  }
0x3a: {  	[dreg:$0x0] =	wrdreg $0x60  }
0x3b: {  	[dreg:$0x2] =	wrdreg s25  }
0x3c: {  	[dreg:$0x3] =	wrdreg s18  }
0x3d: {  	[dreg:$0x4] =	wrdreg $0x9  }
0x3e: {  	_ =	task.clear_ibuf [dreg:s23], $0x5FFFF;
	_ =	strace $0x90000049  }
0x3f: {  	s29 =	simm.s32 $0x9;
	_ =	strace $0x8000004B  }
0x40: {  	_ =	swait.ge [sflag:s29], $0x1  }
0x41: {  	[sflag:s29] =	ssyncadd.s32 $0xFFFFFFFF  }
0x42: {  	_ =	strace $0x9000004B  }
0x43: {  	_ =	sfence  }
0x44: {  	s30 =	sld [smem:$0x0];
	_ =	sdelay $0x2  }
0x45: {  	s31 =	sshll.u32 s1, $0xD;
	s1 =	sshrl.u32 s1, $0x2  }
0x46: {  	s4 =	sand.u32 $0x4000, s31;
	s1 =	sadd.s32 s1, s30  }
0x47: {  	s0 =	sor.u32 s4, s0;
	s1 =	sshll.u32 s1, $0x11  }
0x48: {  	s0 =	sor.u32 s1, s0  }
0x49: {  	s0 =	sadd.s32 $0x8F2B, s0  }
0x4a: {  	[sflag:s0] =	ssyncadd.remote.s32 $0x1  }
0x4b: {  	_ =	sfence.sel $0xFFFF  }
0x4c: {  	[dreg:$0x0] =	wrdreg $0xFFFFFFFF;
	(pc) =	sbr.abs _section_cstart, $3  }
0x4d: {  	[dreg:$0x1] =	wrdreg $0xFFFFFFFF  }
0x4e: {  	_ =	task.clear_ibuf [dreg:s23], $0x2FFFF;
	_ =	strace $0x9FFFFFFF  }
0x4f: {  	(tm) =	ssettm $0x7FFFFFFF  }
tec
execute0_lowered:
.L_overlay_start_1:
0x0: {  	(tag) =	ssettag $0x1  }
0x1: {  	s1 =	rddreg [dreg:$0x0]  }
0x2: {  	s2 =	rddreg [dreg:$0x1]  }
0x3: {  	s0 =	rddreg [dreg:$0x2];
	_ =	strace $0x8000004A;
	s4 =	srdreg.scid  }
.Ltmp0:
0x4: {  	s6 =	simm.s32 $0x2;
	p0 =	por $0x0, $0x0;
	(pc) =	sbr.rel .LBB1_1-.Ltmp0, $4  }
0x5: {  	s9 =	simm.s32 $0x0;
	s3 =	sadd.s32 $0x55E00, s1;
	s5 =	sshll.u32 s4, $0x4  }
0x6: {  	s1 =	stileid.u32;
	s4 =	simm.s32 $0x1;
	s5 =	sand.u32 $0x10, s5  }
0x7: {  	s7 =	simm.s32 $0x0;
	[sflag:s4] =	ssyncpa.u1 $0x0;
	s5 =	sor.u32 s1, s5  }
0x8: {  	[sflag:s6] =	ssyncpa.u1 $0x0;
	s6 =	simm.s32 $0x0;
	s8 =	smov.u32 s5  }
.LBB1_7:
0x9: {  	s11 =	sadd.s32 $0x20, s8  }
0xa: {  	p1 =	slt.u32 s7, $0x2;
	s7 =	sadd.s32 $0x1, s7;
	p2 =	sgt.s32 s11, $0xFFF  }
0xb: {  	s11 =	smov.u32 @p2 s5;
	p2 =	sne.s32 s7, $0x82  }
.Ltmp1:
0xc: {  	_ = 	snop;
	(pc) =	sbr.rel @!p2 .LBB1_8-.Ltmp1, $4  }
0xd: {  	s10 =	simm.s32 @!p1 $0x2  }
0xe: {  	_ =	swait.ge @!p1 [sflag:s10], $0x4000  }
0xf: {  	s9 =	smov.u32 s8;
	[sflag:s10] =	ssyncset.done @!p1 $0x0  }
0x10: {  	p0 =	por !p0, !p0;
	s8 =	smov.u32 s11;
	[sflag:s10] =	ssyncadd.s32 @!p1 $0xFFFFC000  }
.LBB1_1:
0x11: {  	p1 =	sgt.u32 s7, $0x7F  }
0x12: {  	s10 =	sxor.u32 @!p1 $0xFFFFFFFF, s7  }
0x13: {  	s11 =	sshll.u32 @!p1 s8, $0xB;
	s10 =	sshll.u32 @!p1 s10, $0xE  }
0x14: {  	s12 =	simm.s32 @!p1 $0x0;
	s11 =	sadd.s32 @!p1 s3, s11;
	s10 =	sand.u32 @!p1 $0x4000, s10  }
0x15: {  	[tilespmem:s10], [sflag:$0x1] =	stream.linear.gather @!p1 [hbm4b:s11+s12], $0x4000, $0x38;
	[tilespmem:$0x10000] =	vst v63  }
0x16: {  	p1 =	seq.s32 s7, $0x0  }
0x17: {  	p2 =	seq.s32 @!p1 s7, $0x81  }
0x18: {  	p1 =	por p1, p2  }
.Ltmp2:
0x19: {  	_ = 	snop;
	(pc) =	sbr.rel @p1 .LBB1_7-.Ltmp2, $1  }
0x1a: {  	_ =	sdelay $0x3  }
0x1b: {  	s10 =	simm.s32 $0x1;
	_ =	swait.ge [sflag:s4], $0x4000;
	s12 =	sshll.u32 s7, $0xE  }
0x1c: {  	s13 =	simm.s32 $0x0;
	s10 =	simm.s32 @!p0 $0x0;
	[sflag:s4] =	ssyncset.done $0x0  }
0x1d: {  	s12 =	sand.u32 $0x4000, s12;
	s11 =	sshll.u32 s10, $0xE;
	[sflag:s4] =	ssyncadd.s32 $0xFFFFC000  }
0x1e: {  	s12 =	sor.u32 $0x8000, s12;
	s10 =	sor.u32 $0x8040, s11;
	s11 =	sor.u32 $0x40, s11  }
.LBB1_3:
0x1f: {  	v0 =	vmov s11;
	_ =	sdelay $0x3  }
0x20: {  	s15 =	simm.s32 $0x0  }
0x21: {  	v6 =	vld.idx.msk [tilespmem:v0+s15+$0x30 ss:$0x1], $0xffff  }
0x22: {  	v7 =	vld.idx.msk [tilespmem:v0+s15+$0xFFFFFFC0 ss:$0x1], $0xffff  }
0x23: {  	v5 =	vld.idx.msk [tilespmem:v0+s15+$0xFFFFFFD0 ss:$0x1], $0xffff  }
0x24: {  	v4 =	vld.idx.msk [tilespmem:v0+s15+$0xFFFFFFE0 ss:$0x1], $0xffff  }
0x25: {  	v3 =	vld.idx.msk [tilespmem:v0+s15+$0xFFFFFFF0 ss:$0x1], $0xffff  }
0x26: {  	v1 =	vld.idx.msk [tilespmem:v0+s15+$0x0 ss:$0x1], $0xffff  }
0x27: {  	v2 =	vld.idx.msk [tilespmem:v0+s15+$0x10 ss:$0x1], $0xffff;
	[tilespmem:s10+$0x30] =	vst v6  }
0x28: {  	s14 =	simm.s32 $0x80;
	s16 =	simm.s32 $0x400;
	[tilespmem:s10+$0xFFFFFFC0] =	vst v7;
	v6 =	vld.idx.msk [tilespmem:v0+s15+$0x20 ss:$0x1], $0xffff;
	s15 =	smov.u32 s10  }
.LBB1_4:
0x29: {  	p1 =	sne.s32 s16, $0xE00;
	v7 =	vld.idx.msk [tilespmem:v0+s14+$0x30 ss:$0x1], $0xffff;
	[tilespmem:s15+$0xFFFFFFD0] =	vst v5  }
0x2a: {  	v8 =	vld.idx.msk [tilespmem:v0+s14+$0xFFFFFFC0 ss:$0x1], $0xffff;
	[tilespmem:s15+$0xFFFFFFE0] =	vst v4  }
0x2b: {  	v5 =	vld.idx.msk [tilespmem:v0+s14+$0xFFFFFFD0 ss:$0x1], $0xffff;
	[tilespmem:s15+$0xFFFFFFF0] =	vst v3  }
.Ltmp3:
0x2c: {  	v4 =	vld.idx.msk [tilespmem:v0+s14+$0xFFFFFFE0 ss:$0x1], $0xffff;
	[tilespmem:s15+$0x0] =	vst v1;
	(pc) =	sbr.rel @p1 .LBB1_4-.Ltmp3, $4  }
0x2d: {  	v3 =	vld.idx.msk [tilespmem:v0+s14+$0xFFFFFFF0 ss:$0x1], $0xffff;
	[tilespmem:s15+$0x10] =	vst v2  }
0x2e: {  	v1 =	vld.idx.msk [tilespmem:v0+s14+$0x0 ss:$0x1], $0xffff;
	[tilespmem:s15+$0x20] =	vst v6;
	s15 =	sadd.s32 $0x800, s15  }
0x2f: {  	v2 =	vld.idx.msk [tilespmem:v0+s14+$0x10 ss:$0x1], $0xffff;
	[tilespmem:s15+$0x30] =	vst v7  }
0x30: {  	[tilespmem:s15+$0xFFFFFFC0] =	vst v8;
	v6 =	vld.idx.msk [tilespmem:v0+s14+$0x20 ss:$0x1], $0xffff;
	s14 =	sshra.s32 s16, $0x2;
	s16 =	sadd.s32 $0x200, s16  }
0x31: {  	_ =	sdelay $0x2  }
0x32: {  	[tilespmem:s15+$0xFFFFFFD0] =	vst v5  }
0x33: {  	v56 =	vld.idx.msk [tilespmem:v0+s14+$0x30 ss:$0x1], $0xffff;
	[tilespmem:s15+$0xFFFFFFE0] =	vst v4  }
0x34: {  	v57 =	vld.idx.msk [tilespmem:v0+s14+$0xFFFFFFC0 ss:$0x1], $0xffff;
	[tilespmem:s15+$0xFFFFFFF0] =	vst v3  }
0x35: {  	v58 =	vld.idx.msk [tilespmem:v0+s14+$0xFFFFFFD0 ss:$0x1], $0xffff;
	[tilespmem:s15+$0x0] =	vst v1  }
0x36: {  	v59 =	vld.idx.msk [tilespmem:v0+s14+$0xFFFFFFE0 ss:$0x1], $0xffff;
	[tilespmem:s15+$0x10] =	vst v2  }
0x37: {  	v60 =	vld.idx.msk [tilespmem:v0+s14+$0xFFFFFFF0 ss:$0x1], $0xffff;
	s31 =	sadd.s32 $0x800, s15;
	[tilespmem:s15+$0x20] =	vst v6  }
0x38: {  	v61 =	vld.idx.msk [tilespmem:v0+s14+$0x0 ss:$0x1], $0xffff;
	[tilespmem:s31+$0x30] =	vst v56  }
0x39: {  	v62 =	vld.idx.msk [tilespmem:v0+s14+$0x10 ss:$0x1], $0xffff;
	s13 =	sadd.s32 $0x1, s13;
	[tilespmem:s31+$0xFFFFFFC0] =	vst v57  }
0x3a: {  	v63 =	vld.idx.msk [tilespmem:v0+s14+$0x20 ss:$0x1], $0xffff;
	p1 =	sne.s32 s13, $0x10;
	[tilespmem:s31+$0xFFFFFFD0] =	vst v58  }
.Ltmp4:
0x3b: {  	[tilespmem:s31+$0xFFFFFFE0] =	vst v59;
	(pc) =	sbr.rel @p1 .LBB1_3-.Ltmp4, $4  }
0x3c: {  	[tilespmem:s31+$0xFFFFFFF0] =	vst v60  }
0x3d: {  	[tilespmem:s31+$0x0] =	vst v61  }
0x3e: {  	[tilespmem:s31+$0x10] =	vst v62  }
0x3f: {  	s10 =	sadd.s32 $0x80, s10;
	s11 =	sadd.s32 $0x400, s11;
	[tilespmem:s31+$0x20] =	vst v63  }
.Ltmp5:
0x40: {  	(pc) =	sbr.rel .LBB1_7-.Ltmp5, $4  }
0x41: {  	_ = 	snop  }
0x42: {  	s9 =	sshll.u32 s9, $0xB  }
0x43: {  	s9 =	sadd.s32 s2, s9  }
0x44: {  	[hbm4b:s9+s6] =	stream.linear.scatter [tilespmem:s12], [sflag:$0x2], $0x4000, $0x38;
	[tilespmem:$0x10000] =	vst v63  }
.LBB1_8:
0x45: {  	_ =	sfence.sel $0x180000  }
0x46: {  	s2 =	simm.s32 $0x1;
	[bflag:$0x0] =	sbarrier.arrive $0xFFFF  }
0x47: {  	s31 =	simm.s32 $0x2;
	[sflag:s2] =	ssyncpa.u1 $0x1  }
0x48: {  	[sflag:s31] =	ssyncpa.u1 $0x1  }
0x49: {  	p0 =	sne.s32 s1, $0x0;
	_ =	strace $0x9000004A  }
0x4a: {  	s0 =	sadd.s32 @!p0 $0x100000, s0;
	[bflag:$0x2] =	sbarrier.arrive $0xFFFF  }
0x4b: {  	[sflag:s0] =	ssyncadd.tile.s32 @!p0 $0x1;
	_ =	shalt  }
.Lfunc_end1:
_tile_overlayer_lowered:
.L_overlay_start_2:
0x4c: {  	(tag) =	ssettag $0x2  }
0x4d: {  	s0 =	rddreg [dreg:$0x0];
	s2 =	stileid.u32  }
0x4e: {  	s1 =	rddreg [dreg:$0x1];
	p0 =	sne.s32 s2, $0x0  }
0x4f: {  	s3 =	rddreg [dreg:$0x2];
	[bflag:$0x3] =	sbarrier.arrive $0xFFFF;
	s2 =	simm.s32 @!p0 $0x1C01  }
0x50: {  	[timem:s3], [sflag:s2] =	dma.local @!p0 [hbm:s0], s1  }
0x51: {  	s0 =	simm.s32 @!p0 $0x1  }
0x52: {  	_ =	swait.ge @!p0 [sflag:s0], s1  }
0x53: {  	s1 =	ssub.s32 @!p0 $0x0, s1;
	[sflag:s0] =	ssyncset.done @!p0 $0x0  }
0x54: {  	[sflag:s0] =	ssyncadd.s32 @!p0 s1  }
0x55: {  	[bflag:$0x3] =	sbarrier.arrive $0xFFFF  }
0x56: {  	_ =	shalt  }

</sc_bundles>
